<compile_context>
chip_gen: v7x
topology: tpu7x:2x2x1
jax: 0.10.2.dev20260603
libtpu: 0.0.44.dev20260713+nightly
codegen_flags: <defaults>
</compile_context>

<pallas_src>
import functools

import jax
import jax.numpy as jnp
from jax import lax
from jax.experimental import pallas as pl
from jax.experimental.pallas import tpu as pltpu
from jax.experimental.pallas import tpu_sc as plsc

_CONF = 0.25
_IOU = 0.45
_MAXWH = 4096.0
_MAXDET = 300
_B = 4
_N = 20000
_NC = 80
_F = 85
_W = 96
_CH = 512
_K = 1024
_NPAD = 20480
_KPAD = 304
_OUTW = 16
_PREP_ROWS = 2000


def _prep_body(x_ref, xp_ref, score_ref):
    xb = x_ref[...]
    conf0 = xb[:, 4:5]
    cls = xb[:, 5:_F] * conf0
    conf = jnp.max(cls, axis=1, keepdims=True)
    valid = (conf0 > _CONF) & (conf > _CONF)
    score = jnp.where(valid, conf, -jnp.inf)
    pad = jnp.zeros((_PREP_ROWS, _W - _F - 1), jnp.float32)
    xp_ref[...] = jnp.concatenate([xb, score, pad], axis=1)
    score_ref[...] = score.reshape(1, 1, _PREP_ROWS)


def _prep(flat):
    nblk = _B * _N // _PREP_ROWS
    return pl.pallas_call(
        _prep_body,
        grid=(nblk,),
        in_specs=[pl.BlockSpec((_PREP_ROWS, _F), lambda i: (i, 0))],
        out_specs=[
            pl.BlockSpec((_PREP_ROWS, _W), lambda i: (i, 0)),
            pl.BlockSpec((1, 1, _PREP_ROWS), lambda i: (i, 0, 0)),
        ],
        out_shape=[
            jax.ShapeDtypeStruct((_B * _N, _W), jnp.float32),
            jax.ShapeDtypeStruct((nblk, 1, _PREP_ROWS), jnp.float32),
        ],
    )(flat)


_SC_MESH = plsc.VectorSubcoreMesh(core_axis_name="c", subcore_axis_name="s")


def _make_nms(npad, nlimit):
    nchunks = npad // _CH

    @functools.partial(
        pl.kernel,
        out_type=jax.ShapeDtypeStruct((_B, _KPAD * _OUTW), jnp.float32),
        mesh=_SC_MESH,
        scratch_types=[
            pltpu.VMEM((npad,), jnp.int32),
            pltpu.VMEM((_CH, _W), jnp.float32),
            pltpu.VMEM((_KPAD,), jnp.float32),
            pltpu.VMEM((_KPAD,), jnp.float32),
            pltpu.VMEM((_KPAD,), jnp.float32),
            pltpu.VMEM((_KPAD,), jnp.float32),
            pltpu.VMEM((_KPAD,), jnp.float32),
            pltpu.VMEM((_KPAD * _OUTW,), jnp.float32),
            pltpu.SMEM((1,), jnp.int32),
            pltpu.SMEM((1,), jnp.int32),
            pltpu.SemaphoreType.DMA,
        ],
        compiler_params=pltpu.CompilerParams(
            needs_layout_passes=False, use_tc_tiling_on_sc=False),
    )
    def _nms_sc(tab_hbm, ord_hbm, out_hbm,
                idx_v, chunk_v, kx1, ky1, kx2, ky2, ka, outb,
                cnt_ref, go_ref, sem):
        img = lax.axis_index("s") * 2 + lax.axis_index("c")

        @pl.when(img < _B)
        def _run():
            pltpu.sync_copy(ord_hbm.at[img], idx_v)

            zero16 = jnp.zeros((16,), jnp.float32)
            pinf16 = jnp.full((16,), jnp.inf, jnp.float32)
            ninf16 = jnp.full((16,), -jnp.inf, jnp.float32)
            lanes = lax.broadcasted_iota(jnp.int32, (16,), 0)
            lane0 = lanes == 0

            def _init_out(r, carry):
                outb[pl.ds(pl.multiple_of(r * 16, 16), 16)] = zero16
                return carry

            lax.fori_loop(0, _KPAD, _init_out, 0)

            def _init_kept(s, carry):
                o = pl.multiple_of(s * 16, 16)
                kx1[pl.ds(o, 16)] = pinf16
                ky1[pl.ds(o, 16)] = pinf16
                kx2[pl.ds(o, 16)] = ninf16
                ky2[pl.ds(o, 16)] = ninf16
                ka[pl.ds(o, 16)] = zero16
                return carry

            lax.fori_loop(0, _KPAD // 16, _init_kept, 0)

            cnt_ref[0] = 0
            go_ref[0] = 1

            dnums = lax.GatherDimensionNumbers(
                offset_dims=(), collapsed_slice_dims=(0,),
                start_index_map=(0,))

            def _gath(vec, idx):
                return lax.gather(
                    vec, idx.reshape(16, 1), dnums, slice_sizes=(1,),
                    mode=lax.GatherScatterMode.PROMISE_IN_BOUNDS)

            def _bcast(vec, k):
                return _gath(vec, jnp.full((16,), k, jnp.int32))

            rotidx = [(lanes + k) % 16 for k in (8, 4, 2, 1)]

            def _chunk(c, carry):
                @pl.when(go_ref[0] == 1)
                def _do_chunk():
                    src = tab_hbm.at[idx_v.at[pl.ds(
                        pl.multiple_of(c * _CH, _CH), _CH)]]
                    pltpu.async_copy(src, chunk_v, sem).wait()
                    trip = jnp.minimum(_CH, nlimit - c * _CH)

                    def _cand(local, carry2):
                        @pl.when(go_ref[0] == 1)
                        def _do_cand():
                            vecs = [
                                chunk_v[local, pl.ds(16 * s, 16)]
                                for s in range(6)
                            ]
                            go1 = jnp.any((vecs[5] > _CONF) & (lanes == 5))

                            conf0v = _bcast(vecs[0], 4)
                            scv = _bcast(vecs[5], 5)

                            mprods = []
                            gidx = []
                            for s in range(6):
                                gi = lanes + (16 * s)
                                m = (gi >= 5) & (gi < _F)
                                mprods.append(jnp.where(
                                    m, vecs[s] * conf0v, -jnp.inf))
                                gidx.append(gi)
                            mx = mprods[0]
                            for s in range(1, 6):
                                mx = jnp.maximum(mx, mprods[s])
                            gmax = mx
                            for ridx in rotidx:
                                gmax = jnp.maximum(gmax, _gath(gmax, ridx))
                            jcand = jnp.full((16,), 4096.0, jnp.float32)
                            for s in range(6):
                                jc = (gidx[s] - 5).astype(jnp.float32)
                                jcand = jnp.minimum(
                                    jcand,
                                    jnp.where(mprods[s] == gmax, jc, 4096.0))
                            for ridx in rotidx:
                                jcand = jnp.minimum(jcand, _gath(jcand, ridx))
                            jf = jcand

                            cxv = _bcast(vecs[0], 0)
                            cyv = _bcast(vecs[0], 1)
                            wv = _bcast(vecs[0], 2)
                            hv = _bcast(vecs[0], 3)
                            w2 = wv / 2.0
                            h2 = hv / 2.0
                            bx1 = cxv - w2
                            by1 = cyv - h2
                            bx2 = cxv + w2
                            by2 = cyv + h2
                            off = jf * _MAXWH
                            vx1 = bx1 + off
                            vy1 = by1 + off
                            vx2 = bx2 + off
                            vy2 = by2 + off
                            vai = (vx2 - vx1) * (vy2 - vy1)

                            cnt = cnt_ref[0]
                            nsl = (cnt + 15) // 16

                            def _scan(s, acc):
                                o = pl.multiple_of(s * 16, 16)
                                gx1 = kx1[pl.ds(o, 16)]
                                gy1 = ky1[pl.ds(o, 16)]
                                gx2 = kx2[pl.ds(o, 16)]
                                gy2 = ky2[pl.ds(o, 16)]
                                ga = ka[pl.ds(o, 16)]
                                xx1 = jnp.maximum(vx1, gx1)
                                yy1 = jnp.maximum(vy1, gy1)
                                xx2 = jnp.minimum(vx2, gx2)
                                yy2 = jnp.minimum(vy2, gy2)
                                inter = jnp.maximum(xx2 - xx1, 0.0) * (
                                    jnp.maximum(yy2 - yy1, 0.0))
                                iou = inter / (ga + vai - inter + 1e-9)
                                return acc | (iou > _IOU)

                            supb = lax.fori_loop(
                                0, nsl, _scan, jnp.zeros((16,), jnp.bool_))
                            keep = go1 & jnp.logical_not(jnp.any(supb))

                            @pl.when(keep)
                            def _append():
                                cnt16 = jnp.full((16,), cnt, jnp.int32)
                                plsc.store_scatter(
                                    kx1, [cnt16], vx1, mask=lane0)
                                plsc.store_scatter(
                                    ky1, [cnt16], vy1, mask=lane0)
                                plsc.store_scatter(
                                    kx2, [cnt16], vx2, mask=lane0)
                                plsc.store_scatter(
                                    ky2, [cnt16], vy2, mask=lane0)
                                plsc.store_scatter(
                                    ka, [cnt16], vai, mask=lane0)
                                outrow = jnp.where(
                                    lanes == 0, bx1, jnp.where(
                                        lanes == 1, by1, jnp.where(
                                            lanes == 2, bx2, jnp.where(
                                                lanes == 3, by2, jnp.where(
                                                    lanes == 4, scv,
                                                    jnp.where(
                                                        lanes == 5, jf,
                                                        zero16))))))
                                outb[pl.ds(
                                    pl.multiple_of(cnt * 16, 16), 16)] = (
                                    outrow)

                            cnt2 = cnt + keep.astype(jnp.int32)
                            cnt_ref[0] = cnt2
                            go_ref[0] = (
                                go1 & (cnt2 < _MAXDET)).astype(jnp.int32)

                        return carry2

                    lax.fori_loop(0, trip, _cand, 0)

                return carry

            lax.fori_loop(0, nchunks, _chunk, 0)

            outb[pl.ds(pl.multiple_of(_MAXDET * 16, 16), 16)] = jnp.full(
                (16,), go_ref[0].astype(jnp.float32))

            pltpu.sync_copy(outb, out_hbm.at[img])

    return _nms_sc


_nms_fast = _make_nms(_K, _K)
_nms_full = _make_nms(_NPAD, _N)


def kernel(x):
    flat = x.reshape(_B * _N, _F)
    xp, score3 = _prep(flat)
    score = score3.reshape(_B, _N)
    base = (jnp.arange(_B, dtype=jnp.int32) * _N)[:, None]

    kidx = lax.top_k(score, _K)[1].astype(jnp.int32)
    out_fast = _nms_fast(xp, kidx + base)
    need_full = jnp.any(
        out_fast.reshape(_B, _KPAD, _OUTW)[:, _MAXDET, 0] > 0.5)

    def _full(_):
        order = jnp.argsort(-score, axis=1).astype(jnp.int32)
        ofs = jnp.pad(order + base, ((0, 0), (0, _NPAD - _N)))
        return _nms_full(xp, ofs)

    out = lax.cond(need_full, _full, lambda _: out_fast, None)
    return out.reshape(_B, _KPAD, _OUTW)[:, :_MAXDET, :6]

# --- scband reference (transcript-rebuilt; emitter-appended) ---
"""Pipeline reference for scband-nms-2860448219381 (READ-ONLY COPY).

The authoritative reference and input builder live on the scoring server;
editing this copy changes nothing except your own understanding.
"""

import jax, jax.numpy as jnp
import numpy as np

CONF_THRES = 0.25
IOU_THRES = 0.45
MAX_WH = 4096
MAX_NMS = 30000
MAX_DET = 300


def _xywh2xyxy_np(b):
    out = np.copy(b)
    out[:, 0] = b[:, 0] - b[:, 2] / 2.0
    out[:, 1] = b[:, 1] - b[:, 3] / 2.0
    out[:, 2] = b[:, 0] + b[:, 2] / 2.0
    out[:, 3] = b[:, 1] + b[:, 3] / 2.0
    return out


def _nms_np(boxes, scores, iou_thres, max_det):
    order = np.argsort(-scores)
    keep = []
    while order.size > 0 and len(keep) < max_det:
        i = order[0]
        keep.append(i)
        if order.size == 1:
            break
        rest = order[1:]
        xx1 = np.maximum(boxes[i, 0], boxes[rest, 0])
        yy1 = np.maximum(boxes[i, 1], boxes[rest, 1])
        xx2 = np.minimum(boxes[i, 2], boxes[rest, 2])
        yy2 = np.minimum(boxes[i, 3], boxes[rest, 3])
        inter = np.clip(xx2 - xx1, 0, None) * np.clip(yy2 - yy1, 0, None)
        area_i = (boxes[i, 2] - boxes[i, 0]) * (boxes[i, 3] - boxes[i, 1])
        area_r = (boxes[rest, 2] - boxes[rest, 0]) * (boxes[rest, 3] - boxes[rest, 1])
        iou = inter / (area_i + area_r - inter + 1e-9)
        order = rest[iou <= iou_thres]
    return np.asarray(keep, dtype=np.int64)


def _select_indices(pred_img):
    N = pred_img.shape[0]
    idx = np.arange(N)
    m = pred_img[:, 4] > CONF_THRES
    xp = pred_img[m]
    idx = idx[m]
    if xp.shape[0] == 0:
        return np.zeros(0, np.int64), np.zeros(0, np.int64)
    cls = xp[:, 5:] * xp[:, 4:5]
    j = cls.argmax(1)
    conf = cls.max(1)
    m2 = conf > CONF_THRES
    xp = xp[m2]; idx = idx[m2]; j = j[m2]; conf = conf[m2]
    if xp.shape[0] == 0:
        return np.zeros(0, np.int64), np.zeros(0, np.int64)
    order = np.argsort(-conf)[:MAX_NMS]
    xp = xp[order]; idx = idx[order]; j = j[order]; conf = conf[order]
    box = _xywh2xyxy_np(xp[:, :4])
    boxes = box + j[:, None].astype(np.float32) * MAX_WH
    keep = _nms_np(boxes, conf, IOU_THRES, MAX_DET)
    return idx[keep], j[keep]


def _xywh2xyxy_jnp(b):
    return jnp.stack([
        b[:, 0] - b[:, 2] / 2.0,
        b[:, 1] - b[:, 3] / 2.0,
        b[:, 0] + b[:, 2] / 2.0,
        b[:, 1] + b[:, 3] / 2.0,
    ], axis=1)


def setup_inputs(seed: int = 0):
    key = jax.random.key(seed)
    x = jax.random.normal(key, (1, 4, 20000, 85), dtype=jnp.float32)
    return {"x": x}


def reference(x):
    pred = x[0]
    B = pred.shape[0]
    N = pred.shape[1]
    M = min(N, MAX_NMS)

    def per_image(p):
        conf0 = p[:, 4]
        cls = p[:, 5:] * p[:, 4:5]
        j = jnp.argmax(cls, axis=1)
        conf = jnp.max(cls, axis=1)
        valid = (conf0 > CONF_THRES) & (conf > CONF_THRES)
        score = jnp.where(valid, conf, -jnp.inf)
        order = jnp.argsort(-score)[:M]
        ps = p[order]
        js = j[order]
        vs = valid[order]
        box = _xywh2xyxy_jnp(ps[:, :4])
        nboxes = box + js[:, None].astype(jnp.float32) * MAX_WH
        areas = (nboxes[:, 2] - nboxes[:, 0]) * (nboxes[:, 3] - nboxes[:, 1])

        def body(i, state):
            kept, count = state
            bi = nboxes[i]
            xx1 = jnp.maximum(bi[0], nboxes[:, 0])
            yy1 = jnp.maximum(bi[1], nboxes[:, 1])
            xx2 = jnp.minimum(bi[2], nboxes[:, 2])
            yy2 = jnp.minimum(bi[3], nboxes[:, 3])
            inter = jnp.clip(xx2 - xx1, 0, None) * jnp.clip(yy2 - yy1, 0, None)
            iou = inter / (areas + areas[i] - inter + 1e-9)
            suppressed = jnp.any(kept & (iou > IOU_THRES))
            keep_i = vs[i] & jnp.logical_not(suppressed) & (count < MAX_DET)
            kept = kept.at[i].set(keep_i)
            return kept, count + keep_i.astype(jnp.int32)

        kept, _ = jax.lax.fori_loop(
            0, M, body, (jnp.zeros((M,), dtype=bool), jnp.int32(0))
        )
        pos = jnp.where(kept, jnp.cumsum(kept.astype(jnp.int32)) - 1, MAX_DET)
        outconf = ps[:, 4] * ps[jnp.arange(M), 5 + js]
        vals = jnp.concatenate(
            [box, outconf[:, None], js.astype(jnp.float32)[:, None]], axis=1
        )
        buf = jnp.zeros((MAX_DET + 1, 6), jnp.float32).at[pos].set(vals)
        return buf[:MAX_DET]

    return jnp.stack([per_image(pred[xi]) for xi in range(B)], axis=0)

if __name__ == "__main__":
    import jax
    _d = setup_inputs()
    print(jax.jit(kernel)(*tuple(_d.values())))

</pallas_src>

<mosaic_0001>
#map = affine_map<(d0, d1) -> (0, 0)>
module attributes {stable_mosaic.version = 14 : i64} {
  func.func @_nms_sc(%arg0: i32, %arg1: i32, %arg2: memref<80000x96xf32, #tpu.memory_space<hbm>>, %arg3: memref<4x1024xi32, #tpu.memory_space<hbm>>, %arg4: memref<4x4864xf32, #tpu.memory_space<hbm>>, %arg5: memref<1024xi32, #tpu.memory_space<vmem>>, %arg6: memref<512x96xf32, #tpu.memory_space<vmem>>, %arg7: memref<304xf32, #tpu.memory_space<vmem>>, %arg8: memref<304xf32, #tpu.memory_space<vmem>>, %arg9: memref<304xf32, #tpu.memory_space<vmem>>, %arg10: memref<304xf32, #tpu.memory_space<vmem>>, %arg11: memref<304xf32, #tpu.memory_space<vmem>>, %arg12: memref<4864xf32, #tpu.memory_space<vmem>>, %arg13: memref<1xi32, #tpu.memory_space<smem>>, %arg14: memref<1xi32, #tpu.memory_space<smem>>, %arg15: memref<!tpu.dma_semaphore, #tpu.memory_space<semaphore_mem>>) attributes {dimension_semantics = [#tpu.dimension_semantics<core_parallel>, #tpu.dimension_semantics<subcore_parallel>], iteration_bounds = array<i64: 2, 16>, scalar_prefetch = 0 : i64, scratch_operands = 11 : i64, tpu.core_type = #tpu.core_type<sc_vector_subcore>, window_params = [{transform_indices = #map}, {transform_indices = #map}, {transform_indices = #map}]} {
    %mul3A = arith.constant 2 : i32
    %mul3A_0 = arith.muli %arg1, %mul3A : i32
    %add3A = arith.addi %mul3A_0, %arg0 : i32
    %lt3A = arith.constant 4 : i32
    %lt3A_1 = arith.cmpi slt, %add3A, %lt3A : i32
    %convert_element_type3A = arith.extui %lt3A_1 : i1 to i32
    %cond3A = arith.constant 0 : i32
    %cond3A_2 = arith.cmpi ne, %convert_element_type3A, %cond3A : i32
    scf.if %cond3A_2 {
      "tpu.region"() ({
        %run_scoped3A = tpu.sem_alloc : memref<!tpu.dma_semaphore, #tpu.memory_space<semaphore_mem>>
        %dma_start3A = arith.constant 0 : i32
        %dma_start3A_136 = tpu.memref_slice %arg3[%add3A, %dma_start3A] : memref<4x1024xi32, #tpu.memory_space<hbm>> -> memref<1x1024xi32, #tpu.memory_space<hbm>>
        %dma_start3A_137 = tpu.memref_squeeze %dma_start3A_136 : memref<1x1024xi32, #tpu.memory_space<hbm>> -> memref<1024xi32, #tpu.memory_space<hbm>>
        %dma_start3A_138 = arith.constant 0 : i32
        %dma_start3A_139 = tpu.memref_slice %arg3[%add3A, %dma_start3A_138] : memref<4x1024xi32, #tpu.memory_space<hbm>> -> memref<1x1024xi32, #tpu.memory_space<hbm>>
        %dma_start3A_140 = tpu.memref_squeeze %dma_start3A_139 : memref<1x1024xi32, #tpu.memory_space<hbm>> -> memref<1024xi32, #tpu.memory_space<hbm>>
        tpu.enqueue_dma source(%dma_start3A_140 : memref<1024xi32, #tpu.memory_space<hbm>>) target(%arg5 : memref<1024xi32, #tpu.memory_space<vmem>>) target_semaphore(%run_scoped3A : memref<!tpu.dma_semaphore, #tpu.memory_space<semaphore_mem>>)
        %dma_wait3A = arith.constant 0 : i32
        %dma_wait3A_141 = tpu.memref_slice %arg3[%add3A, %dma_wait3A] : memref<4x1024xi32, #tpu.memory_space<hbm>> -> memref<1x1024xi32, #tpu.memory_space<hbm>>
        %dma_wait3A_142 = tpu.memref_squeeze %dma_wait3A_141 : memref<1x1024xi32, #tpu.memory_space<hbm>> -> memref<1024xi32, #tpu.memory_space<hbm>>
        %dma_wait3A_143 = arith.constant 0 : i32
        %dma_wait3A_144 = tpu.memref_slice %arg3[%add3A, %dma_wait3A_143] : memref<4x1024xi32, #tpu.memory_space<hbm>> -> memref<1x1024xi32, #tpu.memory_space<hbm>>
        %dma_wait3A_145 = tpu.memref_squeeze %dma_wait3A_144 : memref<1x1024xi32, #tpu.memory_space<hbm>> -> memref<1024xi32, #tpu.memory_space<hbm>>
        tpu.wait_dma2 semaphore(%run_scoped3A : memref<!tpu.dma_semaphore, #tpu.memory_space<semaphore_mem>>) src(%dma_wait3A_145 : memref<1024xi32, #tpu.memory_space<hbm>>) dst(%arg5 : memref<1024xi32, #tpu.memory_space<vmem>>)
        tpu.yield
      }) : () -> ()
      %broadcast_in_dim3A = arith.constant 0.000000e+00 : f32
      %broadcast_in_dim3A_3 = vector.broadcast %broadcast_in_dim3A : f32 to vector<16xf32>
      %broadcast_in_dim3A_4 = arith.constant 0x7F800000 : f32
      %broadcast_in_dim3A_5 = vector.broadcast %broadcast_in_dim3A_4 : f32 to vector<16xf32>
      %broadcast_in_dim3A_6 = arith.constant 0xFF800000 : f32
      %broadcast_in_dim3A_7 = vector.broadcast %broadcast_in_dim3A_6 : f32 to vector<16xf32>
      %iota3A = tpu.iota {dimensions = array<i32: 0>} : vector<16xi32>
      %eq3A = arith.constant 0 : i32
      %eq3A_8 = vector.broadcast %eq3A : i32 to vector<16xi32>
      %eq3A_9 = arith.cmpi eq, %iota3A, %eq3A_8 : vector<16xi32>
      %scan3A = arith.constant 0 : i32
      %scan3A_10 = arith.constant 0 : i32
      %scan3A_11 = arith.constant 304 : i32
      %scan3A_12 = arith.addi %scan3A_10, %scan3A_11 : i32
      %scan3A_13 = arith.constant 1 : i32
      scf.for %scan3A_136 = %scan3A_10 to %scan3A_12 step %scan3A_13  : i32 {
        %mul3A_137 = arith.constant 16 : i32
        %mul3A_138 = arith.muli %scan3A_136, %mul3A_137 : i32
        %multiple_of3A_139 = tpu.assume_multiple %mul3A_138, 16 : i32
        %swap3A_140 = arith.index_cast %multiple_of3A_139 : i32 to index
        %swap3A_141 = tpu.vector_load %arg12[%swap3A_140] {strides = array<i32>} : memref<4864xf32, #tpu.memory_space<vmem>>, vector<16xf32>,
        tpu.vector_store %arg12[%swap3A_140], %broadcast_in_dim3A_3 {strides = array<i32>} : memref<4864xf32, #tpu.memory_space<vmem>>, vector<16xf32>,
      }
      %scan3A_14 = arith.constant 304 : i32
      %scan3A_15 = arith.constant 0 : i32
      %scan3A_16 = arith.constant 0 : i32
      %scan3A_17 = arith.constant 19 : i32
      %scan3A_18 = arith.addi %scan3A_16, %scan3A_17 : i32
      %scan3A_19 = arith.constant 1 : i32
      scf.for %scan3A_136 = %scan3A_16 to %scan3A_18 step %scan3A_19  : i32 {
        %mul3A_137 = arith.constant 16 : i32
        %mul3A_138 = arith.muli %scan3A_136, %mul3A_137 : i32
        %multiple_of3A_139 = tpu.assume_multiple %mul3A_138, 16 : i32
        %swap3A_140 = arith.index_cast %multiple_of3A_139 : i32 to index
        %swap3A_141 = tpu.vector_load %arg7[%swap3A_140] {strides = array<i32>} : memref<304xf32, #tpu.memory_space<vmem>>, vector<16xf32>,
        tpu.vector_store %arg7[%swap3A_140], %broadcast_in_dim3A_5 {strides = array<i32>} : memref<304xf32, #tpu.memory_space<vmem>>, vector<16xf32>,
        %swap3A_142 = arith.index_cast %multiple_of3A_139 : i32 to index
        %swap3A_143 = tpu.vector_load %arg8[%swap3A_142] {strides = array<i32>} : memref<304xf32, #tpu.memory_space<vmem>>, vector<16xf32>,
        tpu.vector_store %arg8[%swap3A_142], %broadcast_in_dim3A_5 {strides = array<i32>} : memref<304xf32, #tpu.memory_space<vmem>>, vector<16xf32>,
        %swap3A_144 = arith.index_cast %multiple_of3A_139 : i32 to index
        %swap3A_145 = tpu.vector_load %arg9[%swap3A_144] {strides = array<i32>} : memref<304xf32, #tpu.memory_space<vmem>>, vector<16xf32>,
        tpu.vector_store %arg9[%swap3A_144], %broadcast_in_dim3A_7 {strides = array<i32>} : memref<304xf32, #tpu.memory_space<vmem>>, vector<16xf32>,
        %swap3A_146 = arith.index_cast %multiple_of3A_139 : i32 to index
        %swap3A_147 = tpu.vector_load %arg10[%swap3A_146] {strides = array<i32>} : memref<304xf32, #tpu.memory_space<vmem>>, vector<16xf32>,
        tpu.vector_store %arg10[%swap3A_146], %broadcast_in_dim3A_7 {strides = array<i32>} : memref<304xf32, #tpu.memory_space<vmem>>, vector<16xf32>,
        %swap3A_148 = arith.index_cast %multiple_of3A_139 : i32 to index
        %swap3A_149 = tpu.vector_load %arg11[%swap3A_148] {strides = array<i32>} : memref<304xf32, #tpu.memory_space<vmem>>, vector<16xf32>,
        tpu.vector_store %arg11[%swap3A_148], %broadcast_in_dim3A_3 {strides = array<i32>} : memref<304xf32, #tpu.memory_space<vmem>>, vector<16xf32>,
      }
      %scan3A_20 = arith.constant 19 : i32
      %swap3A = arith.constant 0 : i32
      %swap3A_21 = arith.constant 0 : i32
      %swap3A_22 = arith.index_cast %swap3A_21 : i32 to index
      %swap3A_23 = memref.load %arg13[%swap3A_22] : memref<1xi32, #tpu.memory_space<smem>>
      memref.store %swap3A, %arg13[%swap3A_22] : memref<1xi32, #tpu.memory_space<smem>>
      %swap3A_24 = arith.constant 1 : i32
      %swap3A_25 = arith.constant 0 : i32
      %swap3A_26 = arith.index_cast %swap3A_25 : i32 to index
      %swap3A_27 = memref.load %arg14[%swap3A_26] : memref<1xi32, #tpu.memory_space<smem>>
      memref.store %swap3A_24, %arg14[%swap3A_26] : memref<1xi32, #tpu.memory_space<smem>>
      %add3A_28 = arith.constant 8 : i32
      %add3A_29 = vector.broadcast %add3A_28 : i32 to vector<16xi32>
      %add3A_30 = arith.addi %iota3A, %add3A_29 : vector<16xi32>
      %jit3A = arith.constant 16 : i32
      %eq3A_31 = arith.constant 0 : i32
      %eq3A_32 = arith.cmpi eq, %jit3A, %eq3A_31 : i32
      %jit3A_33 = arith.constant 1 : i32
      %select_n3A = arith.select %eq3A_32, %jit3A_33, %jit3A : i32
      %rem3A = vector.broadcast %select_n3A : i32 to vector<16xi32>
      %rem3A_34 = arith.remsi %add3A_30, %rem3A : vector<16xi32>
      %ne3A = arith.constant 0 : i32
      %ne3A_35 = vector.broadcast %ne3A : i32 to vector<16xi32>
      %ne3A_36 = arith.cmpi ne, %rem3A_34, %ne3A_35 : vector<16xi32>
      %lt3A_37 = arith.constant 0 : i32
      %lt3A_38 = vector.broadcast %lt3A_37 : i32 to vector<16xi32>
      %lt3A_39 = arith.cmpi slt, %rem3A_34, %lt3A_38 : vector<16xi32>
      %lt3A_40 = arith.constant 0 : i32
      %lt3A_41 = arith.cmpi slt, %select_n3A, %lt3A_40 : i32
      %ne3A_42 = vector.broadcast %lt3A_41 : i1 to vector<16xi1>
      %ne3A_43 = vector.broadcast %ne3A_42 : vector<16xi1> to vector<16xi1>
      %ne3A_44 = arith.xori %lt3A_39, %ne3A_43 : vector<16xi1>
      %and3A = arith.andi %ne3A_44, %ne3A_36 : vector<16xi1>
      %add3A_45 = vector.broadcast %select_n3A : i32 to vector<16xi32>
      %add3A_46 = arith.addi %rem3A_34, %add3A_45 : vector<16xi32>
      %select_n3A_47 = arith.select %and3A, %add3A_46, %rem3A_34 : vector<16xi1>, vector<16xi32>
      %add3A_48 = arith.constant 4 : i32
      %add3A_49 = vector.broadcast %add3A_48 : i32 to vector<16xi32>
      %add3A_50 = arith.addi %iota3A, %add3A_49 : vector<16xi32>
      %jit3A_51 = arith.constant 16 : i32
      %eq3A_52 = arith.constant 0 : i32
      %eq3A_53 = arith.cmpi eq, %jit3A_51, %eq3A_52 : i32
      %jit3A_54 = arith.constant 1 : i32
      %select_n3A_55 = arith.select %eq3A_53, %jit3A_54, %jit3A_51 : i32
      %rem3A_56 = vector.broadcast %select_n3A_55 : i32 to vector<16xi32>
      %rem3A_57 = arith.remsi %add3A_50, %rem3A_56 : vector<16xi32>
      %ne3A_58 = arith.constant 0 : i32
      %ne3A_59 = vector.broadcast %ne3A_58 : i32 to vector<16xi32>
      %ne3A_60 = arith.cmpi ne, %rem3A_57, %ne3A_59 : vector<16xi32>
      %lt3A_61 = arith.constant 0 : i32
      %lt3A_62 = vector.broadcast %lt3A_61 : i32 to vector<16xi32>
      %lt3A_63 = arith.cmpi slt, %rem3A_57, %lt3A_62 : vector<16xi32>
      %lt3A_64 = arith.constant 0 : i32
      %lt3A_65 = arith.cmpi slt, %select_n3A_55, %lt3A_64 : i32
      %ne3A_66 = vector.broadcast %lt3A_65 : i1 to vector<16xi1>
      %ne3A_67 = vector.broadcast %ne3A_66 : vector<16xi1> to vector<16xi1>
      %ne3A_68 = arith.xori %lt3A_63, %ne3A_67 : vector<16xi1>
      %and3A_69 = arith.andi %ne3A_68, %ne3A_60 : vector<16xi1>
      %add3A_70 = vector.broadcast %select_n3A_55 : i32 to vector<16xi32>
      %add3A_71 = arith.addi %rem3A_57, %add3A_70 : vector<16xi32>
      %select_n3A_72 = arith.select %and3A_69, %add3A_71, %rem3A_57 : vector<16xi1>, vector<16xi32>
      %add3A_73 = arith.constant 2 : i32
      %add3A_74 = vector.broadcast %add3A_73 : i32 to vector<16xi32>
      %add3A_75 = arith.addi %iota3A, %add3A_74 : vector<16xi32>
      %jit3A_76 = arith.constant 16 : i32
      %eq3A_77 = arith.constant 0 : i32
      %eq3A_78 = arith.cmpi eq, %jit3A_76, %eq3A_77 : i32
      %jit3A_79 = arith.constant 1 : i32
      %select_n3A_80 = arith.select %eq3A_78, %jit3A_79, %jit3A_76 : i32
      %rem3A_81 = vector.broadcast %select_n3A_80 : i32 to vector<16xi32>
      %rem3A_82 = arith.remsi %add3A_75, %rem3A_81 : vector<16xi32>
      %ne3A_83 = arith.constant 0 : i32
      %ne3A_84 = vector.broadcast %ne3A_83 : i32 to vector<16xi32>
      %ne3A_85 = arith.cmpi ne, %rem3A_82, %ne3A_84 : vector<16xi32>
      %lt3A_86 = arith.constant 0 : i32
      %lt3A_87 = vector.broadcast %lt3A_86 : i32 to vector<16xi32>
      %lt3A_88 = arith.cmpi slt, %rem3A_82, %lt3A_87 : vector<16xi32>
      %lt3A_89 = arith.constant 0 : i32
      %lt3A_90 = arith.cmpi slt, %select_n3A_80, %lt3A_89 : i32
      %ne3A_91 = vector.broadcast %lt3A_90 : i1 to vector<16xi1>
      %ne3A_92 = vector.broadcast %ne3A_91 : vector<16xi1> to vector<16xi1>
      %ne3A_93 = arith.xori %lt3A_88, %ne3A_92 : vector<16xi1>
      %and3A_94 = arith.andi %ne3A_93, %ne3A_85 : vector<16xi1>
      %add3A_95 = vector.broadcast %select_n3A_80 : i32 to vector<16xi32>
      %add3A_96 = arith.addi %rem3A_82, %add3A_95 : vector<16xi32>
      %select_n3A_97 = arith.select %and3A_94, %add3A_96, %rem3A_82 : vector<16xi1>, vector<16xi32>
      %add3A_98 = arith.constant 1 : i32
      %add3A_99 = vector.broadcast %add3A_98 : i32 to vector<16xi32>
      %add3A_100 = arith.addi %iota3A, %add3A_99 : vector<16xi32>
      %jit3A_101 = arith.constant 16 : i32
      %eq3A_102 = arith.constant 0 : i32
      %eq3A_103 = arith.cmpi eq, %jit3A_101, %eq3A_102 : i32
      %jit3A_104 = arith.constant 1 : i32
      %select_n3A_105 = arith.select %eq3A_103, %jit3A_104, %jit3A_101 : i32
      %rem3A_106 = vector.broadcast %select_n3A_105 : i32 to vector<16xi32>
      %rem3A_107 = arith.remsi %add3A_100, %rem3A_106 : vector<16xi32>
      %ne3A_108 = arith.constant 0 : i32
      %ne3A_109 = vector.broadcast %ne3A_108 : i32 to vector<16xi32>
      %ne3A_110 = arith.cmpi ne, %rem3A_107, %ne3A_109 : vector<16xi32>
      %lt3A_111 = arith.constant 0 : i32
      %lt3A_112 = vector.broadcast %lt3A_111 : i32 to vector<16xi32>
      %lt3A_113 = arith.cmpi slt, %rem3A_107, %lt3A_112 : vector<16xi32>
      %lt3A_114 = arith.constant 0 : i32
      %lt3A_115 = arith.cmpi slt, %select_n3A_105, %lt3A_114 : i32
      %ne3A_116 = vector.broadcast %lt3A_115 : i1 to vector<16xi1>
      %ne3A_117 = vector.broadcast %ne3A_116 : vector<16xi1> to vector<16xi1>
      %ne3A_118 = arith.xori %lt3A_113, %ne3A_117 : vector<16xi1>
      %and3A_119 = arith.andi %ne3A_118, %ne3A_110 : vector<16xi1>
      %add3A_120 = vector.broadcast %select_n3A_105 : i32 to vector<16xi32>
      %add3A_121 = arith.addi %rem3A_107, %add3A_120 : vector<16xi32>
      %select_n3A_122 = arith.select %and3A_119, %add3A_121, %rem3A_107 : vector<16xi1>, vector<16xi32>
      %scan3A_123 = arith.constant 0 : i32
      %scan3A_124 = arith.constant 0 : i32
      %scan3A_125 = arith.constant 2 : i32
      %scan3A_126 = arith.addi %scan3A_124, %scan3A_125 : i32
      %scan3A_127 = arith.constant 1 : i32
      scf.for %scan3A_136 = %scan3A_124 to %scan3A_126 step %scan3A_127  : i32 {
        %get3A_137 = arith.constant 0 : i32
        %get3A_138 = arith.index_cast %get3A_137 : i32 to index
        %get3A_139 = memref.load %arg14[%get3A_138] : memref<1xi32, #tpu.memory_space<smem>>
        %eq3A_140 = arith.constant 1 : i32
        %eq3A_141 = arith.cmpi eq, %get3A_139, %eq3A_140 : i32
        %convert_element_type3A_142 = arith.extui %eq3A_141 : i1 to i32
        %cond3A_143 = arith.constant 0 : i32
        %cond3A_144 = arith.cmpi ne, %convert_element_type3A_142, %cond3A_143 : i32
        scf.if %cond3A_144 {
          %mul3A_145 = arith.constant 512 : i32
          %mul3A_146 = arith.muli %scan3A_136, %mul3A_145 : i32
          %multiple_of3A_147 = tpu.assume_multiple %mul3A_146, 512 : i32
          %dma_start3A = tpu.memref_slice %arg5[%multiple_of3A_147] : memref<1024xi32, #tpu.memory_space<vmem>> -> memref<512xi32, #tpu.memory_space<vmem>>
          %dma_start3A_148 = arith.constant 0 : i32
          %dma_start3A_149 = arith.constant 0 : i32
          %dma_start3A_150 = tpu.memref_slice %arg2[%dma_start3A_148, %dma_start3A_149] : memref<80000x96xf32, #tpu.memory_space<hbm>> -> memref<80000x96xf32, #tpu.memory_space<hbm>>
          tpu.enqueue_indirect_dma source(%dma_start3A_150 : memref<80000x96xf32, #tpu.memory_space<hbm>>) target(%arg6 : memref<512x96xf32, #tpu.memory_space<vmem>>) offsets(%dma_start3A : memref<512xi32, #tpu.memory_space<vmem>>) semaphore(%arg15 : memref<!tpu.dma_semaphore, #tpu.memory_space<semaphore_mem>>)
          %dma_wait3A = tpu.memref_slice %arg5[%multiple_of3A_147] : memref<1024xi32, #tpu.memory_space<vmem>> -> memref<512xi32, #tpu.memory_space<vmem>>
          %dma_wait3A_151 = arith.constant 0 : i32
          %dma_wait3A_152 = arith.constant 0 : i32
          %dma_wait3A_153 = tpu.memref_slice %arg2[%dma_wait3A_151, %dma_wait3A_152] : memref<80000x96xf32, #tpu.memory_space<hbm>> -> memref<80000x96xf32, #tpu.memory_space<hbm>>
          tpu.wait_indirect_dma semaphore(%arg15 : memref<!tpu.dma_semaphore, #tpu.memory_space<semaphore_mem>>) src(%dma_wait3A_153 : memref<80000x96xf32, #tpu.memory_space<hbm>>) dst(%arg6 : memref<512x96xf32, #tpu.memory_space<vmem>>)
          %mul3A_154 = arith.constant 512 : i32
          %mul3A_155 = arith.muli %scan3A_136, %mul3A_154 : i32
          %sub3A = arith.constant 1024 : i32
          %sub3A_156 = arith.subi %sub3A, %mul3A_155 : i32
          %min3A = arith.constant 512 : i32
          %min3A_157 = arith.minsi %min3A, %sub3A_156 : i32
          %while3A = arith.constant 0 : i32
          %while3A_158 = arith.constant 0 : i32
          %while3A_159 = arith.subi %min3A_157, %while3A_158 : i32
          %while3A_160 = arith.addi %while3A_158, %while3A_159 : i32
          %while3A_161 = arith.constant 1 : i32
          %while3A_162 = arith.divsi %while3A_159, %while3A_161 : i32
          %while3A_163 = arith.muli %while3A_162, %while3A_161 : i32
          %while3A_164 = arith.addi %while3A_158, %while3A_163 : i32
          %while3A_165 = arith.constant 1 : i32
          scf.for %while3A_167 = %while3A_158 to %while3A_164 step %while3A_165  : i32 {
            %get3A_168 = arith.constant 0 : i32
            %get3A_169 = arith.index_cast %get3A_168 : i32 to index
            %get3A_170 = memref.load %arg14[%get3A_169] : memref<1xi32, #tpu.memory_space<smem>>
            %eq3A_171 = arith.constant 1 : i32
            %eq3A_172 = arith.cmpi eq, %get3A_170, %eq3A_171 : i32
            %convert_element_type3A_173 = arith.extui %eq3A_172 : i1 to i32
            %cond3A_174 = arith.constant 0 : i32
            %cond3A_175 = arith.cmpi ne, %convert_element_type3A_173, %cond3A_174 : i32
            scf.if %cond3A_175 {
              %get3A_176 = arith.index_cast %while3A_167 : i32 to index
              %get3A_177 = arith.constant 0 : index
              %get3A_178 = tpu.vector_load %arg6[%get3A_176, %get3A_177] {strides = array<i32>} : memref<512x96xf32, #tpu.memory_space<vmem>>, vector<16xf32>,
              %get3A_179 = arith.index_cast %while3A_167 : i32 to index
              %get3A_180 = arith.constant 16 : index
              %get3A_181 = tpu.vector_load %arg6[%get3A_179, %get3A_180] {strides = array<i32>} : memref<512x96xf32, #tpu.memory_space<vmem>>, vector<16xf32>,
              %get3A_182 = arith.index_cast %while3A_167 : i32 to index
              %get3A_183 = arith.constant 32 : index
              %get3A_184 = tpu.vector_load %arg6[%get3A_182, %get3A_183] {strides = array<i32>} : memref<512x96xf32, #tpu.memory_space<vmem>>, vector<16xf32>,
              %get3A_185 = arith.index_cast %while3A_167 : i32 to index
              %get3A_186 = arith.constant 48 : index
              %get3A_187 = tpu.vector_load %arg6[%get3A_185, %get3A_186] {strides = array<i32>} : memref<512x96xf32, #tpu.memory_space<vmem>>, vector<16xf32>,
              %get3A_188 = arith.index_cast %while3A_167 : i32 to index
              %get3A_189 = arith.constant 64 : index
              %get3A_190 = tpu.vector_load %arg6[%get3A_188, %get3A_189] {strides = array<i32>} : memref<512x96xf32, #tpu.memory_space<vmem>>, vector<16xf32>,
              %get3A_191 = arith.index_cast %while3A_167 : i32 to index
              %get3A_192 = arith.constant 80 : index
              %get3A_193 = tpu.vector_load %arg6[%get3A_191, %get3A_192] {strides = array<i32>} : memref<512x96xf32, #tpu.memory_space<vmem>>, vector<16xf32>,
              %gt3A = arith.constant 2.500000e-01 : f32
              %gt3A_194 = vector.broadcast %gt3A : f32 to vector<16xf32>
              %gt3A_195 = arith.cmpf ogt, %get3A_193, %gt3A_194 : vector<16xf32>
              %eq3A_196 = arith.constant 5 : i32
              %eq3A_197 = vector.broadcast %eq3A_196 : i32 to vector<16xi32>
              %eq3A_198 = arith.cmpi eq, %iota3A, %eq3A_197 : vector<16xi32>
              %and3A_199 = arith.andi %gt3A_195, %eq3A_198 : vector<16xi1>
              %reduce_or3A = arith.constant 1.000000e+00 : f32
              %reduce_or3A_200 = arith.constant 0.000000e+00 : f32
              %reduce_or3A_201 = vector.broadcast %reduce_or3A : f32 to vector<16xf32>
              %reduce_or3A_202 = vector.broadcast %reduce_or3A_200 : f32 to vector<16xf32>
              %reduce_or3A_203 = arith.select %and3A_199, %reduce_or3A_201, %reduce_or3A_202 : vector<16xi1>, vector<16xf32>
              %reduce_or3A_204 = arith.constant true
              %reduce_or3A_205 = vector.broadcast %reduce_or3A_204 : i1 to vector<16xi1>
              %reduce_or3A_206 = tpu.scan <max>, %reduce_or3A_203 masked %reduce_or3A_205 : vector<16xf32>, vector<16xi1> -> vector<16xf32>
              %reduce_or3A_207 = vector.extract %reduce_or3A_206[15] : f32 from vector<16xf32>
              %reduce_or3A_208 = arith.constant 0.000000e+00 : f32
              %reduce_or3A_209 = arith.cmpf ogt, %reduce_or3A_207, %reduce_or3A_208 : f32
              %broadcast_in_dim3A_210 = arith.constant 4 : i32
              %broadcast_in_dim3A_211 = vector.broadcast %broadcast_in_dim3A_210 : i32 to vector<16xi32>
              %reshape3A = vector.shape_cast %broadcast_in_dim3A_211 : vector<16xi32> to vector<16x1xi32>
              %gather3A = vector.shape_cast %reshape3A : vector<16x1xi32> to vector<16xi32>
              %gather3A_212 = tpu.dynamic_gather %get3A_178[%gather3A] in [0] : vector<16xf32>, vector<16xi32> -> vector<16xf32>
              %broadcast_in_dim3A_213 = arith.constant 5 : i32
              %broadcast_in_dim3A_214 = vector.broadcast %broadcast_in_dim3A_213 : i32 to vector<16xi32>
              %reshape3A_215 = vector.shape_cast %broadcast_in_dim3A_214 : vector<16xi32> to vector<16x1xi32>
              %gather3A_216 = vector.shape_cast %reshape3A_215 : vector<16x1xi32> to vector<16xi32>
              %gather3A_217 = tpu.dynamic_gather %get3A_193[%gather3A_216] in [0] : vector<16xf32>, vector<16xi32> -> vector<16xf32>
              %add3A_218 = arith.constant 0 : i32
              %add3A_219 = vector.broadcast %add3A_218 : i32 to vector<16xi32>
              %add3A_220 = arith.addi %iota3A, %add3A_219 : vector<16xi32>
              %ge3A = arith.constant 5 : i32
              %ge3A_221 = vector.broadcast %ge3A : i32 to vector<16xi32>
              %ge3A_222 = arith.cmpi sge, %add3A_220, %ge3A_221 : vector<16xi32>
              %lt3A_223 = arith.constant 85 : i32
              %lt3A_224 = vector.broadcast %lt3A_223 : i32 to vector<16xi32>
              %lt3A_225 = arith.cmpi slt, %add3A_220, %lt3A_224 : vector<16xi32>
              %and3A_226 = arith.andi %ge3A_222, %lt3A_225 : vector<16xi1>
              %mul3A_227 = arith.mulf %get3A_178, %gather3A_212 : vector<16xf32>
              %jit3A_228 = arith.constant 0xFF800000 : f32
              %broadcast_in_dim3A_229 = vector.broadcast %jit3A_228 : f32 to vector<16xf32>
              %select_n3A_230 = arith.select %and3A_226, %mul3A_227, %broadcast_in_dim3A_229 : vector<16xi1>, vector<16xf32>
              %add3A_231 = arith.constant 16 : i32
              %add3A_232 = vector.broadcast %add3A_231 : i32 to vector<16xi32>
              %add3A_233 = arith.addi %iota3A, %add3A_232 : vector<16xi32>
              %ge3A_234 = arith.constant 5 : i32
              %ge3A_235 = vector.broadcast %ge3A_234 : i32 to vector<16xi32>
              %ge3A_236 = arith.cmpi sge, %add3A_233, %ge3A_235 : vector<16xi32>
              %lt3A_237 = arith.constant 85 : i32
              %lt3A_238 = vector.broadcast %lt3A_237 : i32 to vector<16xi32>
              %lt3A_239 = arith.cmpi slt, %add3A_233, %lt3A_238 : vector<16xi32>
              %and3A_240 = arith.andi %ge3A_236, %lt3A_239 : vector<16xi1>
              %mul3A_241 = arith.mulf %get3A_181, %gather3A_212 : vector<16xf32>
              %jit3A_242 = arith.constant 0xFF800000 : f32
              %broadcast_in_dim3A_243 = vector.broadcast %jit3A_242 : f32 to vector<16xf32>
              %select_n3A_244 = arith.select %and3A_240, %mul3A_241, %broadcast_in_dim3A_243 : vector<16xi1>, vector<16xf32>
              %add3A_245 = arith.constant 32 : i32
              %add3A_246 = vector.broadcast %add3A_245 : i32 to vector<16xi32>
              %add3A_247 = arith.addi %iota3A, %add3A_246 : vector<16xi32>
              %ge3A_248 = arith.constant 5 : i32
              %ge3A_249 = vector.broadcast %ge3A_248 : i32 to vector<16xi32>
              %ge3A_250 = arith.cmpi sge, %add3A_247, %ge3A_249 : vector<16xi32>
              %lt3A_251 = arith.constant 85 : i32
              %lt3A_252 = vector.broadcast %lt3A_251 : i32 to vector<16xi32>
              %lt3A_253 = arith.cmpi slt, %add3A_247, %lt3A_252 : vector<16xi32>
              %and3A_254 = arith.andi %ge3A_250, %lt3A_253 : vector<16xi1>
              %mul3A_255 = arith.mulf %get3A_184, %gather3A_212 : vector<16xf32>
              %jit3A_256 = arith.constant 0xFF800000 : f32
              %broadcast_in_dim3A_257 = vector.broadcast %jit3A_256 : f32 to vector<16xf32>
              %select_n3A_258 = arith.select %and3A_254, %mul3A_255, %broadcast_in_dim3A_257 : vector<16xi1>, vector<16xf32>
              %add3A_259 = arith.constant 48 : i32
              %add3A_260 = vector.broadcast %add3A_259 : i32 to vector<16xi32>
              %add3A_261 = arith.addi %iota3A, %add3A_260 : vector<16xi32>
              %ge3A_262 = arith.constant 5 : i32
              %ge3A_263 = vector.broadcast %ge3A_262 : i32 to vector<16xi32>
              %ge3A_264 = arith.cmpi sge, %add3A_261, %ge3A_263 : vector<16xi32>
              %lt3A_265 = arith.constant 85 : i32
              %lt3A_266 = vector.broadcast %lt3A_265 : i32 to vector<16xi32>
              %lt3A_267 = arith.cmpi slt, %add3A_261, %lt3A_266 : vector<16xi32>
              %and3A_268 = arith.andi %ge3A_264, %lt3A_267 : vector<16xi1>
              %mul3A_269 = arith.mulf %get3A_187, %gather3A_212 : vector<16xf32>
              %jit3A_270 = arith.constant 0xFF800000 : f32
              %broadcast_in_dim3A_271 = vector.broadcast %jit3A_270 : f32 to vector<16xf32>
              %select_n3A_272 = arith.select %and3A_268, %mul3A_269, %broadcast_in_dim3A_271 : vector<16xi1>, vector<16xf32>
              %add3A_273 = arith.constant 64 : i32
              %add3A_274 = vector.broadcast %add3A_273 : i32 to vector<16xi32>
              %add3A_275 = arith.addi %iota3A, %add3A_274 : vector<16xi32>
              %ge3A_276 = arith.constant 5 : i32
              %ge3A_277 = vector.broadcast %ge3A_276 : i32 to vector<16xi32>
              %ge3A_278 = arith.cmpi sge, %add3A_275, %ge3A_277 : vector<16xi32>
              %lt3A_279 = arith.constant 85 : i32
              %lt3A_280 = vector.broadcast %lt3A_279 : i32 to vector<16xi32>
              %lt3A_281 = arith.cmpi slt, %add3A_275, %lt3A_280 : vector<16xi32>
              %and3A_282 = arith.andi %ge3A_278, %lt3A_281 : vector<16xi1>
              %mul3A_283 = arith.mulf %get3A_190, %gather3A_212 : vector<16xf32>
              %jit3A_284 = arith.constant 0xFF800000 : f32
              %broadcast_in_dim3A_285 = vector.broadcast %jit3A_284 : f32 to vector<16xf32>
              %select_n3A_286 = arith.select %and3A_282, %mul3A_283, %broadcast_in_dim3A_285 : vector<16xi1>, vector<16xf32>
              %add3A_287 = arith.constant 80 : i32
              %add3A_288 = vector.broadcast %add3A_287 : i32 to vector<16xi32>
              %add3A_289 = arith.addi %iota3A, %add3A_288 : vector<16xi32>
              %ge3A_290 = arith.constant 5 : i32
              %ge3A_291 = vector.broadcast %ge3A_290 : i32 to vector<16xi32>
              %ge3A_292 = arith.cmpi sge, %add3A_289, %ge3A_291 : vector<16xi32>
              %lt3A_293 = arith.constant 85 : i32
              %lt3A_294 = vector.broadcast %lt3A_293 : i32 to vector<16xi32>
              %lt3A_295 = arith.cmpi slt, %add3A_289, %lt3A_294 : vector<16xi32>
              %and3A_296 = arith.andi %ge3A_292, %lt3A_295 : vector<16xi1>
              %mul3A_297 = arith.mulf %get3A_193, %gather3A_212 : vector<16xf32>
              %jit3A_298 = arith.constant 0xFF800000 : f32
              %broadcast_in_dim3A_299 = vector.broadcast %jit3A_298 : f32 to vector<16xf32>
              %select_n3A_300 = arith.select %and3A_296, %mul3A_297, %broadcast_in_dim3A_299 : vector<16xi1>, vector<16xf32>
              %max3A = arith.maximumf %select_n3A_230, %select_n3A_244 : vector<16xf32>
              %max3A_301 = arith.maximumf %max3A, %select_n3A_258 : vector<16xf32>
              %max3A_302 = arith.maximumf %max3A_301, %select_n3A_272 : vector<16xf32>
              %max3A_303 = arith.maximumf %max3A_302, %select_n3A_286 : vector<16xf32>
              %max3A_304 = arith.maximumf %max3A_303, %select_n3A_300 : vector<16xf32>
              %reshape3A_305 = vector.shape_cast %select_n3A_47 : vector<16xi32> to vector<16x1xi32>
              %gather3A_306 = vector.shape_cast %reshape3A_305 : vector<16x1xi32> to vector<16xi32>
              %gather3A_307 = tpu.dynamic_gather %max3A_304[%gather3A_306] in [0] : vector<16xf32>, vector<16xi32> -> vector<16xf32>
              %max3A_308 = arith.maximumf %max3A_304, %gather3A_307 : vector<16xf32>
              %reshape3A_309 = vector.shape_cast %select_n3A_72 : vector<16xi32> to vector<16x1xi32>
              %gather3A_310 = vector.shape_cast %reshape3A_309 : vector<16x1xi32> to vector<16xi32>
              %gather3A_311 = tpu.dynamic_gather %max3A_308[%gather3A_310] in [0] : vector<16xf32>, vector<16xi32> -> vector<16xf32>
              %max3A_312 = arith.maximumf %max3A_308, %gather3A_311 : vector<16xf32>
              %reshape3A_313 = vector.shape_cast %select_n3A_97 : vector<16xi32> to vector<16x1xi32>
              %gather3A_314 = vector.shape_cast %reshape3A_313 : vector<16x1xi32> to vector<16xi32>
              %gather3A_315 = tpu.dynamic_gather %max3A_312[%gather3A_314] in [0] : vector<16xf32>, vector<16xi32> -> vector<16xf32>
              %max3A_316 = arith.maximumf %max3A_312, %gather3A_315 : vector<16xf32>
              %reshape3A_317 = vector.shape_cast %select_n3A_122 : vector<16xi32> to vector<16x1xi32>
              %gather3A_318 = vector.shape_cast %reshape3A_317 : vector<16x1xi32> to vector<16xi32>
              %gather3A_319 = tpu.dynamic_gather %max3A_316[%gather3A_318] in [0] : vector<16xf32>, vector<16xi32> -> vector<16xf32>
              %max3A_320 = arith.maximumf %max3A_316, %gather3A_319 : vector<16xf32>
              %broadcast_in_dim3A_321 = arith.constant 4.096000e+03 : f32
              %broadcast_in_dim3A_322 = vector.broadcast %broadcast_in_dim3A_321 : f32 to vector<16xf32>
              %sub3A_323 = arith.constant 5 : i32
              %sub3A_324 = vector.broadcast %sub3A_323 : i32 to vector<16xi32>
              %sub3A_325 = arith.subi %add3A_220, %sub3A_324 : vector<16xi32>
              %convert_element_type3A_326 = arith.sitofp %sub3A_325 : vector<16xi32> to vector<16xf32>
              %eq3A_327 = arith.cmpf oeq, %select_n3A_230, %max3A_320 : vector<16xf32>
              %jit3A_328 = arith.constant 4.096000e+03 : f32
              %broadcast_in_dim3A_329 = vector.broadcast %jit3A_328 : f32 to vector<16xf32>
              %select_n3A_330 = arith.select %eq3A_327, %convert_element_type3A_326, %broadcast_in_dim3A_329 : vector<16xi1>, vector<16xf32>
              %min3A_331 = arith.minimumf %broadcast_in_dim3A_322, %select_n3A_330 : vector<16xf32>
              %sub3A_332 = arith.constant 5 : i32
              %sub3A_333 = vector.broadcast %sub3A_332 : i32 to vector<16xi32>
              %sub3A_334 = arith.subi %add3A_233, %sub3A_333 : vector<16xi32>
              %convert_element_type3A_335 = arith.sitofp %sub3A_334 : vector<16xi32> to vector<16xf32>
              %eq3A_336 = arith.cmpf oeq, %select_n3A_244, %max3A_320 : vector<16xf32>
              %jit3A_337 = arith.constant 4.096000e+03 : f32
              %broadcast_in_dim3A_338 = vector.broadcast %jit3A_337 : f32 to vector<16xf32>
              %select_n3A_339 = arith.select %eq3A_336, %convert_element_type3A_335, %broadcast_in_dim3A_338 : vector<16xi1>, vector<16xf32>
              %min3A_340 = arith.minimumf %min3A_331, %select_n3A_339 : vector<16xf32>
              %sub3A_341 = arith.constant 5 : i32
              %sub3A_342 = vector.broadcast %sub3A_341 : i32 to vector<16xi32>
              %sub3A_343 = arith.subi %add3A_247, %sub3A_342 : vector<16xi32>
              %convert_element_type3A_344 = arith.sitofp %sub3A_343 : vector<16xi32> to vector<16xf32>
              %eq3A_345 = arith.cmpf oeq, %select_n3A_258, %max3A_320 : vector<16xf32>
              %jit3A_346 = arith.constant 4.096000e+03 : f32
              %broadcast_in_dim3A_347 = vector.broadcast %jit3A_346 : f32 to vector<16xf32>
              %select_n3A_348 = arith.select %eq3A_345, %convert_element_type3A_344, %broadcast_in_dim3A_347 : vector<16xi1>, vector<16xf32>
              %min3A_349 = arith.minimumf %min3A_340, %select_n3A_348 : vector<16xf32>
              %sub3A_350 = arith.constant 5 : i32
              %sub3A_351 = vector.broadcast %sub3A_350 : i32 to vector<16xi32>
              %sub3A_352 = arith.subi %add3A_261, %sub3A_351 : vector<16xi32>
              %convert_element_type3A_353 = arith.sitofp %sub3A_352 : vector<16xi32> to vector<16xf32>
              %eq3A_354 = arith.cmpf oeq, %select_n3A_272, %max3A_320 : vector<16xf32>
              %jit3A_355 = arith.constant 4.096000e+03 : f32
              %broadcast_in_dim3A_356 = vector.broadcast %jit3A_355 : f32 to vector<16xf32>
              %select_n3A_357 = arith.select %eq3A_354, %convert_element_type3A_353, %broadcast_in_dim3A_356 : vector<16xi1>, vector<16xf32>
              %min3A_358 = arith.minimumf %min3A_349, %select_n3A_357 : vector<16xf32>
              %sub3A_359 = arith.constant 5 : i32
              %sub3A_360 = vector.broadcast %sub3A_359 : i32 to vector<16xi32>
              %sub3A_361 = arith.subi %add3A_275, %sub3A_360 : vector<16xi32>
              %convert_element_type3A_362 = arith.sitofp %sub3A_361 : vector<16xi32> to vector<16xf32>
              %eq3A_363 = arith.cmpf oeq, %select_n3A_286, %max3A_320 : vector<16xf32>
              %jit3A_364 = arith.constant 4.096000e+03 : f32
              %broadcast_in_dim3A_365 = vector.broadcast %jit3A_364 : f32 to vector<16xf32>
              %select_n3A_366 = arith.select %eq3A_363, %convert_element_type3A_362, %broadcast_in_dim3A_365 : vector<16xi1>, vector<16xf32>
              %min3A_367 = arith.minimumf %min3A_358, %select_n3A_366 : vector<16xf32>
              %sub3A_368 = arith.constant 5 : i32
              %sub3A_369 = vector.broadcast %sub3A_368 : i32 to vector<16xi32>
              %sub3A_370 = arith.subi %add3A_289, %sub3A_369 : vector<16xi32>
              %convert_element_type3A_371 = arith.sitofp %sub3A_370 : vector<16xi32> to vector<16xf32>
              %eq3A_372 = arith.cmpf oeq, %select_n3A_300, %max3A_320 : vector<16xf32>
              %jit3A_373 = arith.constant 4.096000e+03 : f32
              %broadcast_in_dim3A_374 = vector.broadcast %jit3A_373 : f32 to vector<16xf32>
              %select_n3A_375 = arith.select %eq3A_372, %convert_element_type3A_371, %broadcast_in_dim3A_374 : vector<16xi1>, vector<16xf32>
              %min3A_376 = arith.minimumf %min3A_367, %select_n3A_375 : vector<16xf32>
              %reshape3A_377 = vector.shape_cast %select_n3A_47 : vector<16xi32> to vector<16x1xi32>
              %gather3A_378 = vector.shape_cast %reshape3A_377 : vector<16x1xi32> to vector<16xi32>
              %gather3A_379 = tpu.dynamic_gather %min3A_376[%gather3A_378] in [0] : vector<16xf32>, vector<16xi32> -> vector<16xf32>
              %min3A_380 = arith.minimumf %min3A_376, %gather3A_379 : vector<16xf32>
              %reshape3A_381 = vector.shape_cast %select_n3A_72 : vector<16xi32> to vector<16x1xi32>
              %gather3A_382 = vector.shape_cast %reshape3A_381 : vector<16x1xi32> to vector<16xi32>
              %gather3A_383 = tpu.dynamic_gather %min3A_380[%gather3A_382] in [0] : vector<16xf32>, vector<16xi32> -> vector<16xf32>
              %min3A_384 = arith.minimumf %min3A_380, %gather3A_383 : vector<16xf32>
              %reshape3A_385 = vector.shape_cast %select_n3A_97 : vector<16xi32> to vector<16x1xi32>
              %gather3A_386 = vector.shape_cast %reshape3A_385 : vector<16x1xi32> to vector<16xi32>
              %gather3A_387 = tpu.dynamic_gather %min3A_384[%gather3A_386] in [0] : vector<16xf32>, vector<16xi32> -> vector<16xf32>
              %min3A_388 = arith.minimumf %min3A_384, %gather3A_387 : vector<16xf32>
              %reshape3A_389 = vector.shape_cast %select_n3A_122 : vector<16xi32> to vector<16x1xi32>
              %gather3A_390 = vector.shape_cast %reshape3A_389 : vector<16x1xi32> to vector<16xi32>
              %gather3A_391 = tpu.dynamic_gather %min3A_388[%gather3A_390] in [0] : vector<16xf32>, vector<16xi32> -> vector<16xf32>
              %min3A_392 = arith.minimumf %min3A_388, %gather3A_391 : vector<16xf32>
              %broadcast_in_dim3A_393 = arith.constant 0 : i32
              %broadcast_in_dim3A_394 = vector.broadcast %broadcast_in_dim3A_393 : i32 to vector<16xi32>
              %reshape3A_395 = vector.shape_cast %broadcast_in_dim3A_394 : vector<16xi32> to vector<16x1xi32>
              %gather3A_396 = vector.shape_cast %reshape3A_395 : vector<16x1xi32> to vector<16xi32>
              %gather3A_397 = tpu.dynamic_gather %get3A_178[%gather3A_396] in [0] : vector<16xf32>, vector<16xi32> -> vector<16xf32>
              %broadcast_in_dim3A_398 = arith.constant 1 : i32
              %broadcast_in_dim3A_399 = vector.broadcast %broadcast_in_dim3A_398 : i32 to vector<16xi32>
              %reshape3A_400 = vector.shape_cast %broadcast_in_dim3A_399 : vector<16xi32> to vector<16x1xi32>
              %gather3A_401 = vector.shape_cast %reshape3A_400 : vector<16x1xi32> to vector<16xi32>
              %gather3A_402 = tpu.dynamic_gather %get3A_178[%gather3A_401] in [0] : vector<16xf32>, vector<16xi32> -> vector<16xf32>
              %broadcast_in_dim3A_403 = arith.constant 2 : i32
              %broadcast_in_dim3A_404 = vector.broadcast %broadcast_in_dim3A_403 : i32 to vector<16xi32>
              %reshape3A_405 = vector.shape_cast %broadcast_in_dim3A_404 : vector<16xi32> to vector<16x1xi32>
              %gather3A_406 = vector.shape_cast %reshape3A_405 : vector<16x1xi32> to vector<16xi32>
              %gather3A_407 = tpu.dynamic_gather %get3A_178[%gather3A_406] in [0] : vector<16xf32>, vector<16xi32> -> vector<16xf32>
              %broadcast_in_dim3A_408 = arith.constant 3 : i32
              %broadcast_in_dim3A_409 = vector.broadcast %broadcast_in_dim3A_408 : i32 to vector<16xi32>
              %reshape3A_410 = vector.shape_cast %broadcast_in_dim3A_409 : vector<16xi32> to vector<16x1xi32>
              %gather3A_411 = vector.shape_cast %reshape3A_410 : vector<16x1xi32> to vector<16xi32>
              %gather3A_412 = tpu.dynamic_gather %get3A_178[%gather3A_411] in [0] : vector<16xf32>, vector<16xi32> -> vector<16xf32>
              %div3A = arith.constant 2.000000e+00 : f32
              %div3A_413 = vector.broadcast %div3A : f32 to vector<16xf32>
              %div3A_414 = arith.divf %gather3A_407, %div3A_413 : vector<16xf32>
              %div3A_415 = arith.constant 2.000000e+00 : f32
              %div3A_416 = vector.broadcast %div3A_415 : f32 to vector<16xf32>
              %div3A_417 = arith.divf %gather3A_412, %div3A_416 : vector<16xf32>
              %sub3A_418 = arith.subf %gather3A_397, %div3A_414 : vector<16xf32>
              %sub3A_419 = arith.subf %gather3A_402, %div3A_417 : vector<16xf32>
              %add3A_420 = arith.addf %gather3A_397, %div3A_414 : vector<16xf32>
              %add3A_421 = arith.addf %gather3A_402, %div3A_417 : vector<16xf32>
              %mul3A_422 = arith.constant 4.096000e+03 : f32
              %mul3A_423 = vector.broadcast %mul3A_422 : f32 to vector<16xf32>
              %mul3A_424 = arith.mulf %min3A_392, %mul3A_423 : vector<16xf32>
              %add3A_425 = arith.addf %sub3A_418, %mul3A_424 : vector<16xf32>
              %add3A_426 = arith.addf %sub3A_419, %mul3A_424 : vector<16xf32>
              %add3A_427 = arith.addf %add3A_420, %mul3A_424 : vector<16xf32>
              %add3A_428 = arith.addf %add3A_421, %mul3A_424 : vector<16xf32>
              %sub3A_429 = arith.subf %add3A_427, %add3A_425 : vector<16xf32>
              %sub3A_430 = arith.subf %add3A_428, %add3A_426 : vector<16xf32>
              %mul3A_431 = arith.mulf %sub3A_429, %sub3A_430 : vector<16xf32>
              %get3A_432 = arith.constant 0 : i32
              %get3A_433 = arith.index_cast %get3A_432 : i32 to index
              %get3A_434 = memref.load %arg13[%get3A_433] : memref<1xi32, #tpu.memory_space<smem>>
              %add3A_435 = arith.constant 15 : i32
              %add3A_436 = arith.addi %get3A_434, %add3A_435 : i32
              %jit3A_437 = arith.constant 16 : i32
              %div3A_438 = arith.divsi %add3A_436, %jit3A_437 : i32
              %sign3A = arith.constant 0 : i32
              %sign3A_439 = arith.cmpi sgt, %add3A_436, %sign3A : i32
              %sign3A_440 = arith.extui %sign3A_439 : i1 to i32
              %sign3A_441 = arith.constant 0 : i32
              %sign3A_442 = arith.cmpi slt, %add3A_436, %sign3A_441 : i32
              %sign3A_443 = arith.extui %sign3A_442 : i1 to i32
              %sign3A_444 = arith.subi %sign3A_440, %sign3A_443 : i32
              %sign3A_445 = arith.constant 0 : i32
              %sign3A_446 = arith.cmpi sgt, %jit3A_437, %sign3A_445 : i32
              %sign3A_447 = arith.extui %sign3A_446 : i1 to i32
              %sign3A_448 = arith.constant 0 : i32
              %sign3A_449 = arith.cmpi slt, %jit3A_437, %sign3A_448 : i32
              %sign3A_450 = arith.extui %sign3A_449 : i1 to i32
              %sign3A_451 = arith.subi %sign3A_447, %sign3A_450 : i32
              %ne3A_452 = arith.cmpi ne, %sign3A_444, %sign3A_451 : i32
              %rem3A_453 = arith.remsi %add3A_436, %jit3A_437 : i32
              %ne3A_454 = arith.constant 0 : i32
              %ne3A_455 = arith.cmpi ne, %rem3A_453, %ne3A_454 : i32
              %and3A_456 = arith.andi %ne3A_452, %ne3A_455 : i1
              %sub3A_457 = arith.constant 1 : i32
              %sub3A_458 = arith.subi %div3A_438, %sub3A_457 : i32
              %select_n3A_459 = arith.select %and3A_456, %sub3A_458, %div3A_438 : i32
              %broadcast_in_dim3A_460 = arith.constant false
              %broadcast_in_dim3A_461 = vector.broadcast %broadcast_in_dim3A_460 : i1 to vector<16xi1>
              %while3A_462 = arith.constant 0 : i32
              %while3A_463 = arith.subi %select_n3A_459, %while3A_462 : i32
              %while3A_464 = arith.addi %while3A_462, %while3A_463 : i32
              %while3A_465 = arith.constant 1 : i32
              %while3A_466 = arith.divsi %while3A_463, %while3A_465 : i32
              %while3A_467 = arith.muli %while3A_466, %while3A_465 : i32
              %while3A_468 = arith.addi %while3A_462, %while3A_467 : i32
              %while3A_469 = arith.constant 1 : i32
              %while3A_470 = scf.for %while3A_501 = %while3A_462 to %while3A_468 step %while3A_469 iter_args(%while3A_502 = %broadcast_in_dim3A_461) -> (vector<16xi1>)  : i32 {
                %mul3A_503 = arith.constant 16 : i32
                %mul3A_504 = arith.muli %while3A_501, %mul3A_503 : i32
                %multiple_of3A_505 = tpu.assume_multiple %mul3A_504, 16 : i32
                %get3A_506 = arith.index_cast %multiple_of3A_505 : i32 to index
                %get3A_507 = tpu.vector_load %arg7[%get3A_506] {strides = array<i32>} : memref<304xf32, #tpu.memory_space<vmem>>, vector<16xf32>,
                %get3A_508 = arith.index_cast %multiple_of3A_505 : i32 to index
                %get3A_509 = tpu.vector_load %arg8[%get3A_508] {strides = array<i32>} : memref<304xf32, #tpu.memory_space<vmem>>, vector<16xf32>,
                %get3A_510 = arith.index_cast %multiple_of3A_505 : i32 to index
                %get3A_511 = tpu.vector_load %arg9[%get3A_510] {strides = array<i32>} : memref<304xf32, #tpu.memory_space<vmem>>, vector<16xf32>,
                %get3A_512 = arith.index_cast %multiple_of3A_505 : i32 to index
                %get3A_513 = tpu.vector_load %arg10[%get3A_512] {strides = array<i32>} : memref<304xf32, #tpu.memory_space<vmem>>, vector<16xf32>,
                %get3A_514 = arith.index_cast %multiple_of3A_505 : i32 to index
                %get3A_515 = tpu.vector_load %arg11[%get3A_514] {strides = array<i32>} : memref<304xf32, #tpu.memory_space<vmem>>, vector<16xf32>,
                %max3A_516 = arith.maximumf %add3A_425, %get3A_507 : vector<16xf32>
                %max3A_517 = arith.maximumf %add3A_426, %get3A_509 : vector<16xf32>
                %min3A_518 = arith.minimumf %add3A_427, %get3A_511 : vector<16xf32>
                %min3A_519 = arith.minimumf %add3A_428, %get3A_513 : vector<16xf32>
                %sub3A_520 = arith.subf %min3A_518, %max3A_516 : vector<16xf32>
                %max3A_521 = arith.constant 0.000000e+00 : f32
                %max3A_522 = vector.broadcast %max3A_521 : f32 to vector<16xf32>
                %max3A_523 = arith.maximumf %sub3A_520, %max3A_522 : vector<16xf32>
                %sub3A_524 = arith.subf %min3A_519, %max3A_517 : vector<16xf32>
                %max3A_525 = arith.constant 0.000000e+00 : f32
                %max3A_526 = vector.broadcast %max3A_525 : f32 to vector<16xf32>
                %max3A_527 = arith.maximumf %sub3A_524, %max3A_526 : vector<16xf32>
                %mul3A_528 = arith.mulf %max3A_523, %max3A_527 : vector<16xf32>
                %add3A_529 = arith.addf %get3A_515, %mul3A_431 : vector<16xf32>
                %sub3A_530 = arith.subf %add3A_529, %mul3A_528 : vector<16xf32>
                %add3A_531 = arith.constant 9.99999971E-10 : f32
                %add3A_532 = vector.broadcast %add3A_531 : f32 to vector<16xf32>
                %add3A_533 = arith.addf %sub3A_530, %add3A_532 : vector<16xf32>
                %div3A_534 = arith.divf %mul3A_528, %add3A_533 : vector<16xf32>
                %gt3A_535 = arith.constant 4.500000e-01 : f32
                %gt3A_536 = vector.broadcast %gt3A_535 : f32 to vector<16xf32>
                %gt3A_537 = arith.cmpf ogt, %div3A_534, %gt3A_536 : vector<16xf32>
                %or3A = arith.ori %while3A_502, %gt3A_537 : vector<16xi1>
                scf.yield %or3A : vector<16xi1>
              }
              %while3A_471 = arith.constant 1 : i32
              %while3A_472 = scf.for %while3A_501 = %while3A_468 to %while3A_464 step %while3A_471 iter_args(%while3A_502 = %while3A_470) -> (vector<16xi1>)  : i32 {
                %mul3A_503 = arith.constant 16 : i32
                %mul3A_504 = arith.muli %while3A_501, %mul3A_503 : i32
                %multiple_of3A_505 = tpu.assume_multiple %mul3A_504, 16 : i32
                %get3A_506 = arith.index_cast %multiple_of3A_505 : i32 to index
                %get3A_507 = tpu.vector_load %arg7[%get3A_506] {strides = array<i32>} : memref<304xf32, #tpu.memory_space<vmem>>, vector<16xf32>,
                %get3A_508 = arith.index_cast %multiple_of3A_505 : i32 to index
                %get3A_509 = tpu.vector_load %arg8[%get3A_508] {strides = array<i32>} : memref<304xf32, #tpu.memory_space<vmem>>, vector<16xf32>,
                %get3A_510 = arith.index_cast %multiple_of3A_505 : i32 to index
                %get3A_511 = tpu.vector_load %arg9[%get3A_510] {strides = array<i32>} : memref<304xf32, #tpu.memory_space<vmem>>, vector<16xf32>,
                %get3A_512 = arith.index_cast %multiple_of3A_505 : i32 to index
                %get3A_513 = tpu.vector_load %arg10[%get3A_512] {strides = array<i32>} : memref<304xf32, #tpu.memory_space<vmem>>, vector<16xf32>,
                %get3A_514 = arith.index_cast %multiple_of3A_505 : i32 to index
                %get3A_515 = tpu.vector_load %arg11[%get3A_514] {strides = array<i32>} : memref<304xf32, #tpu.memory_space<vmem>>, vector<16xf32>,
                %max3A_516 = arith.maximumf %add3A_425, %get3A_507 : vector<16xf32>
                %max3A_517 = arith.maximumf %add3A_426, %get3A_509 : vector<16xf32>
                %min3A_518 = arith.minimumf %add3A_427, %get3A_511 : vector<16xf32>
                %min3A_519 = arith.minimumf %add3A_428, %get3A_513 : vector<16xf32>
                %sub3A_520 = arith.subf %min3A_518, %max3A_516 : vector<16xf32>
                %max3A_521 = arith.constant 0.000000e+00 : f32
                %max3A_522 = vector.broadcast %max3A_521 : f32 to vector<16xf32>
                %max3A_523 = arith.maximumf %sub3A_520, %max3A_522 : vector<16xf32>
                %sub3A_524 = arith.subf %min3A_519, %max3A_517 : vector<16xf32>
                %max3A_525 = arith.constant 0.000000e+00 : f32
                %max3A_526 = vector.broadcast %max3A_525 : f32 to vector<16xf32>
                %max3A_527 = arith.maximumf %sub3A_524, %max3A_526 : vector<16xf32>
                %mul3A_528 = arith.mulf %max3A_523, %max3A_527 : vector<16xf32>
                %add3A_529 = arith.addf %get3A_515, %mul3A_431 : vector<16xf32>
                %sub3A_530 = arith.subf %add3A_529, %mul3A_528 : vector<16xf32>
                %add3A_531 = arith.constant 9.99999971E-10 : f32
                %add3A_532 = vector.broadcast %add3A_531 : f32 to vector<16xf32>
                %add3A_533 = arith.addf %sub3A_530, %add3A_532 : vector<16xf32>
                %div3A_534 = arith.divf %mul3A_528, %add3A_533 : vector<16xf32>
                %gt3A_535 = arith.constant 4.500000e-01 : f32
                %gt3A_536 = vector.broadcast %gt3A_535 : f32 to vector<16xf32>
                %gt3A_537 = arith.cmpf ogt, %div3A_534, %gt3A_536 : vector<16xf32>
                %or3A = arith.ori %while3A_502, %gt3A_537 : vector<16xi1>
                scf.yield %or3A : vector<16xi1>
              }
              %reduce_or3A_473 = arith.constant 1.000000e+00 : f32
              %reduce_or3A_474 = arith.constant 0.000000e+00 : f32
              %reduce_or3A_475 = vector.broadcast %reduce_or3A_473 : f32 to vector<16xf32>
              %reduce_or3A_476 = vector.broadcast %reduce_or3A_474 : f32 to vector<16xf32>
              %reduce_or3A_477 = arith.select %while3A_472, %reduce_or3A_475, %reduce_or3A_476 : vector<16xi1>, vector<16xf32>
              %reduce_or3A_478 = arith.constant true
              %reduce_or3A_479 = vector.broadcast %reduce_or3A_478 : i1 to vector<16xi1>
              %reduce_or3A_480 = tpu.scan <max>, %reduce_or3A_477 masked %reduce_or3A_479 : vector<16xf32>, vector<16xi1> -> vector<16xf32>
              %reduce_or3A_481 = vector.extract %reduce_or3A_480[15] : f32 from vector<16xf32>
              %reduce_or3A_482 = arith.constant 0.000000e+00 : f32
              %reduce_or3A_483 = arith.cmpf ogt, %reduce_or3A_481, %reduce_or3A_482 : f32
              %not3A = arith.constant true
              %not3A_484 = arith.xori %reduce_or3A_483, %not3A : i1
              %and3A_485 = arith.andi %reduce_or3A_209, %not3A_484 : i1
              %convert_element_type3A_486 = arith.extui %and3A_485 : i1 to i32
              %cond3A_487 = arith.constant 0 : i32
              %cond3A_488 = arith.cmpi ne, %convert_element_type3A_486, %cond3A_487 : i32
              scf.if %cond3A_488 {
                %broadcast_in_dim3A_501 = vector.broadcast %get3A_434 : i32 to vector<16xi32>
                tpu.vector_store_idx %arg7[%broadcast_in_dim3A_501], %add3A_425 masked %eq3A_9 : memref<304xf32, #tpu.memory_space<vmem>>[vector<16xi32>], vector<16xf32>, vector<16xi1>
                tpu.vector_store_idx %arg8[%broadcast_in_dim3A_501], %add3A_426 masked %eq3A_9 : memref<304xf32, #tpu.memory_space<vmem>>[vector<16xi32>], vector<16xf32>, vector<16xi1>
                tpu.vector_store_idx %arg9[%broadcast_in_dim3A_501], %add3A_427 masked %eq3A_9 : memref<304xf32, #tpu.memory_space<vmem>>[vector<16xi32>], vector<16xf32>, vector<16xi1>
                tpu.vector_store_idx %arg10[%broadcast_in_dim3A_501], %add3A_428 masked %eq3A_9 : memref<304xf32, #tpu.memory_space<vmem>>[vector<16xi32>], vector<16xf32>, vector<16xi1>
                tpu.vector_store_idx %arg11[%broadcast_in_dim3A_501], %mul3A_431 masked %eq3A_9 : memref<304xf32, #tpu.memory_space<vmem>>[vector<16xi32>], vector<16xf32>, vector<16xi1>
                %eq3A_502 = arith.constant 0 : i32
                %eq3A_503 = vector.broadcast %eq3A_502 : i32 to vector<16xi32>
                %eq3A_504 = arith.cmpi eq, %iota3A, %eq3A_503 : vector<16xi32>
                %eq3A_505 = arith.constant 1 : i32
                %eq3A_506 = vector.broadcast %eq3A_505 : i32 to vector<16xi32>
                %eq3A_507 = arith.cmpi eq, %iota3A, %eq3A_506 : vector<16xi32>
                %eq3A_508 = arith.constant 2 : i32
                %eq3A_509 = vector.broadcast %eq3A_508 : i32 to vector<16xi32>
                %eq3A_510 = arith.cmpi eq, %iota3A, %eq3A_509 : vector<16xi32>
                %eq3A_511 = arith.constant 3 : i32
                %eq3A_512 = vector.broadcast %eq3A_511 : i32 to vector<16xi32>
                %eq3A_513 = arith.cmpi eq, %iota3A, %eq3A_512 : vector<16xi32>
                %eq3A_514 = arith.constant 4 : i32
                %eq3A_515 = vector.broadcast %eq3A_514 : i32 to vector<16xi32>
                %eq3A_516 = arith.cmpi eq, %iota3A, %eq3A_515 : vector<16xi32>
                %eq3A_517 = arith.constant 5 : i32
                %eq3A_518 = vector.broadcast %eq3A_517 : i32 to vector<16xi32>
                %eq3A_519 = arith.cmpi eq, %iota3A, %eq3A_518 : vector<16xi32>
                %select_n3A_520 = arith.select %eq3A_519, %min3A_392, %broadcast_in_dim3A_3 : vector<16xi1>, vector<16xf32>
                %select_n3A_521 = arith.select %eq3A_516, %gather3A_217, %select_n3A_520 : vector<16xi1>, vector<16xf32>
                %select_n3A_522 = arith.select %eq3A_513, %add3A_421, %select_n3A_521 : vector<16xi1>, vector<16xf32>
                %select_n3A_523 = arith.select %eq3A_510, %add3A_420, %select_n3A_522 : vector<16xi1>, vector<16xf32>
                %select_n3A_524 = arith.select %eq3A_507, %sub3A_419, %select_n3A_523 : vector<16xi1>, vector<16xf32>
                %select_n3A_525 = arith.select %eq3A_504, %sub3A_418, %select_n3A_524 : vector<16xi1>, vector<16xf32>
                %mul3A_526 = arith.constant 16 : i32
                %mul3A_527 = arith.muli %get3A_434, %mul3A_526 : i32
                %multiple_of3A_528 = tpu.assume_multiple %mul3A_527, 16 : i32
                %swap3A_529 = arith.index_cast %multiple_of3A_528 : i32 to index
                %swap3A_530 = tpu.vector_load %arg12[%swap3A_529] {strides = array<i32>} : memref<4864xf32, #tpu.memory_space<vmem>>, vector<16xf32>,
                tpu.vector_store %arg12[%swap3A_529], %select_n3A_525 {strides = array<i32>} : memref<4864xf32, #tpu.memory_space<vmem>>, vector<16xf32>,
              } else {
              }
              %convert_element_type3A_489 = arith.extui %and3A_485 : i1 to i32
              %add3A_490 = arith.addi %get3A_434, %convert_element_type3A_489 : i32
              %swap3A_491 = arith.constant 0 : i32
              %swap3A_492 = arith.index_cast %swap3A_491 : i32 to index
              %swap3A_493 = memref.load %arg13[%swap3A_492] : memref<1xi32, #tpu.memory_space<smem>>
              memref.store %add3A_490, %arg13[%swap3A_492] : memref<1xi32, #tpu.memory_space<smem>>
              %lt3A_494 = arith.constant 300 : i32
              %lt3A_495 = arith.cmpi slt, %add3A_490, %lt3A_494 : i32
              %and3A_496 = arith.andi %reduce_or3A_209, %lt3A_495 : i1
              %convert_element_type3A_497 = arith.extui %and3A_496 : i1 to i32
              %swap3A_498 = arith.constant 0 : i32
              %swap3A_499 = arith.index_cast %swap3A_498 : i32 to index
              %swap3A_500 = memref.load %arg14[%swap3A_499] : memref<1xi32, #tpu.memory_space<smem>>
              memref.store %convert_element_type3A_497, %arg14[%swap3A_499] : memref<1xi32, #tpu.memory_space<smem>>
            } else {
            }
          }
          %while3A_166 = arith.constant 1 : i32
          scf.for %while3A_167 = %while3A_164 to %while3A_160 step %while3A_166  : i32 {
            %get3A_168 = arith.constant 0 : i32
            %get3A_169 = arith.index_cast %get3A_168 : i32 to index
            %get3A_170 = memref.load %arg14[%get3A_169] : memref<1xi32, #tpu.memory_space<smem>>
            %eq3A_171 = arith.constant 1 : i32
            %eq3A_172 = arith.cmpi eq, %get3A_170, %eq3A_171 : i32
            %convert_element_type3A_173 = arith.extui %eq3A_172 : i1 to i32
            %cond3A_174 = arith.constant 0 : i32
            %cond3A_175 = arith.cmpi ne, %convert_element_type3A_173, %cond3A_174 : i32
            scf.if %cond3A_175 {
              %get3A_176 = arith.index_cast %while3A_167 : i32 to index
              %get3A_177 = arith.constant 0 : index
              %get3A_178 = tpu.vector_load %arg6[%get3A_176, %get3A_177] {strides = array<i32>} : memref<512x96xf32, #tpu.memory_space<vmem>>, vector<16xf32>,
              %get3A_179 = arith.index_cast %while3A_167 : i32 to index
              %get3A_180 = arith.constant 16 : index
              %get3A_181 = tpu.vector_load %arg6[%get3A_179, %get3A_180] {strides = array<i32>} : memref<512x96xf32, #tpu.memory_space<vmem>>, vector<16xf32>,
              %get3A_182 = arith.index_cast %while3A_167 : i32 to index
              %get3A_183 = arith.constant 32 : index
              %get3A_184 = tpu.vector_load %arg6[%get3A_182, %get3A_183] {strides = array<i32>} : memref<512x96xf32, #tpu.memory_space<vmem>>, vector<16xf32>,
              %get3A_185 = arith.index_cast %while3A_167 : i32 to index
              %get3A_186 = arith.constant 48 : index
              %get3A_187 = tpu.vector_load %arg6[%get3A_185, %get3A_186] {strides = array<i32>} : memref<512x96xf32, #tpu.memory_space<vmem>>, vector<16xf32>,
              %get3A_188 = arith.index_cast %while3A_167 : i32 to index
              %get3A_189 = arith.constant 64 : index
              %get3A_190 = tpu.vector_load %arg6[%get3A_188, %get3A_189] {strides = array<i32>} : memref<512x96xf32, #tpu.memory_space<vmem>>, vector<16xf32>,
              %get3A_191 = arith.index_cast %while3A_167 : i32 to index
              %get3A_192 = arith.constant 80 : index
              %get3A_193 = tpu.vector_load %arg6[%get3A_191, %get3A_192] {strides = array<i32>} : memref<512x96xf32, #tpu.memory_space<vmem>>, vector<16xf32>,
              %gt3A = arith.constant 2.500000e-01 : f32
              %gt3A_194 = vector.broadcast %gt3A : f32 to vector<16xf32>
              %gt3A_195 = arith.cmpf ogt, %get3A_193, %gt3A_194 : vector<16xf32>
              %eq3A_196 = arith.constant 5 : i32
              %eq3A_197 = vector.broadcast %eq3A_196 : i32 to vector<16xi32>
              %eq3A_198 = arith.cmpi eq, %iota3A, %eq3A_197 : vector<16xi32>
              %and3A_199 = arith.andi %gt3A_195, %eq3A_198 : vector<16xi1>
              %reduce_or3A = arith.constant 1.000000e+00 : f32
              %reduce_or3A_200 = arith.constant 0.000000e+00 : f32
              %reduce_or3A_201 = vector.broadcast %reduce_or3A : f32 to vector<16xf32>
              %reduce_or3A_202 = vector.broadcast %reduce_or3A_200 : f32 to vector<16xf32>
              %reduce_or3A_203 = arith.select %and3A_199, %reduce_or3A_201, %reduce_or3A_202 : vector<16xi1>, vector<16xf32>
              %reduce_or3A_204 = arith.constant true
              %reduce_or3A_205 = vector.broadcast %reduce_or3A_204 : i1 to vector<16xi1>
              %reduce_or3A_206 = tpu.scan <max>, %reduce_or3A_203 masked %reduce_or3A_205 : vector<16xf32>, vector<16xi1> -> vector<16xf32>
              %reduce_or3A_207 = vector.extract %reduce_or3A_206[15] : f32 from vector<16xf32>
              %reduce_or3A_208 = arith.constant 0.000000e+00 : f32
              %reduce_or3A_209 = arith.cmpf ogt, %reduce_or3A_207, %reduce_or3A_208 : f32
              %broadcast_in_dim3A_210 = arith.constant 4 : i32
              %broadcast_in_dim3A_211 = vector.broadcast %broadcast_in_dim3A_210 : i32 to vector<16xi32>
              %reshape3A = vector.shape_cast %broadcast_in_dim3A_211 : vector<16xi32> to vector<16x1xi32>
              %gather3A = vector.shape_cast %reshape3A : vector<16x1xi32> to vector<16xi32>
              %gather3A_212 = tpu.dynamic_gather %get3A_178[%gather3A] in [0] : vector<16xf32>, vector<16xi32> -> vector<16xf32>
              %broadcast_in_dim3A_213 = arith.constant 5 : i32
              %broadcast_in_dim3A_214 = vector.broadcast %broadcast_in_dim3A_213 : i32 to vector<16xi32>
              %reshape3A_215 = vector.shape_cast %broadcast_in_dim3A_214 : vector<16xi32> to vector<16x1xi32>
              %gather3A_216 = vector.shape_cast %reshape3A_215 : vector<16x1xi32> to vector<16xi32>
              %gather3A_217 = tpu.dynamic_gather %get3A_193[%gather3A_216] in [0] : vector<16xf32>, vector<16xi32> -> vector<16xf32>
              %add3A_218 = arith.constant 0 : i32
              %add3A_219 = vector.broadcast %add3A_218 : i32 to vector<16xi32>
              %add3A_220 = arith.addi %iota3A, %add3A_219 : vector<16xi32>
              %ge3A = arith.constant 5 : i32
              %ge3A_221 = vector.broadcast %ge3A : i32 to vector<16xi32>
              %ge3A_222 = arith.cmpi sge, %add3A_220, %ge3A_221 : vector<16xi32>
              %lt3A_223 = arith.constant 85 : i32
              %lt3A_224 = vector.broadcast %lt3A_223 : i32 to vector<16xi32>
              %lt3A_225 = arith.cmpi slt, %add3A_220, %lt3A_224 : vector<16xi32>
              %and3A_226 = arith.andi %ge3A_222, %lt3A_225 : vector<16xi1>
              %mul3A_227 = arith.mulf %get3A_178, %gather3A_212 : vector<16xf32>
              %jit3A_228 = arith.constant 0xFF800000 : f32
              %broadcast_in_dim3A_229 = vector.broadcast %jit3A_228 : f32 to vector<16xf32>
              %select_n3A_230 = arith.select %and3A_226, %mul3A_227, %broadcast_in_dim3A_229 : vector<16xi1>, vector<16xf32>
              %add3A_231 = arith.constant 16 : i32
              %add3A_232 = vector.broadcast %add3A_231 : i32 to vector<16xi32>
              %add3A_233 = arith.addi %iota3A, %add3A_232 : vector<16xi32>
              %ge3A_234 = arith.constant 5 : i32
              %ge3A_235 = vector.broadcast %ge3A_234 : i32 to vector<16xi32>
              %ge3A_236 = arith.cmpi sge, %add3A_233, %ge3A_235 : vector<16xi32>
              %lt3A_237 = arith.constant 85 : i32
              %lt3A_238 = vector.broadcast %lt3A_237 : i32 to vector<16xi32>
              %lt3A_239 = arith.cmpi slt, %add3A_233, %lt3A_238 : vector<16xi32>
              %and3A_240 = arith.andi %ge3A_236, %lt3A_239 : vector<16xi1>
              %mul3A_241 = arith.mulf %get3A_181, %gather3A_212 : vector<16xf32>
              %jit3A_242 = arith.constant 0xFF800000 : f32
              %broadcast_in_dim3A_243 = vector.broadcast %jit3A_242 : f32 to vector<16xf32>
              %select_n3A_244 = arith.select %and3A_240, %mul3A_241, %broadcast_in_dim3A_243 : vector<16xi1>, vector<16xf32>
              %add3A_245 = arith.constant 32 : i32
              %add3A_246 = vector.broadcast %add3A_245 : i32 to vector<16xi32>
              %add3A_247 = arith.addi %iota3A, %add3A_246 : vector<16xi32>
              %ge3A_248 = arith.constant 5 : i32
              %ge3A_249 = vector.broadcast %ge3A_248 : i32 to vector<16xi32>
              %ge3A_250 = arith.cmpi sge, %add3A_247, %ge3A_249 : vector<16xi32>
              %lt3A_251 = arith.constant 85 : i32
              %lt3A_252 = vector.broadcast %lt3A_251 : i32 to vector<16xi32>
              %lt3A_253 = arith.cmpi slt, %add3A_247, %lt3A_252 : vector<16xi32>
              %and3A_254 = arith.andi %ge3A_250, %lt3A_253 : vector<16xi1>
              %mul3A_255 = arith.mulf %get3A_184, %gather3A_212 : vector<16xf32>
              %jit3A_256 = arith.constant 0xFF800000 : f32
              %broadcast_in_dim3A_257 = vector.broadcast %jit3A_256 : f32 to vector<16xf32>
              %select_n3A_258 = arith.select %and3A_254, %mul3A_255, %broadcast_in_dim3A_257 : vector<16xi1>, vector<16xf32>
              %add3A_259 = arith.constant 48 : i32
              %add3A_260 = vector.broadcast %add3A_259 : i32 to vector<16xi32>
              %add3A_261 = arith.addi %iota3A, %add3A_260 : vector<16xi32>
              %ge3A_262 = arith.constant 5 : i32
              %ge3A_263 = vector.broadcast %ge3A_262 : i32 to vector<16xi32>
              %ge3A_264 = arith.cmpi sge, %add3A_261, %ge3A_263 : vector<16xi32>
              %lt3A_265 = arith.constant 85 : i32
              %lt3A_266 = vector.broadcast %lt3A_265 : i32 to vector<16xi32>
              %lt3A_267 = arith.cmpi slt, %add3A_261, %lt3A_266 : vector<16xi32>
              %and3A_268 = arith.andi %ge3A_264, %lt3A_267 : vector<16xi1>
              %mul3A_269 = arith.mulf %get3A_187, %gather3A_212 : vector<16xf32>
              %jit3A_270 = arith.constant 0xFF800000 : f32
              %broadcast_in_dim3A_271 = vector.broadcast %jit3A_270 : f32 to vector<16xf32>
              %select_n3A_272 = arith.select %and3A_268, %mul3A_269, %broadcast_in_dim3A_271 : vector<16xi1>, vector<16xf32>
              %add3A_273 = arith.constant 64 : i32
              %add3A_274 = vector.broadcast %add3A_273 : i32 to vector<16xi32>
              %add3A_275 = arith.addi %iota3A, %add3A_274 : vector<16xi32>
              %ge3A_276 = arith.constant 5 : i32
              %ge3A_277 = vector.broadcast %ge3A_276 : i32 to vector<16xi32>
              %ge3A_278 = arith.cmpi sge, %add3A_275, %ge3A_277 : vector<16xi32>
              %lt3A_279 = arith.constant 85 : i32
              %lt3A_280 = vector.broadcast %lt3A_279 : i32 to vector<16xi32>
              %lt3A_281 = arith.cmpi slt, %add3A_275, %lt3A_280 : vector<16xi32>
              %and3A_282 = arith.andi %ge3A_278, %lt3A_281 : vector<16xi1>
              %mul3A_283 = arith.mulf %get3A_190, %gather3A_212 : vector<16xf32>
              %jit3A_284 = arith.constant 0xFF800000 : f32
              %broadcast_in_dim3A_285 = vector.broadcast %jit3A_284 : f32 to vector<16xf32>
              %select_n3A_286 = arith.select %and3A_282, %mul3A_283, %broadcast_in_dim3A_285 : vector<16xi1>, vector<16xf32>
              %add3A_287 = arith.constant 80 : i32
              %add3A_288 = vector.broadcast %add3A_287 : i32 to vector<16xi32>
              %add3A_289 = arith.addi %iota3A, %add3A_288 : vector<16xi32>
              %ge3A_290 = arith.constant 5 : i32
              %ge3A_291 = vector.broadcast %ge3A_290 : i32 to vector<16xi32>
              %ge3A_292 = arith.cmpi sge, %add3A_289, %ge3A_291 : vector<16xi32>
              %lt3A_293 = arith.constant 85 : i32
              %lt3A_294 = vector.broadcast %lt3A_293 : i32 to vector<16xi32>
              %lt3A_295 = arith.cmpi slt, %add3A_289, %lt3A_294 : vector<16xi32>
              %and3A_296 = arith.andi %ge3A_292, %lt3A_295 : vector<16xi1>
              %mul3A_297 = arith.mulf %get3A_193, %gather3A_212 : vector<16xf32>
              %jit3A_298 = arith.constant 0xFF800000 : f32
              %broadcast_in_dim3A_299 = vector.broadcast %jit3A_298 : f32 to vector<16xf32>
              %select_n3A_300 = arith.select %and3A_296, %mul3A_297, %broadcast_in_dim3A_299 : vector<16xi1>, vector<16xf32>
              %max3A = arith.maximumf %select_n3A_230, %select_n3A_244 : vector<16xf32>
              %max3A_301 = arith.maximumf %max3A, %select_n3A_258 : vector<16xf32>
              %max3A_302 = arith.maximumf %max3A_301, %select_n3A_272 : vector<16xf32>
              %max3A_303 = arith.maximumf %max3A_302, %select_n3A_286 : vector<16xf32>
              %max3A_304 = arith.maximumf %max3A_303, %select_n3A_300 : vector<16xf32>
              %reshape3A_305 = vector.shape_cast %select_n3A_47 : vector<16xi32> to vector<16x1xi32>
              %gather3A_306 = vector.shape_cast %reshape3A_305 : vector<16x1xi32> to vector<16xi32>
              %gather3A_307 = tpu.dynamic_gather %max3A_304[%gather3A_306] in [0] : vector<16xf32>, vector<16xi32> -> vector<16xf32>
              %max3A_308 = arith.maximumf %max3A_304, %gather3A_307 : vector<16xf32>
              %reshape3A_309 = vector.shape_cast %select_n3A_72 : vector<16xi32> to vector<16x1xi32>
              %gather3A_310 = vector.shape_cast %reshape3A_309 : vector<16x1xi32> to vector<16xi32>
              %gather3A_311 = tpu.dynamic_gather %max3A_308[%gather3A_310] in [0] : vector<16xf32>, vector<16xi32> -> vector<16xf32>
              %max3A_312 = arith.maximumf %max3A_308, %gather3A_311 : vector<16xf32>
              %reshape3A_313 = vector.shape_cast %select_n3A_97 : vector<16xi32> to vector<16x1xi32>
              %gather3A_314 = vector.shape_cast %reshape3A_313 : vector<16x1xi32> to vector<16xi32>
              %gather3A_315 = tpu.dynamic_gather %max3A_312[%gather3A_314] in [0] : vector<16xf32>, vector<16xi32> -> vector<16xf32>
              %max3A_316 = arith.maximumf %max3A_312, %gather3A_315 : vector<16xf32>
              %reshape3A_317 = vector.shape_cast %select_n3A_122 : vector<16xi32> to vector<16x1xi32>
              %gather3A_318 = vector.shape_cast %reshape3A_317 : vector<16x1xi32> to vector<16xi32>
              %gather3A_319 = tpu.dynamic_gather %max3A_316[%gather3A_318] in [0] : vector<16xf32>, vector<16xi32> -> vector<16xf32>
              %max3A_320 = arith.maximumf %max3A_316, %gather3A_319 : vector<16xf32>
              %broadcast_in_dim3A_321 = arith.constant 4.096000e+03 : f32
              %broadcast_in_dim3A_322 = vector.broadcast %broadcast_in_dim3A_321 : f32 to vector<16xf32>
              %sub3A_323 = arith.constant 5 : i32
              %sub3A_324 = vector.broadcast %sub3A_323 : i32 to vector<16xi32>
              %sub3A_325 = arith.subi %add3A_220, %sub3A_324 : vector<16xi32>
              %convert_element_type3A_326 = arith.sitofp %sub3A_325 : vector<16xi32> to vector<16xf32>
              %eq3A_327 = arith.cmpf oeq, %select_n3A_230, %max3A_320 : vector<16xf32>
              %jit3A_328 = arith.constant 4.096000e+03 : f32
              %broadcast_in_dim3A_329 = vector.broadcast %jit3A_328 : f32 to vector<16xf32>
              %select_n3A_330 = arith.select %eq3A_327, %convert_element_type3A_326, %broadcast_in_dim3A_329 : vector<16xi1>, vector<16xf32>
              %min3A_331 = arith.minimumf %broadcast_in_dim3A_322, %select_n3A_330 : vector<16xf32>
              %sub3A_332 = arith.constant 5 : i32
              %sub3A_333 = vector.broadcast %sub3A_332 : i32 to vector<16xi32>
              %sub3A_334 = arith.subi %add3A_233, %sub3A_333 : vector<16xi32>
              %convert_element_type3A_335 = arith.sitofp %sub3A_334 : vector<16xi32> to vector<16xf32>
              %eq3A_336 = arith.cmpf oeq, %select_n3A_244, %max3A_320 : vector<16xf32>
              %jit3A_337 = arith.constant 4.096000e+03 : f32
              %broadcast_in_dim3A_338 = vector.broadcast %jit3A_337 : f32 to vector<16xf32>
              %select_n3A_339 = arith.select %eq3A_336, %convert_element_type3A_335, %broadcast_in_dim3A_338 : vector<16xi1>, vector<16xf32>
              %min3A_340 = arith.minimumf %min3A_331, %select_n3A_339 : vector<16xf32>
              %sub3A_341 = arith.constant 5 : i32
              %sub3A_342 = vector.broadcast %sub3A_341 : i32 to vector<16xi32>
              %sub3A_343 = arith.subi %add3A_247, %sub3A_342 : vector<16xi32>
              %convert_element_type3A_344 = arith.sitofp %sub3A_343 : vector<16xi32> to vector<16xf32>
              %eq3A_345 = arith.cmpf oeq, %select_n3A_258, %max3A_320 : vector<16xf32>
              %jit3A_346 = arith.constant 4.096000e+03 : f32
              %broadcast_in_dim3A_347 = vector.broadcast %jit3A_346 : f32 to vector<16xf32>
              %select_n3A_348 = arith.select %eq3A_345, %convert_element_type3A_344, %broadcast_in_dim3A_347 : vector<16xi1>, vector<16xf32>
              %min3A_349 = arith.minimumf %min3A_340, %select_n3A_348 : vector<16xf32>
              %sub3A_350 = arith.constant 5 : i32
              %sub3A_351 = vector.broadcast %sub3A_350 : i32 to vector<16xi32>
              %sub3A_352 = arith.subi %add3A_261, %sub3A_351 : vector<16xi32>
              %convert_element_type3A_353 = arith.sitofp %sub3A_352 : vector<16xi32> to vector<16xf32>
              %eq3A_354 = arith.cmpf oeq, %select_n3A_272, %max3A_320 : vector<16xf32>
              %jit3A_355 = arith.constant 4.096000e+03 : f32
              %broadcast_in_dim3A_356 = vector.broadcast %jit3A_355 : f32 to vector<16xf32>
              %select_n3A_357 = arith.select %eq3A_354, %convert_element_type3A_353, %broadcast_in_dim3A_356 : vector<16xi1>, vector<16xf32>
              %min3A_358 = arith.minimumf %min3A_349, %select_n3A_357 : vector<16xf32>
              %sub3A_359 = arith.constant 5 : i32
              %sub3A_360 = vector.broadcast %sub3A_359 : i32 to vector<16xi32>
              %sub3A_361 = arith.subi %add3A_275, %sub3A_360 : vector<16xi32>
              %convert_element_type3A_362 = arith.sitofp %sub3A_361 : vector<16xi32> to vector<16xf32>
              %eq3A_363 = arith.cmpf oeq, %select_n3A_286, %max3A_320 : vector<16xf32>
              %jit3A_364 = arith.constant 4.096000e+03 : f32
              %broadcast_in_dim3A_365 = vector.broadcast %jit3A_364 : f32 to vector<16xf32>
              %select_n3A_366 = arith.select %eq3A_363, %convert_element_type3A_362, %broadcast_in_dim3A_365 : vector<16xi1>, vector<16xf32>
              %min3A_367 = arith.minimumf %min3A_358, %select_n3A_366 : vector<16xf32>
              %sub3A_368 = arith.constant 5 : i32
              %sub3A_369 = vector.broadcast %sub3A_368 : i32 to vector<16xi32>
              %sub3A_370 = arith.subi %add3A_289, %sub3A_369 : vector<16xi32>
              %convert_element_type3A_371 = arith.sitofp %sub3A_370 : vector<16xi32> to vector<16xf32>
              %eq3A_372 = arith.cmpf oeq, %select_n3A_300, %max3A_320 : vector<16xf32>
              %jit3A_373 = arith.constant 4.096000e+03 : f32
              %broadcast_in_dim3A_374 = vector.broadcast %jit3A_373 : f32 to vector<16xf32>
              %select_n3A_375 = arith.select %eq3A_372, %convert_element_type3A_371, %broadcast_in_dim3A_374 : vector<16xi1>, vector<16xf32>
              %min3A_376 = arith.minimumf %min3A_367, %select_n3A_375 : vector<16xf32>
              %reshape3A_377 = vector.shape_cast %select_n3A_47 : vector<16xi32> to vector<16x1xi32>
              %gather3A_378 = vector.shape_cast %reshape3A_377 : vector<16x1xi32> to vector<16xi32>
              %gather3A_379 = tpu.dynamic_gather %min3A_376[%gather3A_378] in [0] : vector<16xf32>, vector<16xi32> -> vector<16xf32>
              %min3A_380 = arith.minimumf %min3A_376, %gather3A_379 : vector<16xf32>
              %reshape3A_381 = vector.shape_cast %select_n3A_72 : vector<16xi32> to vector<16x1xi32>
              %gather3A_382 = vector.shape_cast %reshape3A_381 : vector<16x1xi32> to vector<16xi32>
              %gather3A_383 = tpu.dynamic_gather %min3A_380[%gather3A_382] in [0] : vector<16xf32>, vector<16xi32> -> vector<16xf32>
              %min3A_384 = arith.minimumf %min3A_380, %gather3A_383 : vector<16xf32>
              %reshape3A_385 = vector.shape_cast %select_n3A_97 : vector<16xi32> to vector<16x1xi32>
              %gather3A_386 = vector.shape_cast %reshape3A_385 : vector<16x1xi32> to vector<16xi32>
              %gather3A_387 = tpu.dynamic_gather %min3A_384[%gather3A_386] in [0] : vector<16xf32>, vector<16xi32> -> vector<16xf32>
              %min3A_388 = arith.minimumf %min3A_384, %gather3A_387 : vector<16xf32>
              %reshape3A_389 = vector.shape_cast %select_n3A_122 : vector<16xi32> to vector<16x1xi32>
              %gather3A_390 = vector.shape_cast %reshape3A_389 : vector<16x1xi32> to vector<16xi32>
              %gather3A_391 = tpu.dynamic_gather %min3A_388[%gather3A_390] in [0] : vector<16xf32>, vector<16xi32> -> vector<16xf32>
              %min3A_392 = arith.minimumf %min3A_388, %gather3A_391 : vector<16xf32>
              %broadcast_in_dim3A_393 = arith.constant 0 : i32
              %broadcast_in_dim3A_394 = vector.broadcast %broadcast_in_dim3A_393 : i32 to vector<16xi32>
              %reshape3A_395 = vector.shape_cast %broadcast_in_dim3A_394 : vector<16xi32> to vector<16x1xi32>
              %gather3A_396 = vector.shape_cast %reshape3A_395 : vector<16x1xi32> to vector<16xi32>
              %gather3A_397 = tpu.dynamic_gather %get3A_178[%gather3A_396] in [0] : vector<16xf32>, vector<16xi32> -> vector<16xf32>
              %broadcast_in_dim3A_398 = arith.constant 1 : i32
              %broadcast_in_dim3A_399 = vector.broadcast %broadcast_in_dim3A_398 : i32 to vector<16xi32>
              %reshape3A_400 = vector.shape_cast %broadcast_in_dim3A_399 : vector<16xi32> to vector<16x1xi32>
              %gather3A_401 = vector.shape_cast %reshape3A_400 : vector<16x1xi32> to vector<16xi32>
              %gather3A_402 = tpu.dynamic_gather %get3A_178[%gather3A_401] in [0] : vector<16xf32>, vector<16xi32> -> vector<16xf32>
              %broadcast_in_dim3A_403 = arith.constant 2 : i32
              %broadcast_in_dim3A_404 = vector.broadcast %broadcast_in_dim3A_403 : i32 to vector<16xi32>
              %reshape3A_405 = vector.shape_cast %broadcast_in_dim3A_404 : vector<16xi32> to vector<16x1xi32>
              %gather3A_406 = vector.shape_cast %reshape3A_405 : vector<16x1xi32> to vector<16xi32>
              %gather3A_407 = tpu.dynamic_gather %get3A_178[%gather3A_406] in [0] : vector<16xf32>, vector<16xi32> -> vector<16xf32>
              %broadcast_in_dim3A_408 = arith.constant 3 : i32
              %broadcast_in_dim3A_409 = vector.broadcast %broadcast_in_dim3A_408 : i32 to vector<16xi32>
              %reshape3A_410 = vector.shape_cast %broadcast_in_dim3A_409 : vector<16xi32> to vector<16x1xi32>
              %gather3A_411 = vector.shape_cast %reshape3A_410 : vector<16x1xi32> to vector<16xi32>
              %gather3A_412 = tpu.dynamic_gather %get3A_178[%gather3A_411] in [0] : vector<16xf32>, vector<16xi32> -> vector<16xf32>
              %div3A = arith.constant 2.000000e+00 : f32
              %div3A_413 = vector.broadcast %div3A : f32 to vector<16xf32>
              %div3A_414 = arith.divf %gather3A_407, %div3A_413 : vector<16xf32>
              %div3A_415 = arith.constant 2.000000e+00 : f32
              %div3A_416 = vector.broadcast %div3A_415 : f32 to vector<16xf32>
              %div3A_417 = arith.divf %gather3A_412, %div3A_416 : vector<16xf32>
              %sub3A_418 = arith.subf %gather3A_397, %div3A_414 : vector<16xf32>
              %sub3A_419 = arith.subf %gather3A_402, %div3A_417 : vector<16xf32>
              %add3A_420 = arith.addf %gather3A_397, %div3A_414 : vector<16xf32>
              %add3A_421 = arith.addf %gather3A_402, %div3A_417 : vector<16xf32>
              %mul3A_422 = arith.constant 4.096000e+03 : f32
              %mul3A_423 = vector.broadcast %mul3A_422 : f32 to vector<16xf32>
              %mul3A_424 = arith.mulf %min3A_392, %mul3A_423 : vector<16xf32>
              %add3A_425 = arith.addf %sub3A_418, %mul3A_424 : vector<16xf32>
              %add3A_426 = arith.addf %sub3A_419, %mul3A_424 : vector<16xf32>
              %add3A_427 = arith.addf %add3A_420, %mul3A_424 : vector<16xf32>
              %add3A_428 = arith.addf %add3A_421, %mul3A_424 : vector<16xf32>
              %sub3A_429 = arith.subf %add3A_427, %add3A_425 : vector<16xf32>
              %sub3A_430 = arith.subf %add3A_428, %add3A_426 : vector<16xf32>
              %mul3A_431 = arith.mulf %sub3A_429, %sub3A_430 : vector<16xf32>
              %get3A_432 = arith.constant 0 : i32
              %get3A_433 = arith.index_cast %get3A_432 : i32 to index
              %get3A_434 = memref.load %arg13[%get3A_433] : memref<1xi32, #tpu.memory_space<smem>>
              %add3A_435 = arith.constant 15 : i32
              %add3A_436 = arith.addi %get3A_434, %add3A_435 : i32
              %jit3A_437 = arith.constant 16 : i32
              %div3A_438 = arith.divsi %add3A_436, %jit3A_437 : i32
              %sign3A = arith.constant 0 : i32
              %sign3A_439 = arith.cmpi sgt, %add3A_436, %sign3A : i32
              %sign3A_440 = arith.extui %sign3A_439 : i1 to i32
              %sign3A_441 = arith.constant 0 : i32
              %sign3A_442 = arith.cmpi slt, %add3A_436, %sign3A_441 : i32
              %sign3A_443 = arith.extui %sign3A_442 : i1 to i32
              %sign3A_444 = arith.subi %sign3A_440, %sign3A_443 : i32
              %sign3A_445 = arith.constant 0 : i32
              %sign3A_446 = arith.cmpi sgt, %jit3A_437, %sign3A_445 : i32
              %sign3A_447 = arith.extui %sign3A_446 : i1 to i32
              %sign3A_448 = arith.constant 0 : i32
              %sign3A_449 = arith.cmpi slt, %jit3A_437, %sign3A_448 : i32
              %sign3A_450 = arith.extui %sign3A_449 : i1 to i32
              %sign3A_451 = arith.subi %sign3A_447, %sign3A_450 : i32
              %ne3A_452 = arith.cmpi ne, %sign3A_444, %sign3A_451 : i32
              %rem3A_453 = arith.remsi %add3A_436, %jit3A_437 : i32
              %ne3A_454 = arith.constant 0 : i32
              %ne3A_455 = arith.cmpi ne, %rem3A_453, %ne3A_454 : i32
              %and3A_456 = arith.andi %ne3A_452, %ne3A_455 : i1
              %sub3A_457 = arith.constant 1 : i32
              %sub3A_458 = arith.subi %div3A_438, %sub3A_457 : i32
              %select_n3A_459 = arith.select %and3A_456, %sub3A_458, %div3A_438 : i32
              %broadcast_in_dim3A_460 = arith.constant false
              %broadcast_in_dim3A_461 = vector.broadcast %broadcast_in_dim3A_460 : i1 to vector<16xi1>
              %while3A_462 = arith.constant 0 : i32
              %while3A_463 = arith.subi %select_n3A_459, %while3A_462 : i32
              %while3A_464 = arith.addi %while3A_462, %while3A_463 : i32
              %while3A_465 = arith.constant 1 : i32
              %while3A_466 = arith.divsi %while3A_463, %while3A_465 : i32
              %while3A_467 = arith.muli %while3A_466, %while3A_465 : i32
              %while3A_468 = arith.addi %while3A_462, %while3A_467 : i32
              %while3A_469 = arith.constant 1 : i32
              %while3A_470 = scf.for %while3A_501 = %while3A_462 to %while3A_468 step %while3A_469 iter_args(%while3A_502 = %broadcast_in_dim3A_461) -> (vector<16xi1>)  : i32 {
                %mul3A_503 = arith.constant 16 : i32
                %mul3A_504 = arith.muli %while3A_501, %mul3A_503 : i32
                %multiple_of3A_505 = tpu.assume_multiple %mul3A_504, 16 : i32
                %get3A_506 = arith.index_cast %multiple_of3A_505 : i32 to index
                %get3A_507 = tpu.vector_load %arg7[%get3A_506] {strides = array<i32>} : memref<304xf32, #tpu.memory_space<vmem>>, vector<16xf32>,
                %get3A_508 = arith.index_cast %multiple_of3A_505 : i32 to index
                %get3A_509 = tpu.vector_load %arg8[%get3A_508] {strides = array<i32>} : memref<304xf32, #tpu.memory_space<vmem>>, vector<16xf32>,
                %get3A_510 = arith.index_cast %multiple_of3A_505 : i32 to index
                %get3A_511 = tpu.vector_load %arg9[%get3A_510] {strides = array<i32>} : memref<304xf32, #tpu.memory_space<vmem>>, vector<16xf32>,
                %get3A_512 = arith.index_cast %multiple_of3A_505 : i32 to index
                %get3A_513 = tpu.vector_load %arg10[%get3A_512] {strides = array<i32>} : memref<304xf32, #tpu.memory_space<vmem>>, vector<16xf32>,
                %get3A_514 = arith.index_cast %multiple_of3A_505 : i32 to index
                %get3A_515 = tpu.vector_load %arg11[%get3A_514] {strides = array<i32>} : memref<304xf32, #tpu.memory_space<vmem>>, vector<16xf32>,
                %max3A_516 = arith.maximumf %add3A_425, %get3A_507 : vector<16xf32>
                %max3A_517 = arith.maximumf %add3A_426, %get3A_509 : vector<16xf32>
                %min3A_518 = arith.minimumf %add3A_427, %get3A_511 : vector<16xf32>
                %min3A_519 = arith.minimumf %add3A_428, %get3A_513 : vector<16xf32>
                %sub3A_520 = arith.subf %min3A_518, %max3A_516 : vector<16xf32>
                %max3A_521 = arith.constant 0.000000e+00 : f32
                %max3A_522 = vector.broadcast %max3A_521 : f32 to vector<16xf32>
                %max3A_523 = arith.maximumf %sub3A_520, %max3A_522 : vector<16xf32>
                %sub3A_524 = arith.subf %min3A_519, %max3A_517 : vector<16xf32>
                %max3A_525 = arith.constant 0.000000e+00 : f32
                %max3A_526 = vector.broadcast %max3A_525 : f32 to vector<16xf32>
                %max3A_527 = arith.maximumf %sub3A_524, %max3A_526 : vector<16xf32>
                %mul3A_528 = arith.mulf %max3A_523, %max3A_527 : vector<16xf32>
                %add3A_529 = arith.addf %get3A_515, %mul3A_431 : vector<16xf32>
                %sub3A_530 = arith.subf %add3A_529, %mul3A_528 : vector<16xf32>
                %add3A_531 = arith.constant 9.99999971E-10 : f32
                %add3A_532 = vector.broadcast %add3A_531 : f32 to vector<16xf32>
                %add3A_533 = arith.addf %sub3A_530, %add3A_532 : vector<16xf32>
                %div3A_534 = arith.divf %mul3A_528, %add3A_533 : vector<16xf32>
                %gt3A_535 = arith.constant 4.500000e-01 : f32
                %gt3A_536 = vector.broadcast %gt3A_535 : f32 to vector<16xf32>
                %gt3A_537 = arith.cmpf ogt, %div3A_534, %gt3A_536 : vector<16xf32>
                %or3A = arith.ori %while3A_502, %gt3A_537 : vector<16xi1>
                scf.yield %or3A : vector<16xi1>
              }
              %while3A_471 = arith.constant 1 : i32
              %while3A_472 = scf.for %while3A_501 = %while3A_468 to %while3A_464 step %while3A_471 iter_args(%while3A_502 = %while3A_470) -> (vector<16xi1>)  : i32 {
                %mul3A_503 = arith.constant 16 : i32
                %mul3A_504 = arith.muli %while3A_501, %mul3A_503 : i32
                %multiple_of3A_505 = tpu.assume_multiple %mul3A_504, 16 : i32
                %get3A_506 = arith.index_cast %multiple_of3A_505 : i32 to index
                %get3A_507 = tpu.vector_load %arg7[%get3A_506] {strides = array<i32>} : memref<304xf32, #tpu.memory_space<vmem>>, vector<16xf32>,
                %get3A_508 = arith.index_cast %multiple_of3A_505 : i32 to index
                %get3A_509 = tpu.vector_load %arg8[%get3A_508] {strides = array<i32>} : memref<304xf32, #tpu.memory_space<vmem>>, vector<16xf32>,
                %get3A_510 = arith.index_cast %multiple_of3A_505 : i32 to index
                %get3A_511 = tpu.vector_load %arg9[%get3A_510] {strides = array<i32>} : memref<304xf32, #tpu.memory_space<vmem>>, vector<16xf32>,
                %get3A_512 = arith.index_cast %multiple_of3A_505 : i32 to index
                %get3A_513 = tpu.vector_load %arg10[%get3A_512] {strides = array<i32>} : memref<304xf32, #tpu.memory_space<vmem>>, vector<16xf32>,
                %get3A_514 = arith.index_cast %multiple_of3A_505 : i32 to index
                %get3A_515 = tpu.vector_load %arg11[%get3A_514] {strides = array<i32>} : memref<304xf32, #tpu.memory_space<vmem>>, vector<16xf32>,
                %max3A_516 = arith.maximumf %add3A_425, %get3A_507 : vector<16xf32>
                %max3A_517 = arith.maximumf %add3A_426, %get3A_509 : vector<16xf32>
                %min3A_518 = arith.minimumf %add3A_427, %get3A_511 : vector<16xf32>
                %min3A_519 = arith.minimumf %add3A_428, %get3A_513 : vector<16xf32>
                %sub3A_520 = arith.subf %min3A_518, %max3A_516 : vector<16xf32>
                %max3A_521 = arith.constant 0.000000e+00 : f32
                %max3A_522 = vector.broadcast %max3A_521 : f32 to vector<16xf32>
                %max3A_523 = arith.maximumf %sub3A_520, %max3A_522 : vector<16xf32>
                %sub3A_524 = arith.subf %min3A_519, %max3A_517 : vector<16xf32>
                %max3A_525 = arith.constant 0.000000e+00 : f32
                %max3A_526 = vector.broadcast %max3A_525 : f32 to vector<16xf32>
                %max3A_527 = arith.maximumf %sub3A_524, %max3A_526 : vector<16xf32>
                %mul3A_528 = arith.mulf %max3A_523, %max3A_527 : vector<16xf32>
                %add3A_529 = arith.addf %get3A_515, %mul3A_431 : vector<16xf32>
                %sub3A_530 = arith.subf %add3A_529, %mul3A_528 : vector<16xf32>
                %add3A_531 = arith.constant 9.99999971E-10 : f32
                %add3A_532 = vector.broadcast %add3A_531 : f32 to vector<16xf32>
                %add3A_533 = arith.addf %sub3A_530, %add3A_532 : vector<16xf32>
                %div3A_534 = arith.divf %mul3A_528, %add3A_533 : vector<16xf32>
                %gt3A_535 = arith.constant 4.500000e-01 : f32
                %gt3A_536 = vector.broadcast %gt3A_535 : f32 to vector<16xf32>
                %gt3A_537 = arith.cmpf ogt, %div3A_534, %gt3A_536 : vector<16xf32>
                %or3A = arith.ori %while3A_502, %gt3A_537 : vector<16xi1>
                scf.yield %or3A : vector<16xi1>
              }
              %reduce_or3A_473 = arith.constant 1.000000e+00 : f32
              %reduce_or3A_474 = arith.constant 0.000000e+00 : f32
              %reduce_or3A_475 = vector.broadcast %reduce_or3A_473 : f32 to vector<16xf32>
              %reduce_or3A_476 = vector.broadcast %reduce_or3A_474 : f32 to vector<16xf32>
              %reduce_or3A_477 = arith.select %while3A_472, %reduce_or3A_475, %reduce_or3A_476 : vector<16xi1>, vector<16xf32>
              %reduce_or3A_478 = arith.constant true
              %reduce_or3A_479 = vector.broadcast %reduce_or3A_478 : i1 to vector<16xi1>
              %reduce_or3A_480 = tpu.scan <max>, %reduce_or3A_477 masked %reduce_or3A_479 : vector<16xf32>, vector<16xi1> -> vector<16xf32>
              %reduce_or3A_481 = vector.extract %reduce_or3A_480[15] : f32 from vector<16xf32>
              %reduce_or3A_482 = arith.constant 0.000000e+00 : f32
              %reduce_or3A_483 = arith.cmpf ogt, %reduce_or3A_481, %reduce_or3A_482 : f32
              %not3A = arith.constant true
              %not3A_484 = arith.xori %reduce_or3A_483, %not3A : i1
              %and3A_485 = arith.andi %reduce_or3A_209, %not3A_484 : i1
              %convert_element_type3A_486 = arith.extui %and3A_485 : i1 to i32
              %cond3A_487 = arith.constant 0 : i32
              %cond3A_488 = arith.cmpi ne, %convert_element_type3A_486, %cond3A_487 : i32
              scf.if %cond3A_488 {
                %broadcast_in_dim3A_501 = vector.broadcast %get3A_434 : i32 to vector<16xi32>
                tpu.vector_store_idx %arg7[%broadcast_in_dim3A_501], %add3A_425 masked %eq3A_9 : memref<304xf32, #tpu.memory_space<vmem>>[vector<16xi32>], vector<16xf32>, vector<16xi1>
                tpu.vector_store_idx %arg8[%broadcast_in_dim3A_501], %add3A_426 masked %eq3A_9 : memref<304xf32, #tpu.memory_space<vmem>>[vector<16xi32>], vector<16xf32>, vector<16xi1>
                tpu.vector_store_idx %arg9[%broadcast_in_dim3A_501], %add3A_427 masked %eq3A_9 : memref<304xf32, #tpu.memory_space<vmem>>[vector<16xi32>], vector<16xf32>, vector<16xi1>
                tpu.vector_store_idx %arg10[%broadcast_in_dim3A_501], %add3A_428 masked %eq3A_9 : memref<304xf32, #tpu.memory_space<vmem>>[vector<16xi32>], vector<16xf32>, vector<16xi1>
                tpu.vector_store_idx %arg11[%broadcast_in_dim3A_501], %mul3A_431 masked %eq3A_9 : memref<304xf32, #tpu.memory_space<vmem>>[vector<16xi32>], vector<16xf32>, vector<16xi1>
                %eq3A_502 = arith.constant 0 : i32
                %eq3A_503 = vector.broadcast %eq3A_502 : i32 to vector<16xi32>
                %eq3A_504 = arith.cmpi eq, %iota3A, %eq3A_503 : vector<16xi32>
                %eq3A_505 = arith.constant 1 : i32
                %eq3A_506 = vector.broadcast %eq3A_505 : i32 to vector<16xi32>
                %eq3A_507 = arith.cmpi eq, %iota3A, %eq3A_506 : vector<16xi32>
                %eq3A_508 = arith.constant 2 : i32
                %eq3A_509 = vector.broadcast %eq3A_508 : i32 to vector<16xi32>
                %eq3A_510 = arith.cmpi eq, %iota3A, %eq3A_509 : vector<16xi32>
                %eq3A_511 = arith.constant 3 : i32
                %eq3A_512 = vector.broadcast %eq3A_511 : i32 to vector<16xi32>
                %eq3A_513 = arith.cmpi eq, %iota3A, %eq3A_512 : vector<16xi32>
                %eq3A_514 = arith.constant 4 : i32
                %eq3A_515 = vector.broadcast %eq3A_514 : i32 to vector<16xi32>
                %eq3A_516 = arith.cmpi eq, %iota3A, %eq3A_515 : vector<16xi32>
                %eq3A_517 = arith.constant 5 : i32
                %eq3A_518 = vector.broadcast %eq3A_517 : i32 to vector<16xi32>
                %eq3A_519 = arith.cmpi eq, %iota3A, %eq3A_518 : vector<16xi32>
                %select_n3A_520 = arith.select %eq3A_519, %min3A_392, %broadcast_in_dim3A_3 : vector<16xi1>, vector<16xf32>
                %select_n3A_521 = arith.select %eq3A_516, %gather3A_217, %select_n3A_520 : vector<16xi1>, vector<16xf32>
                %select_n3A_522 = arith.select %eq3A_513, %add3A_421, %select_n3A_521 : vector<16xi1>, vector<16xf32>
                %select_n3A_523 = arith.select %eq3A_510, %add3A_420, %select_n3A_522 : vector<16xi1>, vector<16xf32>
                %select_n3A_524 = arith.select %eq3A_507, %sub3A_419, %select_n3A_523 : vector<16xi1>, vector<16xf32>
                %select_n3A_525 = arith.select %eq3A_504, %sub3A_418, %select_n3A_524 : vector<16xi1>, vector<16xf32>
                %mul3A_526 = arith.constant 16 : i32
                %mul3A_527 = arith.muli %get3A_434, %mul3A_526 : i32
                %multiple_of3A_528 = tpu.assume_multiple %mul3A_527, 16 : i32
                %swap3A_529 = arith.index_cast %multiple_of3A_528 : i32 to index
                %swap3A_530 = tpu.vector_load %arg12[%swap3A_529] {strides = array<i32>} : memref<4864xf32, #tpu.memory_space<vmem>>, vector<16xf32>,
                tpu.vector_store %arg12[%swap3A_529], %select_n3A_525 {strides = array<i32>} : memref<4864xf32, #tpu.memory_space<vmem>>, vector<16xf32>,
              } else {
              }
              %convert_element_type3A_489 = arith.extui %and3A_485 : i1 to i32
              %add3A_490 = arith.addi %get3A_434, %convert_element_type3A_489 : i32
              %swap3A_491 = arith.constant 0 : i32
              %swap3A_492 = arith.index_cast %swap3A_491 : i32 to index
              %swap3A_493 = memref.load %arg13[%swap3A_492] : memref<1xi32, #tpu.memory_space<smem>>
              memref.store %add3A_490, %arg13[%swap3A_492] : memref<1xi32, #tpu.memory_space<smem>>
              %lt3A_494 = arith.constant 300 : i32
              %lt3A_495 = arith.cmpi slt, %add3A_490, %lt3A_494 : i32
              %and3A_496 = arith.andi %reduce_or3A_209, %lt3A_495 : i1
              %convert_element_type3A_497 = arith.extui %and3A_496 : i1 to i32
              %swap3A_498 = arith.constant 0 : i32
              %swap3A_499 = arith.index_cast %swap3A_498 : i32 to index
              %swap3A_500 = memref.load %arg14[%swap3A_499] : memref<1xi32, #tpu.memory_space<smem>>
              memref.store %convert_element_type3A_497, %arg14[%swap3A_499] : memref<1xi32, #tpu.memory_space<smem>>
            } else {
            }
          }
        } else {
        }
      }
      %scan3A_128 = arith.constant 2 : i32
      %get3A = arith.constant 0 : i32
      %get3A_129 = arith.index_cast %get3A : i32 to index
      %get3A_130 = memref.load %arg14[%get3A_129] : memref<1xi32, #tpu.memory_space<smem>>
      %convert_element_type3A_131 = arith.sitofp %get3A_130 : i32 to f32
      %broadcast_in_dim3A_132 = vector.broadcast %convert_element_type3A_131 : f32 to vector<16xf32>
      %multiple_of3A = arith.constant 4800 : i32
      %multiple_of3A_133 = tpu.assume_multiple %multiple_of3A, 16 : i32
      %swap3A_134 = arith.index_cast %multiple_of3A_133 : i32 to index
      %swap3A_135 = tpu.vector_load %arg12[%swap3A_134] {strides = array<i32>} : memref<4864xf32, #tpu.memory_space<vmem>>, vector<16xf32>,
      tpu.vector_store %arg12[%swap3A_134], %broadcast_in_dim3A_132 {strides = array<i32>} : memref<4864xf32, #tpu.memory_space<vmem>>, vector<16xf32>,
      "tpu.region"() ({
        %run_scoped3A = tpu.sem_alloc : memref<!tpu.dma_semaphore, #tpu.memory_space<semaphore_mem>>
        %dma_start3A = arith.constant 0 : i32
        %dma_start3A_136 = tpu.memref_slice %arg4[%add3A, %dma_start3A] : memref<4x4864xf32, #tpu.memory_space<hbm>> -> memref<1x4864xf32, #tpu.memory_space<hbm>>
        %dma_start3A_137 = tpu.memref_squeeze %dma_start3A_136 : memref<1x4864xf32, #tpu.memory_space<hbm>> -> memref<4864xf32, #tpu.memory_space<hbm>>
        %dma_start3A_138 = arith.constant 0 : i32
        %dma_start3A_139 = tpu.memref_slice %arg4[%add3A, %dma_start3A_138] : memref<4x4864xf32, #tpu.memory_space<hbm>> -> memref<1x4864xf32, #tpu.memory_space<hbm>>
        %dma_start3A_140 = tpu.memref_squeeze %dma_start3A_139 : memref<1x4864xf32, #tpu.memory_space<hbm>> -> memref<4864xf32, #tpu.memory_space<hbm>>
        tpu.enqueue_dma source(%arg12 : memref<4864xf32, #tpu.memory_space<vmem>>) target(%dma_start3A_140 : memref<4864xf32, #tpu.memory_space<hbm>>) target_semaphore(%run_scoped3A : memref<!tpu.dma_semaphore, #tpu.memory_space<semaphore_mem>>)
        %dma_wait3A = arith.constant 0 : i32
        %dma_wait3A_141 = tpu.memref_slice %arg4[%add3A, %dma_wait3A] : memref<4x4864xf32, #tpu.memory_space<hbm>> -> memref<1x4864xf32, #tpu.memory_space<hbm>>
        %dma_wait3A_142 = tpu.memref_squeeze %dma_wait3A_141 : memref<1x4864xf32, #tpu.memory_space<hbm>> -> memref<4864xf32, #tpu.memory_space<hbm>>
        %dma_wait3A_143 = arith.constant 0 : i32
        %dma_wait3A_144 = tpu.memref_slice %arg4[%add3A, %dma_wait3A_143] : memref<4x4864xf32, #tpu.memory_space<hbm>> -> memref<1x4864xf32, #tpu.memory_space<hbm>>
        %dma_wait3A_145 = tpu.memref_squeeze %dma_wait3A_144 : memref<1x4864xf32, #tpu.memory_space<hbm>> -> memref<4864xf32, #tpu.memory_space<hbm>>
        tpu.wait_dma2 semaphore(%run_scoped3A : memref<!tpu.dma_semaphore, #tpu.memory_space<semaphore_mem>>) src(%arg12 : memref<4864xf32, #tpu.memory_space<vmem>>) dst(%dma_wait3A_145 : memref<4864xf32, #tpu.memory_space<hbm>>)
        tpu.yield
      }) : () -> ()
    } else {
    }
    return
  }
}

#map = affine_map<(d0, d1) -> (0, 0)>
module attributes {stable_mosaic.version = 14 : i64} {
  func.func @_nms_sc(%arg0: i32, %arg1: i32, %arg2: memref<80000x96xf32, #tpu.memory_space<hbm>>, %arg3: memref<4x20480xi32, #tpu.memory_space<hbm>>, %arg4: memref<4x4864xf32, #tpu.memory_space<hbm>>, %arg5: memref<20480xi32, #tpu.memory_space<vmem>>, %arg6: memref<512x96xf32, #tpu.memory_space<vmem>>, %arg7: memref<304xf32, #tpu.memory_space<vmem>>, %arg8: memref<304xf32, #tpu.memory_space<vmem>>, %arg9: memref<304xf32, #tpu.memory_space<vmem>>, %arg10: memref<304xf32, #tpu.memory_space<vmem>>, %arg11: memref<304xf32, #tpu.memory_space<vmem>>, %arg12: memref<4864xf32, #tpu.memory_space<vmem>>, %arg13: memref<1xi32, #tpu.memory_space<smem>>, %arg14: memref<1xi32, #tpu.memory_space<smem>>, %arg15: memref<!tpu.dma_semaphore, #tpu.memory_space<semaphore_mem>>) attributes {dimension_semantics = [#tpu.dimension_semantics<core_parallel>, #tpu.dimension_semantics<subcore_parallel>], iteration_bounds = array<i64: 2, 16>, scalar_prefetch = 0 : i64, scratch_operands = 11 : i64, tpu.core_type = #tpu.core_type<sc_vector_subcore>, window_params = [{transform_indices = #map}, {transform_indices = #map}, {transform_indices = #map}]} {
    %mul3A = arith.constant 2 : i32
    %mul3A_0 = arith.muli %arg1, %mul3A : i32
    %add3A = arith.addi %mul3A_0, %arg0 : i32
    %lt3A = arith.constant 4 : i32
    %lt3A_1 = arith.cmpi slt, %add3A, %lt3A : i32
    %convert_element_type3A = arith.extui %lt3A_1 : i1 to i32
    %cond3A = arith.constant 0 : i32
    %cond3A_2 = arith.cmpi ne, %convert_element_type3A, %cond3A : i32
    scf.if %cond3A_2 {
      "tpu.region"() ({
        %run_scoped3A = tpu.sem_alloc : memref<!tpu.dma_semaphore, #tpu.memory_space<semaphore_mem>>
        %dma_start3A = arith.constant 0 : i32
        %dma_start3A_136 = tpu.memref_slice %arg3[%add3A, %dma_start3A] : memref<4x20480xi32, #tpu.memory_space<hbm>> -> memref<1x20480xi32, #tpu.memory_space<hbm>>
        %dma_start3A_137 = tpu.memref_squeeze %dma_start3A_136 : memref<1x20480xi32, #tpu.memory_space<hbm>> -> memref<20480xi32, #tpu.memory_space<hbm>>
        %dma_start3A_138 = arith.constant 0 : i32
        %dma_start3A_139 = tpu.memref_slice %arg3[%add3A, %dma_start3A_138] : memref<4x20480xi32, #tpu.memory_space<hbm>> -> memref<1x20480xi32, #tpu.memory_space<hbm>>
        %dma_start3A_140 = tpu.memref_squeeze %dma_start3A_139 : memref<1x20480xi32, #tpu.memory_space<hbm>> -> memref<20480xi32, #tpu.memory_space<hbm>>
        tpu.enqueue_dma source(%dma_start3A_140 : memref<20480xi32, #tpu.memory_space<hbm>>) target(%arg5 : memref<20480xi32, #tpu.memory_space<vmem>>) target_semaphore(%run_scoped3A : memref<!tpu.dma_semaphore, #tpu.memory_space<semaphore_mem>>)
        %dma_wait3A = arith.constant 0 : i32
        %dma_wait3A_141 = tpu.memref_slice %arg3[%add3A, %dma_wait3A] : memref<4x20480xi32, #tpu.memory_space<hbm>> -> memref<1x20480xi32, #tpu.memory_space<hbm>>
        %dma_wait3A_142 = tpu.memref_squeeze %dma_wait3A_141 : memref<1x20480xi32, #tpu.memory_space<hbm>> -> memref<20480xi32, #tpu.memory_space<hbm>>
        %dma_wait3A_143 = arith.constant 0 : i32
        %dma_wait3A_144 = tpu.memref_slice %arg3[%add3A, %dma_wait3A_143] : memref<4x20480xi32, #tpu.memory_space<hbm>> -> memref<1x20480xi32, #tpu.memory_space<hbm>>
        %dma_wait3A_145 = tpu.memref_squeeze %dma_wait3A_144 : memref<1x20480xi32, #tpu.memory_space<hbm>> -> memref<20480xi32, #tpu.memory_space<hbm>>
        tpu.wait_dma2 semaphore(%run_scoped3A : memref<!tpu.dma_semaphore, #tpu.memory_space<semaphore_mem>>) src(%dma_wait3A_145 : memref<20480xi32, #tpu.memory_space<hbm>>) dst(%arg5 : memref<20480xi32, #tpu.memory_space<vmem>>)
        tpu.yield
      }) : () -> ()
      %broadcast_in_dim3A = arith.constant 0.000000e+00 : f32
      %broadcast_in_dim3A_3 = vector.broadcast %broadcast_in_dim3A : f32 to vector<16xf32>
      %broadcast_in_dim3A_4 = arith.constant 0x7F800000 : f32
      %broadcast_in_dim3A_5 = vector.broadcast %broadcast_in_dim3A_4 : f32 to vector<16xf32>
      %broadcast_in_dim3A_6 = arith.constant 0xFF800000 : f32
      %broadcast_in_dim3A_7 = vector.broadcast %broadcast_in_dim3A_6 : f32 to vector<16xf32>
      %iota3A = tpu.iota {dimensions = array<i32: 0>} : vector<16xi32>
      %eq3A = arith.constant 0 : i32
      %eq3A_8 = vector.broadcast %eq3A : i32 to vector<16xi32>
      %eq3A_9 = arith.cmpi eq, %iota3A, %eq3A_8 : vector<16xi32>
      %scan3A = arith.constant 0 : i32
      %scan3A_10 = arith.constant 0 : i32
      %scan3A_11 = arith.constant 304 : i32
      %scan3A_12 = arith.addi %scan3A_10, %scan3A_11 : i32
      %scan3A_13 = arith.constant 1 : i32
      scf.for %scan3A_136 = %scan3A_10 to %scan3A_12 step %scan3A_13  : i32 {
        %mul3A_137 = arith.constant 16 : i32
        %mul3A_138 = arith.muli %scan3A_136, %mul3A_137 : i32
        %multiple_of3A_139 = tpu.assume_multiple %mul3A_138, 16 : i32
        %swap3A_140 = arith.index_cast %multiple_of3A_139 : i32 to index
        %swap3A_141 = tpu.vector_load %arg12[%swap3A_140] {strides = array<i32>} : memref<4864xf32, #tpu.memory_space<vmem>>, vector<16xf32>,
        tpu.vector_store %arg12[%swap3A_140], %broadcast_in_dim3A_3 {strides = array<i32>} : memref<4864xf32, #tpu.memory_space<vmem>>, vector<16xf32>,
      }
      %scan3A_14 = arith.constant 304 : i32
      %scan3A_15 = arith.constant 0 : i32
      %scan3A_16 = arith.constant 0 : i32
      %scan3A_17 = arith.constant 19 : i32
      %scan3A_18 = arith.addi %scan3A_16, %scan3A_17 : i32
      %scan3A_19 = arith.constant 1 : i32
      scf.for %scan3A_136 = %scan3A_16 to %scan3A_18 step %scan3A_19  : i32 {
        %mul3A_137 = arith.constant 16 : i32
        %mul3A_138 = arith.muli %scan3A_136, %mul3A_137 : i32
        %multiple_of3A_139 = tpu.assume_multiple %mul3A_138, 16 : i32
        %swap3A_140 = arith.index_cast %multiple_of3A_139 : i32 to index
        %swap3A_141 = tpu.vector_load %arg7[%swap3A_140] {strides = array<i32>} : memref<304xf32, #tpu.memory_space<vmem>>, vector<16xf32>,
        tpu.vector_store %arg7[%swap3A_140], %broadcast_in_dim3A_5 {strides = array<i32>} : memref<304xf32, #tpu.memory_space<vmem>>, vector<16xf32>,
        %swap3A_142 = arith.index_cast %multiple_of3A_139 : i32 to index
        %swap3A_143 = tpu.vector_load %arg8[%swap3A_142] {strides = array<i32>} : memref<304xf32, #tpu.memory_space<vmem>>, vector<16xf32>,
        tpu.vector_store %arg8[%swap3A_142], %broadcast_in_dim3A_5 {strides = array<i32>} : memref<304xf32, #tpu.memory_space<vmem>>, vector<16xf32>,
        %swap3A_144 = arith.index_cast %multiple_of3A_139 : i32 to index
        %swap3A_145 = tpu.vector_load %arg9[%swap3A_144] {strides = array<i32>} : memref<304xf32, #tpu.memory_space<vmem>>, vector<16xf32>,
        tpu.vector_store %arg9[%swap3A_144], %broadcast_in_dim3A_7 {strides = array<i32>} : memref<304xf32, #tpu.memory_space<vmem>>, vector<16xf32>,
        %swap3A_146 = arith.index_cast %multiple_of3A_139 : i32 to index
        %swap3A_147 = tpu.vector_load %arg10[%swap3A_146] {strides = array<i32>} : memref<304xf32, #tpu.memory_space<vmem>>, vector<16xf32>,
        tpu.vector_store %arg10[%swap3A_146], %broadcast_in_dim3A_7 {strides = array<i32>} : memref<304xf32, #tpu.memory_space<vmem>>, vector<16xf32>,
        %swap3A_148 = arith.index_cast %multiple_of3A_139 : i32 to index
        %swap3A_149 = tpu.vector_load %arg11[%swap3A_148] {strides = array<i32>} : memref<304xf32, #tpu.memory_space<vmem>>, vector<16xf32>,
        tpu.vector_store %arg11[%swap3A_148], %broadcast_in_dim3A_3 {strides = array<i32>} : memref<304xf32, #tpu.memory_space<vmem>>, vector<16xf32>,
      }
      %scan3A_20 = arith.constant 19 : i32
      %swap3A = arith.constant 0 : i32
      %swap3A_21 = arith.constant 0 : i32
      %swap3A_22 = arith.index_cast %swap3A_21 : i32 to index
      %swap3A_23 = memref.load %arg13[%swap3A_22] : memref<1xi32, #tpu.memory_space<smem>>
      memref.store %swap3A, %arg13[%swap3A_22] : memref<1xi32, #tpu.memory_space<smem>>
      %swap3A_24 = arith.constant 1 : i32
      %swap3A_25 = arith.constant 0 : i32
      %swap3A_26 = arith.index_cast %swap3A_25 : i32 to index
      %swap3A_27 = memref.load %arg14[%swap3A_26] : memref<1xi32, #tpu.memory_space<smem>>
      memref.store %swap3A_24, %arg14[%swap3A_26] : memref<1xi32, #tpu.memory_space<smem>>
      %add3A_28 = arith.constant 8 : i32
      %add3A_29 = vector.broadcast %add3A_28 : i32 to vector<16xi32>
      %add3A_30 = arith.addi %iota3A, %add3A_29 : vector<16xi32>
      %jit3A = arith.constant 16 : i32
      %eq3A_31 = arith.constant 0 : i32
      %eq3A_32 = arith.cmpi eq, %jit3A, %eq3A_31 : i32
      %jit3A_33 = arith.constant 1 : i32
      %select_n3A = arith.select %eq3A_32, %jit3A_33, %jit3A : i32
      %rem3A = vector.broadcast %select_n3A : i32 to vector<16xi32>
      %rem3A_34 = arith.remsi %add3A_30, %rem3A : vector<16xi32>
      %ne3A = arith.constant 0 : i32
      %ne3A_35 = vector.broadcast %ne3A : i32 to vector<16xi32>
      %ne3A_36 = arith.cmpi ne, %rem3A_34, %ne3A_35 : vector<16xi32>
      %lt3A_37 = arith.constant 0 : i32
      %lt3A_38 = vector.broadcast %lt3A_37 : i32 to vector<16xi32>
      %lt3A_39 = arith.cmpi slt, %rem3A_34, %lt3A_38 : vector<16xi32>
      %lt3A_40 = arith.constant 0 : i32
      %lt3A_41 = arith.cmpi slt, %select_n3A, %lt3A_40 : i32
      %ne3A_42 = vector.broadcast %lt3A_41 : i1 to vector<16xi1>
      %ne3A_43 = vector.broadcast %ne3A_42 : vector<16xi1> to vector<16xi1>
      %ne3A_44 = arith.xori %lt3A_39, %ne3A_43 : vector<16xi1>
      %and3A = arith.andi %ne3A_44, %ne3A_36 : vector<16xi1>
      %add3A_45 = vector.broadcast %select_n3A : i32 to vector<16xi32>
      %add3A_46 = arith.addi %rem3A_34, %add3A_45 : vector<16xi32>
      %select_n3A_47 = arith.select %and3A, %add3A_46, %rem3A_34 : vector<16xi1>, vector<16xi32>
      %add3A_48 = arith.constant 4 : i32
      %add3A_49 = vector.broadcast %add3A_48 : i32 to vector<16xi32>
      %add3A_50 = arith.addi %iota3A, %add3A_49 : vector<16xi32>
      %jit3A_51 = arith.constant 16 : i32
      %eq3A_52 = arith.constant 0 : i32
      %eq3A_53 = arith.cmpi eq, %jit3A_51, %eq3A_52 : i32
      %jit3A_54 = arith.constant 1 : i32
      %select_n3A_55 = arith.select %eq3A_53, %jit3A_54, %jit3A_51 : i32
      %rem3A_56 = vector.broadcast %select_n3A_55 : i32 to vector<16xi32>
      %rem3A_57 = arith.remsi %add3A_50, %rem3A_56 : vector<16xi32>
      %ne3A_58 = arith.constant 0 : i32
      %ne3A_59 = vector.broadcast %ne3A_58 : i32 to vector<16xi32>
      %ne3A_60 = arith.cmpi ne, %rem3A_57, %ne3A_59 : vector<16xi32>
      %lt3A_61 = arith.constant 0 : i32
      %lt3A_62 = vector.broadcast %lt3A_61 : i32 to vector<16xi32>
      %lt3A_63 = arith.cmpi slt, %rem3A_57, %lt3A_62 : vector<16xi32>
      %lt3A_64 = arith.constant 0 : i32
      %lt3A_65 = arith.cmpi slt, %select_n3A_55, %lt3A_64 : i32
      %ne3A_66 = vector.broadcast %lt3A_65 : i1 to vector<16xi1>
      %ne3A_67 = vector.broadcast %ne3A_66 : vector<16xi1> to vector<16xi1>
      %ne3A_68 = arith.xori %lt3A_63, %ne3A_67 : vector<16xi1>
      %and3A_69 = arith.andi %ne3A_68, %ne3A_60 : vector<16xi1>
      %add3A_70 = vector.broadcast %select_n3A_55 : i32 to vector<16xi32>
      %add3A_71 = arith.addi %rem3A_57, %add3A_70 : vector<16xi32>
      %select_n3A_72 = arith.select %and3A_69, %add3A_71, %rem3A_57 : vector<16xi1>, vector<16xi32>
      %add3A_73 = arith.constant 2 : i32
      %add3A_74 = vector.broadcast %add3A_73 : i32 to vector<16xi32>
      %add3A_75 = arith.addi %iota3A, %add3A_74 : vector<16xi32>
      %jit3A_76 = arith.constant 16 : i32
      %eq3A_77 = arith.constant 0 : i32
      %eq3A_78 = arith.cmpi eq, %jit3A_76, %eq3A_77 : i32
      %jit3A_79 = arith.constant 1 : i32
      %select_n3A_80 = arith.select %eq3A_78, %jit3A_79, %jit3A_76 : i32
      %rem3A_81 = vector.broadcast %select_n3A_80 : i32 to vector<16xi32>
      %rem3A_82 = arith.remsi %add3A_75, %rem3A_81 : vector<16xi32>
      %ne3A_83 = arith.constant 0 : i32
      %ne3A_84 = vector.broadcast %ne3A_83 : i32 to vector<16xi32>
      %ne3A_85 = arith.cmpi ne, %rem3A_82, %ne3A_84 : vector<16xi32>
      %lt3A_86 = arith.constant 0 : i32
      %lt3A_87 = vector.broadcast %lt3A_86 : i32 to vector<16xi32>
      %lt3A_88 = arith.cmpi slt, %rem3A_82, %lt3A_87 : vector<16xi32>
      %lt3A_89 = arith.constant 0 : i32
      %lt3A_90 = arith.cmpi slt, %select_n3A_80, %lt3A_89 : i32
      %ne3A_91 = vector.broadcast %lt3A_90 : i1 to vector<16xi1>
      %ne3A_92 = vector.broadcast %ne3A_91 : vector<16xi1> to vector<16xi1>
      %ne3A_93 = arith.xori %lt3A_88, %ne3A_92 : vector<16xi1>
      %and3A_94 = arith.andi %ne3A_93, %ne3A_85 : vector<16xi1>
      %add3A_95 = vector.broadcast %select_n3A_80 : i32 to vector<16xi32>
      %add3A_96 = arith.addi %rem3A_82, %add3A_95 : vector<16xi32>
      %select_n3A_97 = arith.select %and3A_94, %add3A_96, %rem3A_82 : vector<16xi1>, vector<16xi32>
      %add3A_98 = arith.constant 1 : i32
      %add3A_99 = vector.broadcast %add3A_98 : i32 to vector<16xi32>
      %add3A_100 = arith.addi %iota3A, %add3A_99 : vector<16xi32>
      %jit3A_101 = arith.constant 16 : i32
      %eq3A_102 = arith.constant 0 : i32
      %eq3A_103 = arith.cmpi eq, %jit3A_101, %eq3A_102 : i32
      %jit3A_104 = arith.constant 1 : i32
      %select_n3A_105 = arith.select %eq3A_103, %jit3A_104, %jit3A_101 : i32
      %rem3A_106 = vector.broadcast %select_n3A_105 : i32 to vector<16xi32>
      %rem3A_107 = arith.remsi %add3A_100, %rem3A_106 : vector<16xi32>
      %ne3A_108 = arith.constant 0 : i32
      %ne3A_109 = vector.broadcast %ne3A_108 : i32 to vector<16xi32>
      %ne3A_110 = arith.cmpi ne, %rem3A_107, %ne3A_109 : vector<16xi32>
      %lt3A_111 = arith.constant 0 : i32
      %lt3A_112 = vector.broadcast %lt3A_111 : i32 to vector<16xi32>
      %lt3A_113 = arith.cmpi slt, %rem3A_107, %lt3A_112 : vector<16xi32>
      %lt3A_114 = arith.constant 0 : i32
      %lt3A_115 = arith.cmpi slt, %select_n3A_105, %lt3A_114 : i32
      %ne3A_116 = vector.broadcast %lt3A_115 : i1 to vector<16xi1>
      %ne3A_117 = vector.broadcast %ne3A_116 : vector<16xi1> to vector<16xi1>
      %ne3A_118 = arith.xori %lt3A_113, %ne3A_117 : vector<16xi1>
      %and3A_119 = arith.andi %ne3A_118, %ne3A_110 : vector<16xi1>
      %add3A_120 = vector.broadcast %select_n3A_105 : i32 to vector<16xi32>
      %add3A_121 = arith.addi %rem3A_107, %add3A_120 : vector<16xi32>
      %select_n3A_122 = arith.select %and3A_119, %add3A_121, %rem3A_107 : vector<16xi1>, vector<16xi32>
      %scan3A_123 = arith.constant 0 : i32
      %scan3A_124 = arith.constant 0 : i32
      %scan3A_125 = arith.constant 40 : i32
      %scan3A_126 = arith.addi %scan3A_124, %scan3A_125 : i32
      %scan3A_127 = arith.constant 1 : i32
      scf.for %scan3A_136 = %scan3A_124 to %scan3A_126 step %scan3A_127  : i32 {
        %get3A_137 = arith.constant 0 : i32
        %get3A_138 = arith.index_cast %get3A_137 : i32 to index
        %get3A_139 = memref.load %arg14[%get3A_138] : memref<1xi32, #tpu.memory_space<smem>>
        %eq3A_140 = arith.constant 1 : i32
        %eq3A_141 = arith.cmpi eq, %get3A_139, %eq3A_140 : i32
        %convert_element_type3A_142 = arith.extui %eq3A_141 : i1 to i32
        %cond3A_143 = arith.constant 0 : i32
        %cond3A_144 = arith.cmpi ne, %convert_element_type3A_142, %cond3A_143 : i32
        scf.if %cond3A_144 {
          %mul3A_145 = arith.constant 512 : i32
          %mul3A_146 = arith.muli %scan3A_136, %mul3A_145 : i32
          %multiple_of3A_147 = tpu.assume_multiple %mul3A_146, 512 : i32
          %dma_start3A = tpu.memref_slice %arg5[%multiple_of3A_147] : memref<20480xi32, #tpu.memory_space<vmem>> -> memref<512xi32, #tpu.memory_space<vmem>>
          %dma_start3A_148 = arith.constant 0 : i32
          %dma_start3A_149 = arith.constant 0 : i32
          %dma_start3A_150 = tpu.memref_slice %arg2[%dma_start3A_148, %dma_start3A_149] : memref<80000x96xf32, #tpu.memory_space<hbm>> -> memref<80000x96xf32, #tpu.memory_space<hbm>>
          tpu.enqueue_indirect_dma source(%dma_start3A_150 : memref<80000x96xf32, #tpu.memory_space<hbm>>) target(%arg6 : memref<512x96xf32, #tpu.memory_space<vmem>>) offsets(%dma_start3A : memref<512xi32, #tpu.memory_space<vmem>>) semaphore(%arg15 : memref<!tpu.dma_semaphore, #tpu.memory_space<semaphore_mem>>)
          %dma_wait3A = tpu.memref_slice %arg5[%multiple_of3A_147] : memref<20480xi32, #tpu.memory_space<vmem>> -> memref<512xi32, #tpu.memory_space<vmem>>
          %dma_wait3A_151 = arith.constant 0 : i32
          %dma_wait3A_152 = arith.constant 0 : i32
          %dma_wait3A_153 = tpu.memref_slice %arg2[%dma_wait3A_151, %dma_wait3A_152] : memref<80000x96xf32, #tpu.memory_space<hbm>> -> memref<80000x96xf32, #tpu.memory_space<hbm>>
          tpu.wait_indirect_dma semaphore(%arg15 : memref<!tpu.dma_semaphore, #tpu.memory_space<semaphore_mem>>) src(%dma_wait3A_153 : memref<80000x96xf32, #tpu.memory_space<hbm>>) dst(%arg6 : memref<512x96xf32, #tpu.memory_space<vmem>>)
          %mul3A_154 = arith.constant 512 : i32
          %mul3A_155 = arith.muli %scan3A_136, %mul3A_154 : i32
          %sub3A = arith.constant 20000 : i32
          %sub3A_156 = arith.subi %sub3A, %mul3A_155 : i32
          %min3A = arith.constant 512 : i32
          %min3A_157 = arith.minsi %min3A, %sub3A_156 : i32
          %while3A = arith.constant 0 : i32
          %while3A_158 = arith.constant 0 : i32
          %while3A_159 = arith.subi %min3A_157, %while3A_158 : i32
          %while3A_160 = arith.addi %while3A_158, %while3A_159 : i32
          %while3A_161 = arith.constant 1 : i32
          %while3A_162 = arith.divsi %while3A_159, %while3A_161 : i32
          %while3A_163 = arith.muli %while3A_162, %while3A_161 : i32
          %while3A_164 = arith.addi %while3A_158, %while3A_163 : i32
          %while3A_165 = arith.constant 1 : i32
          scf.for %while3A_167 = %while3A_158 to %while3A_164 step %while3A_165  : i32 {
            %get3A_168 = arith.constant 0 : i32
            %get3A_169 = arith.index_cast %get3A_168 : i32 to index
            %get3A_170 = memref.load %arg14[%get3A_169] : memref<1xi32, #tpu.memory_space<smem>>
            %eq3A_171 = arith.constant 1 : i32
            %eq3A_172 = arith.cmpi eq, %get3A_170, %eq3A_171 : i32
            %convert_element_type3A_173 = arith.extui %eq3A_172 : i1 to i32
            %cond3A_174 = arith.constant 0 : i32
            %cond3A_175 = arith.cmpi ne, %convert_element_type3A_173, %cond3A_174 : i32
            scf.if %cond3A_175 {
              %get3A_176 = arith.index_cast %while3A_167 : i32 to index
              %get3A_177 = arith.constant 0 : index
              %get3A_178 = tpu.vector_load %arg6[%get3A_176, %get3A_177] {strides = array<i32>} : memref<512x96xf32, #tpu.memory_space<vmem>>, vector<16xf32>,
              %get3A_179 = arith.index_cast %while3A_167 : i32 to index
              %get3A_180 = arith.constant 16 : index
              %get3A_181 = tpu.vector_load %arg6[%get3A_179, %get3A_180] {strides = array<i32>} : memref<512x96xf32, #tpu.memory_space<vmem>>, vector<16xf32>,
              %get3A_182 = arith.index_cast %while3A_167 : i32 to index
              %get3A_183 = arith.constant 32 : index
              %get3A_184 = tpu.vector_load %arg6[%get3A_182, %get3A_183] {strides = array<i32>} : memref<512x96xf32, #tpu.memory_space<vmem>>, vector<16xf32>,
              %get3A_185 = arith.index_cast %while3A_167 : i32 to index
              %get3A_186 = arith.constant 48 : index
              %get3A_187 = tpu.vector_load %arg6[%get3A_185, %get3A_186] {strides = array<i32>} : memref<512x96xf32, #tpu.memory_space<vmem>>, vector<16xf32>,
              %get3A_188 = arith.index_cast %while3A_167 : i32 to index
              %get3A_189 = arith.constant 64 : index
              %get3A_190 = tpu.vector_load %arg6[%get3A_188, %get3A_189] {strides = array<i32>} : memref<512x96xf32, #tpu.memory_space<vmem>>, vector<16xf32>,
              %get3A_191 = arith.index_cast %while3A_167 : i32 to index
              %get3A_192 = arith.constant 80 : index
              %get3A_193 = tpu.vector_load %arg6[%get3A_191, %get3A_192] {strides = array<i32>} : memref<512x96xf32, #tpu.memory_space<vmem>>, vector<16xf32>,
              %gt3A = arith.constant 2.500000e-01 : f32
              %gt3A_194 = vector.broadcast %gt3A : f32 to vector<16xf32>
              %gt3A_195 = arith.cmpf ogt, %get3A_193, %gt3A_194 : vector<16xf32>
              %eq3A_196 = arith.constant 5 : i32
              %eq3A_197 = vector.broadcast %eq3A_196 : i32 to vector<16xi32>
              %eq3A_198 = arith.cmpi eq, %iota3A, %eq3A_197 : vector<16xi32>
              %and3A_199 = arith.andi %gt3A_195, %eq3A_198 : vector<16xi1>
              %reduce_or3A = arith.constant 1.000000e+00 : f32
              %reduce_or3A_200 = arith.constant 0.000000e+00 : f32
              %reduce_or3A_201 = vector.broadcast %reduce_or3A : f32 to vector<16xf32>
              %reduce_or3A_202 = vector.broadcast %reduce_or3A_200 : f32 to vector<16xf32>
              %reduce_or3A_203 = arith.select %and3A_199, %reduce_or3A_201, %reduce_or3A_202 : vector<16xi1>, vector<16xf32>
              %reduce_or3A_204 = arith.constant true
              %reduce_or3A_205 = vector.broadcast %reduce_or3A_204 : i1 to vector<16xi1>
              %reduce_or3A_206 = tpu.scan <max>, %reduce_or3A_203 masked %reduce_or3A_205 : vector<16xf32>, vector<16xi1> -> vector<16xf32>
              %reduce_or3A_207 = vector.extract %reduce_or3A_206[15] : f32 from vector<16xf32>
              %reduce_or3A_208 = arith.constant 0.000000e+00 : f32
              %reduce_or3A_209 = arith.cmpf ogt, %reduce_or3A_207, %reduce_or3A_208 : f32
              %broadcast_in_dim3A_210 = arith.constant 4 : i32
              %broadcast_in_dim3A_211 = vector.broadcast %broadcast_in_dim3A_210 : i32 to vector<16xi32>
              %reshape3A = vector.shape_cast %broadcast_in_dim3A_211 : vector<16xi32> to vector<16x1xi32>
              %gather3A = vector.shape_cast %reshape3A : vector<16x1xi32> to vector<16xi32>
              %gather3A_212 = tpu.dynamic_gather %get3A_178[%gather3A] in [0] : vector<16xf32>, vector<16xi32> -> vector<16xf32>
              %broadcast_in_dim3A_213 = arith.constant 5 : i32
              %broadcast_in_dim3A_214 = vector.broadcast %broadcast_in_dim3A_213 : i32 to vector<16xi32>
              %reshape3A_215 = vector.shape_cast %broadcast_in_dim3A_214 : vector<16xi32> to vector<16x1xi32>
              %gather3A_216 = vector.shape_cast %reshape3A_215 : vector<16x1xi32> to vector<16xi32>
              %gather3A_217 = tpu.dynamic_gather %get3A_193[%gather3A_216] in [0] : vector<16xf32>, vector<16xi32> -> vector<16xf32>
              %add3A_218 = arith.constant 0 : i32
              %add3A_219 = vector.broadcast %add3A_218 : i32 to vector<16xi32>
              %add3A_220 = arith.addi %iota3A, %add3A_219 : vector<16xi32>
              %ge3A = arith.constant 5 : i32
              %ge3A_221 = vector.broadcast %ge3A : i32 to vector<16xi32>
              %ge3A_222 = arith.cmpi sge, %add3A_220, %ge3A_221 : vector<16xi32>
              %lt3A_223 = arith.constant 85 : i32
              %lt3A_224 = vector.broadcast %lt3A_223 : i32 to vector<16xi32>
              %lt3A_225 = arith.cmpi slt, %add3A_220, %lt3A_224 : vector<16xi32>
              %and3A_226 = arith.andi %ge3A_222, %lt3A_225 : vector<16xi1>
              %mul3A_227 = arith.mulf %get3A_178, %gather3A_212 : vector<16xf32>
              %jit3A_228 = arith.constant 0xFF800000 : f32
              %broadcast_in_dim3A_229 = vector.broadcast %jit3A_228 : f32 to vector<16xf32>
              %select_n3A_230 = arith.select %and3A_226, %mul3A_227, %broadcast_in_dim3A_229 : vector<16xi1>, vector<16xf32>
              %add3A_231 = arith.constant 16 : i32
              %add3A_232 = vector.broadcast %add3A_231 : i32 to vector<16xi32>
              %add3A_233 = arith.addi %iota3A, %add3A_232 : vector<16xi32>
              %ge3A_234 = arith.constant 5 : i32
              %ge3A_235 = vector.broadcast %ge3A_234 : i32 to vector<16xi32>
              %ge3A_236 = arith.cmpi sge, %add3A_233, %ge3A_235 : vector<16xi32>
              %lt3A_237 = arith.constant 85 : i32
              %lt3A_238 = vector.broadcast %lt3A_237 : i32 to vector<16xi32>
              %lt3A_239 = arith.cmpi slt, %add3A_233, %lt3A_238 : vector<16xi32>
              %and3A_240 = arith.andi %ge3A_236, %lt3A_239 : vector<16xi1>
              %mul3A_241 = arith.mulf %get3A_181, %gather3A_212 : vector<16xf32>
              %jit3A_242 = arith.constant 0xFF800000 : f32
              %broadcast_in_dim3A_243 = vector.broadcast %jit3A_242 : f32 to vector<16xf32>
              %select_n3A_244 = arith.select %and3A_240, %mul3A_241, %broadcast_in_dim3A_243 : vector<16xi1>, vector<16xf32>
              %add3A_245 = arith.constant 32 : i32
              %add3A_246 = vector.broadcast %add3A_245 : i32 to vector<16xi32>
              %add3A_247 = arith.addi %iota3A, %add3A_246 : vector<16xi32>
              %ge3A_248 = arith.constant 5 : i32
              %ge3A_249 = vector.broadcast %ge3A_248 : i32 to vector<16xi32>
              %ge3A_250 = arith.cmpi sge, %add3A_247, %ge3A_249 : vector<16xi32>
              %lt3A_251 = arith.constant 85 : i32
              %lt3A_252 = vector.broadcast %lt3A_251 : i32 to vector<16xi32>
              %lt3A_253 = arith.cmpi slt, %add3A_247, %lt3A_252 : vector<16xi32>
              %and3A_254 = arith.andi %ge3A_250, %lt3A_253 : vector<16xi1>
              %mul3A_255 = arith.mulf %get3A_184, %gather3A_212 : vector<16xf32>
              %jit3A_256 = arith.constant 0xFF800000 : f32
              %broadcast_in_dim3A_257 = vector.broadcast %jit3A_256 : f32 to vector<16xf32>
              %select_n3A_258 = arith.select %and3A_254, %mul3A_255, %broadcast_in_dim3A_257 : vector<16xi1>, vector<16xf32>
              %add3A_259 = arith.constant 48 : i32
              %add3A_260 = vector.broadcast %add3A_259 : i32 to vector<16xi32>
              %add3A_261 = arith.addi %iota3A, %add3A_260 : vector<16xi32>
              %ge3A_262 = arith.constant 5 : i32
              %ge3A_263 = vector.broadcast %ge3A_262 : i32 to vector<16xi32>
              %ge3A_264 = arith.cmpi sge, %add3A_261, %ge3A_263 : vector<16xi32>
              %lt3A_265 = arith.constant 85 : i32
              %lt3A_266 = vector.broadcast %lt3A_265 : i32 to vector<16xi32>
              %lt3A_267 = arith.cmpi slt, %add3A_261, %lt3A_266 : vector<16xi32>
              %and3A_268 = arith.andi %ge3A_264, %lt3A_267 : vector<16xi1>
              %mul3A_269 = arith.mulf %get3A_187, %gather3A_212 : vector<16xf32>
              %jit3A_270 = arith.constant 0xFF800000 : f32
              %broadcast_in_dim3A_271 = vector.broadcast %jit3A_270 : f32 to vector<16xf32>
              %select_n3A_272 = arith.select %and3A_268, %mul3A_269, %broadcast_in_dim3A_271 : vector<16xi1>, vector<16xf32>
              %add3A_273 = arith.constant 64 : i32
              %add3A_274 = vector.broadcast %add3A_273 : i32 to vector<16xi32>
              %add3A_275 = arith.addi %iota3A, %add3A_274 : vector<16xi32>
              %ge3A_276 = arith.constant 5 : i32
              %ge3A_277 = vector.broadcast %ge3A_276 : i32 to vector<16xi32>
              %ge3A_278 = arith.cmpi sge, %add3A_275, %ge3A_277 : vector<16xi32>
              %lt3A_279 = arith.constant 85 : i32
              %lt3A_280 = vector.broadcast %lt3A_279 : i32 to vector<16xi32>
              %lt3A_281 = arith.cmpi slt, %add3A_275, %lt3A_280 : vector<16xi32>
              %and3A_282 = arith.andi %ge3A_278, %lt3A_281 : vector<16xi1>
              %mul3A_283 = arith.mulf %get3A_190, %gather3A_212 : vector<16xf32>
              %jit3A_284 = arith.constant 0xFF800000 : f32
              %broadcast_in_dim3A_285 = vector.broadcast %jit3A_284 : f32 to vector<16xf32>
              %select_n3A_286 = arith.select %and3A_282, %mul3A_283, %broadcast_in_dim3A_285 : vector<16xi1>, vector<16xf32>
              %add3A_287 = arith.constant 80 : i32
              %add3A_288 = vector.broadcast %add3A_287 : i32 to vector<16xi32>
              %add3A_289 = arith.addi %iota3A, %add3A_288 : vector<16xi32>
              %ge3A_290 = arith.constant 5 : i32
              %ge3A_291 = vector.broadcast %ge3A_290 : i32 to vector<16xi32>
              %ge3A_292 = arith.cmpi sge, %add3A_289, %ge3A_291 : vector<16xi32>
              %lt3A_293 = arith.constant 85 : i32
              %lt3A_294 = vector.broadcast %lt3A_293 : i32 to vector<16xi32>
              %lt3A_295 = arith.cmpi slt, %add3A_289, %lt3A_294 : vector<16xi32>
              %and3A_296 = arith.andi %ge3A_292, %lt3A_295 : vector<16xi1>
              %mul3A_297 = arith.mulf %get3A_193, %gather3A_212 : vector<16xf32>
              %jit3A_298 = arith.constant 0xFF800000 : f32
              %broadcast_in_dim3A_299 = vector.broadcast %jit3A_298 : f32 to vector<16xf32>
              %select_n3A_300 = arith.select %and3A_296, %mul3A_297, %broadcast_in_dim3A_299 : vector<16xi1>, vector<16xf32>
              %max3A = arith.maximumf %select_n3A_230, %select_n3A_244 : vector<16xf32>
              %max3A_301 = arith.maximumf %max3A, %select_n3A_258 : vector<16xf32>
              %max3A_302 = arith.maximumf %max3A_301, %select_n3A_272 : vector<16xf32>
              %max3A_303 = arith.maximumf %max3A_302, %select_n3A_286 : vector<16xf32>
              %max3A_304 = arith.maximumf %max3A_303, %select_n3A_300 : vector<16xf32>
              %reshape3A_305 = vector.shape_cast %select_n3A_47 : vector<16xi32> to vector<16x1xi32>
              %gather3A_306 = vector.shape_cast %reshape3A_305 : vector<16x1xi32> to vector<16xi32>
              %gather3A_307 = tpu.dynamic_gather %max3A_304[%gather3A_306] in [0] : vector<16xf32>, vector<16xi32> -> vector<16xf32>
              %max3A_308 = arith.maximumf %max3A_304, %gather3A_307 : vector<16xf32>
              %reshape3A_309 = vector.shape_cast %select_n3A_72 : vector<16xi32> to vector<16x1xi32>
              %gather3A_310 = vector.shape_cast %reshape3A_309 : vector<16x1xi32> to vector<16xi32>
              %gather3A_311 = tpu.dynamic_gather %max3A_308[%gather3A_310] in [0] : vector<16xf32>, vector<16xi32> -> vector<16xf32>
              %max3A_312 = arith.maximumf %max3A_308, %gather3A_311 : vector<16xf32>
              %reshape3A_313 = vector.shape_cast %select_n3A_97 : vector<16xi32> to vector<16x1xi32>
              %gather3A_314 = vector.shape_cast %reshape3A_313 : vector<16x1xi32> to vector<16xi32>
              %gather3A_315 = tpu.dynamic_gather %max3A_312[%gather3A_314] in [0] : vector<16xf32>, vector<16xi32> -> vector<16xf32>
              %max3A_316 = arith.maximumf %max3A_312, %gather3A_315 : vector<16xf32>
              %reshape3A_317 = vector.shape_cast %select_n3A_122 : vector<16xi32> to vector<16x1xi32>
              %gather3A_318 = vector.shape_cast %reshape3A_317 : vector<16x1xi32> to vector<16xi32>
              %gather3A_319 = tpu.dynamic_gather %max3A_316[%gather3A_318] in [0] : vector<16xf32>, vector<16xi32> -> vector<16xf32>
              %max3A_320 = arith.maximumf %max3A_316, %gather3A_319 : vector<16xf32>
              %broadcast_in_dim3A_321 = arith.constant 4.096000e+03 : f32
              %broadcast_in_dim3A_322 = vector.broadcast %broadcast_in_dim3A_321 : f32 to vector<16xf32>
              %sub3A_323 = arith.constant 5 : i32
              %sub3A_324 = vector.broadcast %sub3A_323 : i32 to vector<16xi32>
              %sub3A_325 = arith.subi %add3A_220, %sub3A_324 : vector<16xi32>
              %convert_element_type3A_326 = arith.sitofp %sub3A_325 : vector<16xi32> to vector<16xf32>
              %eq3A_327 = arith.cmpf oeq, %select_n3A_230, %max3A_320 : vector<16xf32>
              %jit3A_328 = arith.constant 4.096000e+03 : f32
              %broadcast_in_dim3A_329 = vector.broadcast %jit3A_328 : f32 to vector<16xf32>
              %select_n3A_330 = arith.select %eq3A_327, %convert_element_type3A_326, %broadcast_in_dim3A_329 : vector<16xi1>, vector<16xf32>
              %min3A_331 = arith.minimumf %broadcast_in_dim3A_322, %select_n3A_330 : vector<16xf32>
              %sub3A_332 = arith.constant 5 : i32
              %sub3A_333 = vector.broadcast %sub3A_332 : i32 to vector<16xi32>
              %sub3A_334 = arith.subi %add3A_233, %sub3A_333 : vector<16xi32>
              %convert_element_type3A_335 = arith.sitofp %sub3A_334 : vector<16xi32> to vector<16xf32>
              %eq3A_336 = arith.cmpf oeq, %select_n3A_244, %max3A_320 : vector<16xf32>
              %jit3A_337 = arith.constant 4.096000e+03 : f32
              %broadcast_in_dim3A_338 = vector.broadcast %jit3A_337 : f32 to vector<16xf32>
              %select_n3A_339 = arith.select %eq3A_336, %convert_element_type3A_335, %broadcast_in_dim3A_338 : vector<16xi1>, vector<16xf32>
              %min3A_340 = arith.minimumf %min3A_331, %select_n3A_339 : vector<16xf32>
              %sub3A_341 = arith.constant 5 : i32
              %sub3A_342 = vector.broadcast %sub3A_341 : i32 to vector<16xi32>
              %sub3A_343 = arith.subi %add3A_247, %sub3A_342 : vector<16xi32>
              %convert_element_type3A_344 = arith.sitofp %sub3A_343 : vector<16xi32> to vector<16xf32>
              %eq3A_345 = arith.cmpf oeq, %select_n3A_258, %max3A_320 : vector<16xf32>
              %jit3A_346 = arith.constant 4.096000e+03 : f32
              %broadcast_in_dim3A_347 = vector.broadcast %jit3A_346 : f32 to vector<16xf32>
              %select_n3A_348 = arith.select %eq3A_345, %convert_element_type3A_344, %broadcast_in_dim3A_347 : vector<16xi1>, vector<16xf32>
              %min3A_349 = arith.minimumf %min3A_340, %select_n3A_348 : vector<16xf32>
              %sub3A_350 = arith.constant 5 : i32
              %sub3A_351 = vector.broadcast %sub3A_350 : i32 to vector<16xi32>
              %sub3A_352 = arith.subi %add3A_261, %sub3A_351 : vector<16xi32>
              %convert_element_type3A_353 = arith.sitofp %sub3A_352 : vector<16xi32> to vector<16xf32>
              %eq3A_354 = arith.cmpf oeq, %select_n3A_272, %max3A_320 : vector<16xf32>
              %jit3A_355 = arith.constant 4.096000e+03 : f32
              %broadcast_in_dim3A_356 = vector.broadcast %jit3A_355 : f32 to vector<16xf32>
              %select_n3A_357 = arith.select %eq3A_354, %convert_element_type3A_353, %broadcast_in_dim3A_356 : vector<16xi1>, vector<16xf32>
              %min3A_358 = arith.minimumf %min3A_349, %select_n3A_357 : vector<16xf32>
              %sub3A_359 = arith.constant 5 : i32
              %sub3A_360 = vector.broadcast %sub3A_359 : i32 to vector<16xi32>
              %sub3A_361 = arith.subi %add3A_275, %sub3A_360 : vector<16xi32>
              %convert_element_type3A_362 = arith.sitofp %sub3A_361 : vector<16xi32> to vector<16xf32>
              %eq3A_363 = arith.cmpf oeq, %select_n3A_286, %max3A_320 : vector<16xf32>
              %jit3A_364 = arith.constant 4.096000e+03 : f32
              %broadcast_in_dim3A_365 = vector.broadcast %jit3A_364 : f32 to vector<16xf32>
              %select_n3A_366 = arith.select %eq3A_363, %convert_element_type3A_362, %broadcast_in_dim3A_365 : vector<16xi1>, vector<16xf32>
              %min3A_367 = arith.minimumf %min3A_358, %select_n3A_366 : vector<16xf32>
              %sub3A_368 = arith.constant 5 : i32
              %sub3A_369 = vector.broadcast %sub3A_368 : i32 to vector<16xi32>
              %sub3A_370 = arith.subi %add3A_289, %sub3A_369 : vector<16xi32>
              %convert_element_type3A_371 = arith.sitofp %sub3A_370 : vector<16xi32> to vector<16xf32>
              %eq3A_372 = arith.cmpf oeq, %select_n3A_300, %max3A_320 : vector<16xf32>
              %jit3A_373 = arith.constant 4.096000e+03 : f32
              %broadcast_in_dim3A_374 = vector.broadcast %jit3A_373 : f32 to vector<16xf32>
              %select_n3A_375 = arith.select %eq3A_372, %convert_element_type3A_371, %broadcast_in_dim3A_374 : vector<16xi1>, vector<16xf32>
              %min3A_376 = arith.minimumf %min3A_367, %select_n3A_375 : vector<16xf32>
              %reshape3A_377 = vector.shape_cast %select_n3A_47 : vector<16xi32> to vector<16x1xi32>
              %gather3A_378 = vector.shape_cast %reshape3A_377 : vector<16x1xi32> to vector<16xi32>
              %gather3A_379 = tpu.dynamic_gather %min3A_376[%gather3A_378] in [0] : vector<16xf32>, vector<16xi32> -> vector<16xf32>
              %min3A_380 = arith.minimumf %min3A_376, %gather3A_379 : vector<16xf32>
              %reshape3A_381 = vector.shape_cast %select_n3A_72 : vector<16xi32> to vector<16x1xi32>
              %gather3A_382 = vector.shape_cast %reshape3A_381 : vector<16x1xi32> to vector<16xi32>
              %gather3A_383 = tpu.dynamic_gather %min3A_380[%gather3A_382] in [0] : vector<16xf32>, vector<16xi32> -> vector<16xf32>
              %min3A_384 = arith.minimumf %min3A_380, %gather3A_383 : vector<16xf32>
              %reshape3A_385 = vector.shape_cast %select_n3A_97 : vector<16xi32> to vector<16x1xi32>
              %gather3A_386 = vector.shape_cast %reshape3A_385 : vector<16x1xi32> to vector<16xi32>
              %gather3A_387 = tpu.dynamic_gather %min3A_384[%gather3A_386] in [0] : vector<16xf32>, vector<16xi32> -> vector<16xf32>
              %min3A_388 = arith.minimumf %min3A_384, %gather3A_387 : vector<16xf32>
              %reshape3A_389 = vector.shape_cast %select_n3A_122 : vector<16xi32> to vector<16x1xi32>
              %gather3A_390 = vector.shape_cast %reshape3A_389 : vector<16x1xi32> to vector<16xi32>
              %gather3A_391 = tpu.dynamic_gather %min3A_388[%gather3A_390] in [0] : vector<16xf32>, vector<16xi32> -> vector<16xf32>
              %min3A_392 = arith.minimumf %min3A_388, %gather3A_391 : vector<16xf32>
              %broadcast_in_dim3A_393 = arith.constant 0 : i32
              %broadcast_in_dim3A_394 = vector.broadcast %broadcast_in_dim3A_393 : i32 to vector<16xi32>
              %reshape3A_395 = vector.shape_cast %broadcast_in_dim3A_394 : vector<16xi32> to vector<16x1xi32>
              %gather3A_396 = vector.shape_cast %reshape3A_395 : vector<16x1xi32> to vector<16xi32>
              %gather3A_397 = tpu.dynamic_gather %get3A_178[%gather3A_396] in [0] : vector<16xf32>, vector<16xi32> -> vector<16xf32>
              %broadcast_in_dim3A_398 = arith.constant 1 : i32
              %broadcast_in_dim3A_399 = vector.broadcast %broadcast_in_dim3A_398 : i32 to vector<16xi32>
              %reshape3A_400 = vector.shape_cast %broadcast_in_dim3A_399 : vector<16xi32> to vector<16x1xi32>
              %gather3A_401 = vector.shape_cast %reshape3A_400 : vector<16x1xi32> to vector<16xi32>
              %gather3A_402 = tpu.dynamic_gather %get3A_178[%gather3A_401] in [0] : vector<16xf32>, vector<16xi32> -> vector<16xf32>
              %broadcast_in_dim3A_403 = arith.constant 2 : i32
              %broadcast_in_dim3A_404 = vector.broadcast %broadcast_in_dim3A_403 : i32 to vector<16xi32>
              %reshape3A_405 = vector.shape_cast %broadcast_in_dim3A_404 : vector<16xi32> to vector<16x1xi32>
              %gather3A_406 = vector.shape_cast %reshape3A_405 : vector<16x1xi32> to vector<16xi32>
              %gather3A_407 = tpu.dynamic_gather %get3A_178[%gather3A_406] in [0] : vector<16xf32>, vector<16xi32> -> vector<16xf32>
              %broadcast_in_dim3A_408 = arith.constant 3 : i32
              %broadcast_in_dim3A_409 = vector.broadcast %broadcast_in_dim3A_408 : i32 to vector<16xi32>
              %reshape3A_410 = vector.shape_cast %broadcast_in_dim3A_409 : vector<16xi32> to vector<16x1xi32>
              %gather3A_411 = vector.shape_cast %reshape3A_410 : vector<16x1xi32> to vector<16xi32>
              %gather3A_412 = tpu.dynamic_gather %get3A_178[%gather3A_411] in [0] : vector<16xf32>, vector<16xi32> -> vector<16xf32>
              %div3A = arith.constant 2.000000e+00 : f32
              %div3A_413 = vector.broadcast %div3A : f32 to vector<16xf32>
              %div3A_414 = arith.divf %gather3A_407, %div3A_413 : vector<16xf32>
              %div3A_415 = arith.constant 2.000000e+00 : f32
              %div3A_416 = vector.broadcast %div3A_415 : f32 to vector<16xf32>
              %div3A_417 = arith.divf %gather3A_412, %div3A_416 : vector<16xf32>
              %sub3A_418 = arith.subf %gather3A_397, %div3A_414 : vector<16xf32>
              %sub3A_419 = arith.subf %gather3A_402, %div3A_417 : vector<16xf32>
              %add3A_420 = arith.addf %gather3A_397, %div3A_414 : vector<16xf32>
              %add3A_421 = arith.addf %gather3A_402, %div3A_417 : vector<16xf32>
              %mul3A_422 = arith.constant 4.096000e+03 : f32
              %mul3A_423 = vector.broadcast %mul3A_422 : f32 to vector<16xf32>
              %mul3A_424 = arith.mulf %min3A_392, %mul3A_423 : vector<16xf32>
              %add3A_425 = arith.addf %sub3A_418, %mul3A_424 : vector<16xf32>
              %add3A_426 = arith.addf %sub3A_419, %mul3A_424 : vector<16xf32>
              %add3A_427 = arith.addf %add3A_420, %mul3A_424 : vector<16xf32>
              %add3A_428 = arith.addf %add3A_421, %mul3A_424 : vector<16xf32>
              %sub3A_429 = arith.subf %add3A_427, %add3A_425 : vector<16xf32>
              %sub3A_430 = arith.subf %add3A_428, %add3A_426 : vector<16xf32>
              %mul3A_431 = arith.mulf %sub3A_429, %sub3A_430 : vector<16xf32>
              %get3A_432 = arith.constant 0 : i32
              %get3A_433 = arith.index_cast %get3A_432 : i32 to index
              %get3A_434 = memref.load %arg13[%get3A_433] : memref<1xi32, #tpu.memory_space<smem>>
              %add3A_435 = arith.constant 15 : i32
              %add3A_436 = arith.addi %get3A_434, %add3A_435 : i32
              %jit3A_437 = arith.constant 16 : i32
              %div3A_438 = arith.divsi %add3A_436, %jit3A_437 : i32
              %sign3A = arith.constant 0 : i32
              %sign3A_439 = arith.cmpi sgt, %add3A_436, %sign3A : i32
              %sign3A_440 = arith.extui %sign3A_439 : i1 to i32
              %sign3A_441 = arith.constant 0 : i32
              %sign3A_442 = arith.cmpi slt, %add3A_436, %sign3A_441 : i32
              %sign3A_443 = arith.extui %sign3A_442 : i1 to i32
              %sign3A_444 = arith.subi %sign3A_440, %sign3A_443 : i32
              %sign3A_445 = arith.constant 0 : i32
              %sign3A_446 = arith.cmpi sgt, %jit3A_437, %sign3A_445 : i32
              %sign3A_447 = arith.extui %sign3A_446 : i1 to i32
              %sign3A_448 = arith.constant 0 : i32
              %sign3A_449 = arith.cmpi slt, %jit3A_437, %sign3A_448 : i32
              %sign3A_450 = arith.extui %sign3A_449 : i1 to i32
              %sign3A_451 = arith.subi %sign3A_447, %sign3A_450 : i32
              %ne3A_452 = arith.cmpi ne, %sign3A_444, %sign3A_451 : i32
              %rem3A_453 = arith.remsi %add3A_436, %jit3A_437 : i32
              %ne3A_454 = arith.constant 0 : i32
              %ne3A_455 = arith.cmpi ne, %rem3A_453, %ne3A_454 : i32
              %and3A_456 = arith.andi %ne3A_452, %ne3A_455 : i1
              %sub3A_457 = arith.constant 1 : i32
              %sub3A_458 = arith.subi %div3A_438, %sub3A_457 : i32
              %select_n3A_459 = arith.select %and3A_456, %sub3A_458, %div3A_438 : i32
              %broadcast_in_dim3A_460 = arith.constant false
              %broadcast_in_dim3A_461 = vector.broadcast %broadcast_in_dim3A_460 : i1 to vector<16xi1>
              %while3A_462 = arith.constant 0 : i32
              %while3A_463 = arith.subi %select_n3A_459, %while3A_462 : i32
              %while3A_464 = arith.addi %while3A_462, %while3A_463 : i32
              %while3A_465 = arith.constant 1 : i32
              %while3A_466 = arith.divsi %while3A_463, %while3A_465 : i32
              %while3A_467 = arith.muli %while3A_466, %while3A_465 : i32
              %while3A_468 = arith.addi %while3A_462, %while3A_467 : i32
              %while3A_469 = arith.constant 1 : i32
              %while3A_470 = scf.for %while3A_501 = %while3A_462 to %while3A_468 step %while3A_469 iter_args(%while3A_502 = %broadcast_in_dim3A_461) -> (vector<16xi1>)  : i32 {
                %mul3A_503 = arith.constant 16 : i32
                %mul3A_504 = arith.muli %while3A_501, %mul3A_503 : i32
                %multiple_of3A_505 = tpu.assume_multiple %mul3A_504, 16 : i32
                %get3A_506 = arith.index_cast %multiple_of3A_505 : i32 to index
                %get3A_507 = tpu.vector_load %arg7[%get3A_506] {strides = array<i32>} : memref<304xf32, #tpu.memory_space<vmem>>, vector<16xf32>,
                %get3A_508 = arith.index_cast %multiple_of3A_505 : i32 to index
                %get3A_509 = tpu.vector_load %arg8[%get3A_508] {strides = array<i32>} : memref<304xf32, #tpu.memory_space<vmem>>, vector<16xf32>,
                %get3A_510 = arith.index_cast %multiple_of3A_505 : i32 to index
                %get3A_511 = tpu.vector_load %arg9[%get3A_510] {strides = array<i32>} : memref<304xf32, #tpu.memory_space<vmem>>, vector<16xf32>,
                %get3A_512 = arith.index_cast %multiple_of3A_505 : i32 to index
                %get3A_513 = tpu.vector_load %arg10[%get3A_512] {strides = array<i32>} : memref<304xf32, #tpu.memory_space<vmem>>, vector<16xf32>,
                %get3A_514 = arith.index_cast %multiple_of3A_505 : i32 to index
                %get3A_515 = tpu.vector_load %arg11[%get3A_514] {strides = array<i32>} : memref<304xf32, #tpu.memory_space<vmem>>, vector<16xf32>,
                %max3A_516 = arith.maximumf %add3A_425, %get3A_507 : vector<16xf32>
                %max3A_517 = arith.maximumf %add3A_426, %get3A_509 : vector<16xf32>
                %min3A_518 = arith.minimumf %add3A_427, %get3A_511 : vector<16xf32>
                %min3A_519 = arith.minimumf %add3A_428, %get3A_513 : vector<16xf32>
                %sub3A_520 = arith.subf %min3A_518, %max3A_516 : vector<16xf32>
                %max3A_521 = arith.constant 0.000000e+00 : f32
                %max3A_522 = vector.broadcast %max3A_521 : f32 to vector<16xf32>
                %max3A_523 = arith.maximumf %sub3A_520, %max3A_522 : vector<16xf32>
                %sub3A_524 = arith.subf %min3A_519, %max3A_517 : vector<16xf32>
                %max3A_525 = arith.constant 0.000000e+00 : f32
                %max3A_526 = vector.broadcast %max3A_525 : f32 to vector<16xf32>
                %max3A_527 = arith.maximumf %sub3A_524, %max3A_526 : vector<16xf32>
                %mul3A_528 = arith.mulf %max3A_523, %max3A_527 : vector<16xf32>
                %add3A_529 = arith.addf %get3A_515, %mul3A_431 : vector<16xf32>
                %sub3A_530 = arith.subf %add3A_529, %mul3A_528 : vector<16xf32>
                %add3A_531 = arith.constant 9.99999971E-10 : f32
                %add3A_532 = vector.broadcast %add3A_531 : f32 to vector<16xf32>
                %add3A_533 = arith.addf %sub3A_530, %add3A_532 : vector<16xf32>
                %div3A_534 = arith.divf %mul3A_528, %add3A_533 : vector<16xf32>
                %gt3A_535 = arith.constant 4.500000e-01 : f32
                %gt3A_536 = vector.broadcast %gt3A_535 : f32 to vector<16xf32>
                %gt3A_537 = arith.cmpf ogt, %div3A_534, %gt3A_536 : vector<16xf32>
                %or3A = arith.ori %while3A_502, %gt3A_537 : vector<16xi1>
                scf.yield %or3A : vector<16xi1>
              }
              %while3A_471 = arith.constant 1 : i32
              %while3A_472 = scf.for %while3A_501 = %while3A_468 to %while3A_464 step %while3A_471 iter_args(%while3A_502 = %while3A_470) -> (vector<16xi1>)  : i32 {
                %mul3A_503 = arith.constant 16 : i32
                %mul3A_504 = arith.muli %while3A_501, %mul3A_503 : i32
                %multiple_of3A_505 = tpu.assume_multiple %mul3A_504, 16 : i32
                %get3A_506 = arith.index_cast %multiple_of3A_505 : i32 to index
                %get3A_507 = tpu.vector_load %arg7[%get3A_506] {strides = array<i32>} : memref<304xf32, #tpu.memory_space<vmem>>, vector<16xf32>,
                %get3A_508 = arith.index_cast %multiple_of3A_505 : i32 to index
                %get3A_509 = tpu.vector_load %arg8[%get3A_508] {strides = array<i32>} : memref<304xf32, #tpu.memory_space<vmem>>, vector<16xf32>,
                %get3A_510 = arith.index_cast %multiple_of3A_505 : i32 to index
                %get3A_511 = tpu.vector_load %arg9[%get3A_510] {strides = array<i32>} : memref<304xf32, #tpu.memory_space<vmem>>, vector<16xf32>,
                %get3A_512 = arith.index_cast %multiple_of3A_505 : i32 to index
                %get3A_513 = tpu.vector_load %arg10[%get3A_512] {strides = array<i32>} : memref<304xf32, #tpu.memory_space<vmem>>, vector<16xf32>,
                %get3A_514 = arith.index_cast %multiple_of3A_505 : i32 to index
                %get3A_515 = tpu.vector_load %arg11[%get3A_514] {strides = array<i32>} : memref<304xf32, #tpu.memory_space<vmem>>, vector<16xf32>,
                %max3A_516 = arith.maximumf %add3A_425, %get3A_507 : vector<16xf32>
                %max3A_517 = arith.maximumf %add3A_426, %get3A_509 : vector<16xf32>
                %min3A_518 = arith.minimumf %add3A_427, %get3A_511 : vector<16xf32>
                %min3A_519 = arith.minimumf %add3A_428, %get3A_513 : vector<16xf32>
                %sub3A_520 = arith.subf %min3A_518, %max3A_516 : vector<16xf32>
                %max3A_521 = arith.constant 0.000000e+00 : f32
                %max3A_522 = vector.broadcast %max3A_521 : f32 to vector<16xf32>
                %max3A_523 = arith.maximumf %sub3A_520, %max3A_522 : vector<16xf32>
                %sub3A_524 = arith.subf %min3A_519, %max3A_517 : vector<16xf32>
                %max3A_525 = arith.constant 0.000000e+00 : f32
                %max3A_526 = vector.broadcast %max3A_525 : f32 to vector<16xf32>
                %max3A_527 = arith.maximumf %sub3A_524, %max3A_526 : vector<16xf32>
                %mul3A_528 = arith.mulf %max3A_523, %max3A_527 : vector<16xf32>
                %add3A_529 = arith.addf %get3A_515, %mul3A_431 : vector<16xf32>
                %sub3A_530 = arith.subf %add3A_529, %mul3A_528 : vector<16xf32>
                %add3A_531 = arith.constant 9.99999971E-10 : f32
                %add3A_532 = vector.broadcast %add3A_531 : f32 to vector<16xf32>
                %add3A_533 = arith.addf %sub3A_530, %add3A_532 : vector<16xf32>
                %div3A_534 = arith.divf %mul3A_528, %add3A_533 : vector<16xf32>
                %gt3A_535 = arith.constant 4.500000e-01 : f32
                %gt3A_536 = vector.broadcast %gt3A_535 : f32 to vector<16xf32>
                %gt3A_537 = arith.cmpf ogt, %div3A_534, %gt3A_536 : vector<16xf32>
                %or3A = arith.ori %while3A_502, %gt3A_537 : vector<16xi1>
                scf.yield %or3A : vector<16xi1>
              }
              %reduce_or3A_473 = arith.constant 1.000000e+00 : f32
              %reduce_or3A_474 = arith.constant 0.000000e+00 : f32
              %reduce_or3A_475 = vector.broadcast %reduce_or3A_473 : f32 to vector<16xf32>
              %reduce_or3A_476 = vector.broadcast %reduce_or3A_474 : f32 to vector<16xf32>
              %reduce_or3A_477 = arith.select %while3A_472, %reduce_or3A_475, %reduce_or3A_476 : vector<16xi1>, vector<16xf32>
              %reduce_or3A_478 = arith.constant true
              %reduce_or3A_479 = vector.broadcast %reduce_or3A_478 : i1 to vector<16xi1>
              %reduce_or3A_480 = tpu.scan <max>, %reduce_or3A_477 masked %reduce_or3A_479 : vector<16xf32>, vector<16xi1> -> vector<16xf32>
              %reduce_or3A_481 = vector.extract %reduce_or3A_480[15] : f32 from vector<16xf32>
              %reduce_or3A_482 = arith.constant 0.000000e+00 : f32
              %reduce_or3A_483 = arith.cmpf ogt, %reduce_or3A_481, %reduce_or3A_482 : f32
              %not3A = arith.constant true
              %not3A_484 = arith.xori %reduce_or3A_483, %not3A : i1
              %and3A_485 = arith.andi %reduce_or3A_209, %not3A_484 : i1
              %convert_element_type3A_486 = arith.extui %and3A_485 : i1 to i32
              %cond3A_487 = arith.constant 0 : i32
              %cond3A_488 = arith.cmpi ne, %convert_element_type3A_486, %cond3A_487 : i32
              scf.if %cond3A_488 {
                %broadcast_in_dim3A_501 = vector.broadcast %get3A_434 : i32 to vector<16xi32>
                tpu.vector_store_idx %arg7[%broadcast_in_dim3A_501], %add3A_425 masked %eq3A_9 : memref<304xf32, #tpu.memory_space<vmem>>[vector<16xi32>], vector<16xf32>, vector<16xi1>
                tpu.vector_store_idx %arg8[%broadcast_in_dim3A_501], %add3A_426 masked %eq3A_9 : memref<304xf32, #tpu.memory_space<vmem>>[vector<16xi32>], vector<16xf32>, vector<16xi1>
                tpu.vector_store_idx %arg9[%broadcast_in_dim3A_501], %add3A_427 masked %eq3A_9 : memref<304xf32, #tpu.memory_space<vmem>>[vector<16xi32>], vector<16xf32>, vector<16xi1>
                tpu.vector_store_idx %arg10[%broadcast_in_dim3A_501], %add3A_428 masked %eq3A_9 : memref<304xf32, #tpu.memory_space<vmem>>[vector<16xi32>], vector<16xf32>, vector<16xi1>
                tpu.vector_store_idx %arg11[%broadcast_in_dim3A_501], %mul3A_431 masked %eq3A_9 : memref<304xf32, #tpu.memory_space<vmem>>[vector<16xi32>], vector<16xf32>, vector<16xi1>
                %eq3A_502 = arith.constant 0 : i32
                %eq3A_503 = vector.broadcast %eq3A_502 : i32 to vector<16xi32>
                %eq3A_504 = arith.cmpi eq, %iota3A, %eq3A_503 : vector<16xi32>
                %eq3A_505 = arith.constant 1 : i32
                %eq3A_506 = vector.broadcast %eq3A_505 : i32 to vector<16xi32>
                %eq3A_507 = arith.cmpi eq, %iota3A, %eq3A_506 : vector<16xi32>
                %eq3A_508 = arith.constant 2 : i32
                %eq3A_509 = vector.broadcast %eq3A_508 : i32 to vector<16xi32>
                %eq3A_510 = arith.cmpi eq, %iota3A, %eq3A_509 : vector<16xi32>
                %eq3A_511 = arith.constant 3 : i32
                %eq3A_512 = vector.broadcast %eq3A_511 : i32 to vector<16xi32>
                %eq3A_513 = arith.cmpi eq, %iota3A, %eq3A_512 : vector<16xi32>
                %eq3A_514 = arith.constant 4 : i32
                %eq3A_515 = vector.broadcast %eq3A_514 : i32 to vector<16xi32>
                %eq3A_516 = arith.cmpi eq, %iota3A, %eq3A_515 : vector<16xi32>
                %eq3A_517 = arith.constant 5 : i32
                %eq3A_518 = vector.broadcast %eq3A_517 : i32 to vector<16xi32>
                %eq3A_519 = arith.cmpi eq, %iota3A, %eq3A_518 : vector<16xi32>
                %select_n3A_520 = arith.select %eq3A_519, %min3A_392, %broadcast_in_dim3A_3 : vector<16xi1>, vector<16xf32>
                %select_n3A_521 = arith.select %eq3A_516, %gather3A_217, %select_n3A_520 : vector<16xi1>, vector<16xf32>
                %select_n3A_522 = arith.select %eq3A_513, %add3A_421, %select_n3A_521 : vector<16xi1>, vector<16xf32>
                %select_n3A_523 = arith.select %eq3A_510, %add3A_420, %select_n3A_522 : vector<16xi1>, vector<16xf32>
                %select_n3A_524 = arith.select %eq3A_507, %sub3A_419, %select_n3A_523 : vector<16xi1>, vector<16xf32>
                %select_n3A_525 = arith.select %eq3A_504, %sub3A_418, %select_n3A_524 : vector<16xi1>, vector<16xf32>
                %mul3A_526 = arith.constant 16 : i32
                %mul3A_527 = arith.muli %get3A_434, %mul3A_526 : i32
                %multiple_of3A_528 = tpu.assume_multiple %mul3A_527, 16 : i32
                %swap3A_529 = arith.index_cast %multiple_of3A_528 : i32 to index
                %swap3A_530 = tpu.vector_load %arg12[%swap3A_529] {strides = array<i32>} : memref<4864xf32, #tpu.memory_space<vmem>>, vector<16xf32>,
                tpu.vector_store %arg12[%swap3A_529], %select_n3A_525 {strides = array<i32>} : memref<4864xf32, #tpu.memory_space<vmem>>, vector<16xf32>,
              } else {
              }
              %convert_element_type3A_489 = arith.extui %and3A_485 : i1 to i32
              %add3A_490 = arith.addi %get3A_434, %convert_element_type3A_489 : i32
              %swap3A_491 = arith.constant 0 : i32
              %swap3A_492 = arith.index_cast %swap3A_491 : i32 to index
              %swap3A_493 = memref.load %arg13[%swap3A_492] : memref<1xi32, #tpu.memory_space<smem>>
              memref.store %add3A_490, %arg13[%swap3A_492] : memref<1xi32, #tpu.memory_space<smem>>
              %lt3A_494 = arith.constant 300 : i32
              %lt3A_495 = arith.cmpi slt, %add3A_490, %lt3A_494 : i32
              %and3A_496 = arith.andi %reduce_or3A_209, %lt3A_495 : i1
              %convert_element_type3A_497 = arith.extui %and3A_496 : i1 to i32
              %swap3A_498 = arith.constant 0 : i32
              %swap3A_499 = arith.index_cast %swap3A_498 : i32 to index
              %swap3A_500 = memref.load %arg14[%swap3A_499] : memref<1xi32, #tpu.memory_space<smem>>
              memref.store %convert_element_type3A_497, %arg14[%swap3A_499] : memref<1xi32, #tpu.memory_space<smem>>
            } else {
            }
          }
          %while3A_166 = arith.constant 1 : i32
          scf.for %while3A_167 = %while3A_164 to %while3A_160 step %while3A_166  : i32 {
            %get3A_168 = arith.constant 0 : i32
            %get3A_169 = arith.index_cast %get3A_168 : i32 to index
            %get3A_170 = memref.load %arg14[%get3A_169] : memref<1xi32, #tpu.memory_space<smem>>
            %eq3A_171 = arith.constant 1 : i32
            %eq3A_172 = arith.cmpi eq, %get3A_170, %eq3A_171 : i32
            %convert_element_type3A_173 = arith.extui %eq3A_172 : i1 to i32
            %cond3A_174 = arith.constant 0 : i32
            %cond3A_175 = arith.cmpi ne, %convert_element_type3A_173, %cond3A_174 : i32
            scf.if %cond3A_175 {
              %get3A_176 = arith.index_cast %while3A_167 : i32 to index
              %get3A_177 = arith.constant 0 : index
              %get3A_178 = tpu.vector_load %arg6[%get3A_176, %get3A_177] {strides = array<i32>} : memref<512x96xf32, #tpu.memory_space<vmem>>, vector<16xf32>,
              %get3A_179 = arith.index_cast %while3A_167 : i32 to index
              %get3A_180 = arith.constant 16 : index
              %get3A_181 = tpu.vector_load %arg6[%get3A_179, %get3A_180] {strides = array<i32>} : memref<512x96xf32, #tpu.memory_space<vmem>>, vector<16xf32>,
              %get3A_182 = arith.index_cast %while3A_167 : i32 to index
              %get3A_183 = arith.constant 32 : index
              %get3A_184 = tpu.vector_load %arg6[%get3A_182, %get3A_183] {strides = array<i32>} : memref<512x96xf32, #tpu.memory_space<vmem>>, vector<16xf32>,
              %get3A_185 = arith.index_cast %while3A_167 : i32 to index
              %get3A_186 = arith.constant 48 : index
              %get3A_187 = tpu.vector_load %arg6[%get3A_185, %get3A_186] {strides = array<i32>} : memref<512x96xf32, #tpu.memory_space<vmem>>, vector<16xf32>,
              %get3A_188 = arith.index_cast %while3A_167 : i32 to index
              %get3A_189 = arith.constant 64 : index
              %get3A_190 = tpu.vector_load %arg6[%get3A_188, %get3A_189] {strides = array<i32>} : memref<512x96xf32, #tpu.memory_space<vmem>>, vector<16xf32>,
              %get3A_191 = arith.index_cast %while3A_167 : i32 to index
              %get3A_192 = arith.constant 80 : index
              %get3A_193 = tpu.vector_load %arg6[%get3A_191, %get3A_192] {strides = array<i32>} : memref<512x96xf32, #tpu.memory_space<vmem>>, vector<16xf32>,
              %gt3A = arith.constant 2.500000e-01 : f32
              %gt3A_194 = vector.broadcast %gt3A : f32 to vector<16xf32>
              %gt3A_195 = arith.cmpf ogt, %get3A_193, %gt3A_194 : vector<16xf32>
              %eq3A_196 = arith.constant 5 : i32
              %eq3A_197 = vector.broadcast %eq3A_196 : i32 to vector<16xi32>
              %eq3A_198 = arith.cmpi eq, %iota3A, %eq3A_197 : vector<16xi32>
              %and3A_199 = arith.andi %gt3A_195, %eq3A_198 : vector<16xi1>
              %reduce_or3A = arith.constant 1.000000e+00 : f32
              %reduce_or3A_200 = arith.constant 0.000000e+00 : f32
              %reduce_or3A_201 = vector.broadcast %reduce_or3A : f32 to vector<16xf32>
              %reduce_or3A_202 = vector.broadcast %reduce_or3A_200 : f32 to vector<16xf32>
              %reduce_or3A_203 = arith.select %and3A_199, %reduce_or3A_201, %reduce_or3A_202 : vector<16xi1>, vector<16xf32>
              %reduce_or3A_204 = arith.constant true
              %reduce_or3A_205 = vector.broadcast %reduce_or3A_204 : i1 to vector<16xi1>
              %reduce_or3A_206 = tpu.scan <max>, %reduce_or3A_203 masked %reduce_or3A_205 : vector<16xf32>, vector<16xi1> -> vector<16xf32>
              %reduce_or3A_207 = vector.extract %reduce_or3A_206[15] : f32 from vector<16xf32>
              %reduce_or3A_208 = arith.constant 0.000000e+00 : f32
              %reduce_or3A_209 = arith.cmpf ogt, %reduce_or3A_207, %reduce_or3A_208 : f32
              %broadcast_in_dim3A_210 = arith.constant 4 : i32
              %broadcast_in_dim3A_211 = vector.broadcast %broadcast_in_dim3A_210 : i32 to vector<16xi32>
              %reshape3A = vector.shape_cast %broadcast_in_dim3A_211 : vector<16xi32> to vector<16x1xi32>
              %gather3A = vector.shape_cast %reshape3A : vector<16x1xi32> to vector<16xi32>
              %gather3A_212 = tpu.dynamic_gather %get3A_178[%gather3A] in [0] : vector<16xf32>, vector<16xi32> -> vector<16xf32>
              %broadcast_in_dim3A_213 = arith.constant 5 : i32
              %broadcast_in_dim3A_214 = vector.broadcast %broadcast_in_dim3A_213 : i32 to vector<16xi32>
              %reshape3A_215 = vector.shape_cast %broadcast_in_dim3A_214 : vector<16xi32> to vector<16x1xi32>
              %gather3A_216 = vector.shape_cast %reshape3A_215 : vector<16x1xi32> to vector<16xi32>
              %gather3A_217 = tpu.dynamic_gather %get3A_193[%gather3A_216] in [0] : vector<16xf32>, vector<16xi32> -> vector<16xf32>
              %add3A_218 = arith.constant 0 : i32
              %add3A_219 = vector.broadcast %add3A_218 : i32 to vector<16xi32>
              %add3A_220 = arith.addi %iota3A, %add3A_219 : vector<16xi32>
              %ge3A = arith.constant 5 : i32
              %ge3A_221 = vector.broadcast %ge3A : i32 to vector<16xi32>
              %ge3A_222 = arith.cmpi sge, %add3A_220, %ge3A_221 : vector<16xi32>
              %lt3A_223 = arith.constant 85 : i32
              %lt3A_224 = vector.broadcast %lt3A_223 : i32 to vector<16xi32>
              %lt3A_225 = arith.cmpi slt, %add3A_220, %lt3A_224 : vector<16xi32>
              %and3A_226 = arith.andi %ge3A_222, %lt3A_225 : vector<16xi1>
              %mul3A_227 = arith.mulf %get3A_178, %gather3A_212 : vector<16xf32>
              %jit3A_228 = arith.constant 0xFF800000 : f32
              %broadcast_in_dim3A_229 = vector.broadcast %jit3A_228 : f32 to vector<16xf32>
              %select_n3A_230 = arith.select %and3A_226, %mul3A_227, %broadcast_in_dim3A_229 : vector<16xi1>, vector<16xf32>
              %add3A_231 = arith.constant 16 : i32
              %add3A_232 = vector.broadcast %add3A_231 : i32 to vector<16xi32>
              %add3A_233 = arith.addi %iota3A, %add3A_232 : vector<16xi32>
              %ge3A_234 = arith.constant 5 : i32
              %ge3A_235 = vector.broadcast %ge3A_234 : i32 to vector<16xi32>
              %ge3A_236 = arith.cmpi sge, %add3A_233, %ge3A_235 : vector<16xi32>
              %lt3A_237 = arith.constant 85 : i32
              %lt3A_238 = vector.broadcast %lt3A_237 : i32 to vector<16xi32>
              %lt3A_239 = arith.cmpi slt, %add3A_233, %lt3A_238 : vector<16xi32>
              %and3A_240 = arith.andi %ge3A_236, %lt3A_239 : vector<16xi1>
              %mul3A_241 = arith.mulf %get3A_181, %gather3A_212 : vector<16xf32>
              %jit3A_242 = arith.constant 0xFF800000 : f32
              %broadcast_in_dim3A_243 = vector.broadcast %jit3A_242 : f32 to vector<16xf32>
              %select_n3A_244 = arith.select %and3A_240, %mul3A_241, %broadcast_in_dim3A_243 : vector<16xi1>, vector<16xf32>
              %add3A_245 = arith.constant 32 : i32
              %add3A_246 = vector.broadcast %add3A_245 : i32 to vector<16xi32>
              %add3A_247 = arith.addi %iota3A, %add3A_246 : vector<16xi32>
              %ge3A_248 = arith.constant 5 : i32
              %ge3A_249 = vector.broadcast %ge3A_248 : i32 to vector<16xi32>
              %ge3A_250 = arith.cmpi sge, %add3A_247, %ge3A_249 : vector<16xi32>
              %lt3A_251 = arith.constant 85 : i32
              %lt3A_252 = vector.broadcast %lt3A_251 : i32 to vector<16xi32>
              %lt3A_253 = arith.cmpi slt, %add3A_247, %lt3A_252 : vector<16xi32>
              %and3A_254 = arith.andi %ge3A_250, %lt3A_253 : vector<16xi1>
              %mul3A_255 = arith.mulf %get3A_184, %gather3A_212 : vector<16xf32>
              %jit3A_256 = arith.constant 0xFF800000 : f32
              %broadcast_in_dim3A_257 = vector.broadcast %jit3A_256 : f32 to vector<16xf32>
              %select_n3A_258 = arith.select %and3A_254, %mul3A_255, %broadcast_in_dim3A_257 : vector<16xi1>, vector<16xf32>
              %add3A_259 = arith.constant 48 : i32
              %add3A_260 = vector.broadcast %add3A_259 : i32 to vector<16xi32>
              %add3A_261 = arith.addi %iota3A, %add3A_260 : vector<16xi32>
              %ge3A_262 = arith.constant 5 : i32
              %ge3A_263 = vector.broadcast %ge3A_262 : i32 to vector<16xi32>
              %ge3A_264 = arith.cmpi sge, %add3A_261, %ge3A_263 : vector<16xi32>
              %lt3A_265 = arith.constant 85 : i32
              %lt3A_266 = vector.broadcast %lt3A_265 : i32 to vector<16xi32>
              %lt3A_267 = arith.cmpi slt, %add3A_261, %lt3A_266 : vector<16xi32>
              %and3A_268 = arith.andi %ge3A_264, %lt3A_267 : vector<16xi1>
              %mul3A_269 = arith.mulf %get3A_187, %gather3A_212 : vector<16xf32>
              %jit3A_270 = arith.constant 0xFF800000 : f32
              %broadcast_in_dim3A_271 = vector.broadcast %jit3A_270 : f32 to vector<16xf32>
              %select_n3A_272 = arith.select %and3A_268, %mul3A_269, %broadcast_in_dim3A_271 : vector<16xi1>, vector<16xf32>
              %add3A_273 = arith.constant 64 : i32
              %add3A_274 = vector.broadcast %add3A_273 : i32 to vector<16xi32>
              %add3A_275 = arith.addi %iota3A, %add3A_274 : vector<16xi32>
              %ge3A_276 = arith.constant 5 : i32
              %ge3A_277 = vector.broadcast %ge3A_276 : i32 to vector<16xi32>
              %ge3A_278 = arith.cmpi sge, %add3A_275, %ge3A_277 : vector<16xi32>
              %lt3A_279 = arith.constant 85 : i32
              %lt3A_280 = vector.broadcast %lt3A_279 : i32 to vector<16xi32>
              %lt3A_281 = arith.cmpi slt, %add3A_275, %lt3A_280 : vector<16xi32>
              %and3A_282 = arith.andi %ge3A_278, %lt3A_281 : vector<16xi1>
              %mul3A_283 = arith.mulf %get3A_190, %gather3A_212 : vector<16xf32>
              %jit3A_284 = arith.constant 0xFF800000 : f32
              %broadcast_in_dim3A_285 = vector.broadcast %jit3A_284 : f32 to vector<16xf32>
              %select_n3A_286 = arith.select %and3A_282, %mul3A_283, %broadcast_in_dim3A_285 : vector<16xi1>, vector<16xf32>
              %add3A_287 = arith.constant 80 : i32
              %add3A_288 = vector.broadcast %add3A_287 : i32 to vector<16xi32>
              %add3A_289 = arith.addi %iota3A, %add3A_288 : vector<16xi32>
              %ge3A_290 = arith.constant 5 : i32
              %ge3A_291 = vector.broadcast %ge3A_290 : i32 to vector<16xi32>
              %ge3A_292 = arith.cmpi sge, %add3A_289, %ge3A_291 : vector<16xi32>
              %lt3A_293 = arith.constant 85 : i32
              %lt3A_294 = vector.broadcast %lt3A_293 : i32 to vector<16xi32>
              %lt3A_295 = arith.cmpi slt, %add3A_289, %lt3A_294 : vector<16xi32>
              %and3A_296 = arith.andi %ge3A_292, %lt3A_295 : vector<16xi1>
              %mul3A_297 = arith.mulf %get3A_193, %gather3A_212 : vector<16xf32>
              %jit3A_298 = arith.constant 0xFF800000 : f32
              %broadcast_in_dim3A_299 = vector.broadcast %jit3A_298 : f32 to vector<16xf32>
              %select_n3A_300 = arith.select %and3A_296, %mul3A_297, %broadcast_in_dim3A_299 : vector<16xi1>, vector<16xf32>
              %max3A = arith.maximumf %select_n3A_230, %select_n3A_244 : vector<16xf32>
              %max3A_301 = arith.maximumf %max3A, %select_n3A_258 : vector<16xf32>
              %max3A_302 = arith.maximumf %max3A_301, %select_n3A_272 : vector<16xf32>
              %max3A_303 = arith.maximumf %max3A_302, %select_n3A_286 : vector<16xf32>
              %max3A_304 = arith.maximumf %max3A_303, %select_n3A_300 : vector<16xf32>
              %reshape3A_305 = vector.shape_cast %select_n3A_47 : vector<16xi32> to vector<16x1xi32>
              %gather3A_306 = vector.shape_cast %reshape3A_305 : vector<16x1xi32> to vector<16xi32>
              %gather3A_307 = tpu.dynamic_gather %max3A_304[%gather3A_306] in [0] : vector<16xf32>, vector<16xi32> -> vector<16xf32>
              %max3A_308 = arith.maximumf %max3A_304, %gather3A_307 : vector<16xf32>
              %reshape3A_309 = vector.shape_cast %select_n3A_72 : vector<16xi32> to vector<16x1xi32>
              %gather3A_310 = vector.shape_cast %reshape3A_309 : vector<16x1xi32> to vector<16xi32>
              %gather3A_311 = tpu.dynamic_gather %max3A_308[%gather3A_310] in [0] : vector<16xf32>, vector<16xi32> -> vector<16xf32>
              %max3A_312 = arith.maximumf %max3A_308, %gather3A_311 : vector<16xf32>
              %reshape3A_313 = vector.shape_cast %select_n3A_97 : vector<16xi32> to vector<16x1xi32>
              %gather3A_314 = vector.shape_cast %reshape3A_313 : vector<16x1xi32> to vector<16xi32>
              %gather3A_315 = tpu.dynamic_gather %max3A_312[%gather3A_314] in [0] : vector<16xf32>, vector<16xi32> -> vector<16xf32>
              %max3A_316 = arith.maximumf %max3A_312, %gather3A_315 : vector<16xf32>
              %reshape3A_317 = vector.shape_cast %select_n3A_122 : vector<16xi32> to vector<16x1xi32>
              %gather3A_318 = vector.shape_cast %reshape3A_317 : vector<16x1xi32> to vector<16xi32>
              %gather3A_319 = tpu.dynamic_gather %max3A_316[%gather3A_318] in [0] : vector<16xf32>, vector<16xi32> -> vector<16xf32>
              %max3A_320 = arith.maximumf %max3A_316, %gather3A_319 : vector<16xf32>
              %broadcast_in_dim3A_321 = arith.constant 4.096000e+03 : f32
              %broadcast_in_dim3A_322 = vector.broadcast %broadcast_in_dim3A_321 : f32 to vector<16xf32>
              %sub3A_323 = arith.constant 5 : i32
              %sub3A_324 = vector.broadcast %sub3A_323 : i32 to vector<16xi32>
              %sub3A_325 = arith.subi %add3A_220, %sub3A_324 : vector<16xi32>
              %convert_element_type3A_326 = arith.sitofp %sub3A_325 : vector<16xi32> to vector<16xf32>
              %eq3A_327 = arith.cmpf oeq, %select_n3A_230, %max3A_320 : vector<16xf32>
              %jit3A_328 = arith.constant 4.096000e+03 : f32
              %broadcast_in_dim3A_329 = vector.broadcast %jit3A_328 : f32 to vector<16xf32>
              %select_n3A_330 = arith.select %eq3A_327, %convert_element_type3A_326, %broadcast_in_dim3A_329 : vector<16xi1>, vector<16xf32>
              %min3A_331 = arith.minimumf %broadcast_in_dim3A_322, %select_n3A_330 : vector<16xf32>
              %sub3A_332 = arith.constant 5 : i32
              %sub3A_333 = vector.broadcast %sub3A_332 : i32 to vector<16xi32>
              %sub3A_334 = arith.subi %add3A_233, %sub3A_333 : vector<16xi32>
              %convert_element_type3A_335 = arith.sitofp %sub3A_334 : vector<16xi32> to vector<16xf32>
              %eq3A_336 = arith.cmpf oeq, %select_n3A_244, %max3A_320 : vector<16xf32>
              %jit3A_337 = arith.constant 4.096000e+03 : f32
              %broadcast_in_dim3A_338 = vector.broadcast %jit3A_337 : f32 to vector<16xf32>
              %select_n3A_339 = arith.select %eq3A_336, %convert_element_type3A_335, %broadcast_in_dim3A_338 : vector<16xi1>, vector<16xf32>
              %min3A_340 = arith.minimumf %min3A_331, %select_n3A_339 : vector<16xf32>
              %sub3A_341 = arith.constant 5 : i32
              %sub3A_342 = vector.broadcast %sub3A_341 : i32 to vector<16xi32>
              %sub3A_343 = arith.subi %add3A_247, %sub3A_342 : vector<16xi32>
              %convert_element_type3A_344 = arith.sitofp %sub3A_343 : vector<16xi32> to vector<16xf32>
              %eq3A_345 = arith.cmpf oeq, %select_n3A_258, %max3A_320 : vector<16xf32>
              %jit3A_346 = arith.constant 4.096000e+03 : f32
              %broadcast_in_dim3A_347 = vector.broadcast %jit3A_346 : f32 to vector<16xf32>
              %select_n3A_348 = arith.select %eq3A_345, %convert_element_type3A_344, %broadcast_in_dim3A_347 : vector<16xi1>, vector<16xf32>
              %min3A_349 = arith.minimumf %min3A_340, %select_n3A_348 : vector<16xf32>
              %sub3A_350 = arith.constant 5 : i32
              %sub3A_351 = vector.broadcast %sub3A_350 : i32 to vector<16xi32>
              %sub3A_352 = arith.subi %add3A_261, %sub3A_351 : vector<16xi32>
              %convert_element_type3A_353 = arith.sitofp %sub3A_352 : vector<16xi32> to vector<16xf32>
              %eq3A_354 = arith.cmpf oeq, %select_n3A_272, %max3A_320 : vector<16xf32>
              %jit3A_355 = arith.constant 4.096000e+03 : f32
              %broadcast_in_dim3A_356 = vector.broadcast %jit3A_355 : f32 to vector<16xf32>
              %select_n3A_357 = arith.select %eq3A_354, %convert_element_type3A_353, %broadcast_in_dim3A_356 : vector<16xi1>, vector<16xf32>
              %min3A_358 = arith.minimumf %min3A_349, %select_n3A_357 : vector<16xf32>
              %sub3A_359 = arith.constant 5 : i32
              %sub3A_360 = vector.broadcast %sub3A_359 : i32 to vector<16xi32>
              %sub3A_361 = arith.subi %add3A_275, %sub3A_360 : vector<16xi32>
              %convert_element_type3A_362 = arith.sitofp %sub3A_361 : vector<16xi32> to vector<16xf32>
              %eq3A_363 = arith.cmpf oeq, %select_n3A_286, %max3A_320 : vector<16xf32>
              %jit3A_364 = arith.constant 4.096000e+03 : f32
              %broadcast_in_dim3A_365 = vector.broadcast %jit3A_364 : f32 to vector<16xf32>
              %select_n3A_366 = arith.select %eq3A_363, %convert_element_type3A_362, %broadcast_in_dim3A_365 : vector<16xi1>, vector<16xf32>
              %min3A_367 = arith.minimumf %min3A_358, %select_n3A_366 : vector<16xf32>
              %sub3A_368 = arith.constant 5 : i32
              %sub3A_369 = vector.broadcast %sub3A_368 : i32 to vector<16xi32>
              %sub3A_370 = arith.subi %add3A_289, %sub3A_369 : vector<16xi32>
              %convert_element_type3A_371 = arith.sitofp %sub3A_370 : vector<16xi32> to vector<16xf32>
              %eq3A_372 = arith.cmpf oeq, %select_n3A_300, %max3A_320 : vector<16xf32>
              %jit3A_373 = arith.constant 4.096000e+03 : f32
              %broadcast_in_dim3A_374 = vector.broadcast %jit3A_373 : f32 to vector<16xf32>
              %select_n3A_375 = arith.select %eq3A_372, %convert_element_type3A_371, %broadcast_in_dim3A_374 : vector<16xi1>, vector<16xf32>
              %min3A_376 = arith.minimumf %min3A_367, %select_n3A_375 : vector<16xf32>
              %reshape3A_377 = vector.shape_cast %select_n3A_47 : vector<16xi32> to vector<16x1xi32>
              %gather3A_378 = vector.shape_cast %reshape3A_377 : vector<16x1xi32> to vector<16xi32>
              %gather3A_379 = tpu.dynamic_gather %min3A_376[%gather3A_378] in [0] : vector<16xf32>, vector<16xi32> -> vector<16xf32>
              %min3A_380 = arith.minimumf %min3A_376, %gather3A_379 : vector<16xf32>
              %reshape3A_381 = vector.shape_cast %select_n3A_72 : vector<16xi32> to vector<16x1xi32>
              %gather3A_382 = vector.shape_cast %reshape3A_381 : vector<16x1xi32> to vector<16xi32>
              %gather3A_383 = tpu.dynamic_gather %min3A_380[%gather3A_382] in [0] : vector<16xf32>, vector<16xi32> -> vector<16xf32>
              %min3A_384 = arith.minimumf %min3A_380, %gather3A_383 : vector<16xf32>
              %reshape3A_385 = vector.shape_cast %select_n3A_97 : vector<16xi32> to vector<16x1xi32>
              %gather3A_386 = vector.shape_cast %reshape3A_385 : vector<16x1xi32> to vector<16xi32>
              %gather3A_387 = tpu.dynamic_gather %min3A_384[%gather3A_386] in [0] : vector<16xf32>, vector<16xi32> -> vector<16xf32>
              %min3A_388 = arith.minimumf %min3A_384, %gather3A_387 : vector<16xf32>
              %reshape3A_389 = vector.shape_cast %select_n3A_122 : vector<16xi32> to vector<16x1xi32>
              %gather3A_390 = vector.shape_cast %reshape3A_389 : vector<16x1xi32> to vector<16xi32>
              %gather3A_391 = tpu.dynamic_gather %min3A_388[%gather3A_390] in [0] : vector<16xf32>, vector<16xi32> -> vector<16xf32>
              %min3A_392 = arith.minimumf %min3A_388, %gather3A_391 : vector<16xf32>
              %broadcast_in_dim3A_393 = arith.constant 0 : i32
              %broadcast_in_dim3A_394 = vector.broadcast %broadcast_in_dim3A_393 : i32 to vector<16xi32>
              %reshape3A_395 = vector.shape_cast %broadcast_in_dim3A_394 : vector<16xi32> to vector<16x1xi32>
              %gather3A_396 = vector.shape_cast %reshape3A_395 : vector<16x1xi32> to vector<16xi32>
              %gather3A_397 = tpu.dynamic_gather %get3A_178[%gather3A_396] in [0] : vector<16xf32>, vector<16xi32> -> vector<16xf32>
              %broadcast_in_dim3A_398 = arith.constant 1 : i32
              %broadcast_in_dim3A_399 = vector.broadcast %broadcast_in_dim3A_398 : i32 to vector<16xi32>
              %reshape3A_400 = vector.shape_cast %broadcast_in_dim3A_399 : vector<16xi32> to vector<16x1xi32>
              %gather3A_401 = vector.shape_cast %reshape3A_400 : vector<16x1xi32> to vector<16xi32>
              %gather3A_402 = tpu.dynamic_gather %get3A_178[%gather3A_401] in [0] : vector<16xf32>, vector<16xi32> -> vector<16xf32>
              %broadcast_in_dim3A_403 = arith.constant 2 : i32
              %broadcast_in_dim3A_404 = vector.broadcast %broadcast_in_dim3A_403 : i32 to vector<16xi32>
              %reshape3A_405 = vector.shape_cast %broadcast_in_dim3A_404 : vector<16xi32> to vector<16x1xi32>
              %gather3A_406 = vector.shape_cast %reshape3A_405 : vector<16x1xi32> to vector<16xi32>
              %gather3A_407 = tpu.dynamic_gather %get3A_178[%gather3A_406] in [0] : vector<16xf32>, vector<16xi32> -> vector<16xf32>
              %broadcast_in_dim3A_408 = arith.constant 3 : i32
              %broadcast_in_dim3A_409 = vector.broadcast %broadcast_in_dim3A_408 : i32 to vector<16xi32>
              %reshape3A_410 = vector.shape_cast %broadcast_in_dim3A_409 : vector<16xi32> to vector<16x1xi32>
              %gather3A_411 = vector.shape_cast %reshape3A_410 : vector<16x1xi32> to vector<16xi32>
              %gather3A_412 = tpu.dynamic_gather %get3A_178[%gather3A_411] in [0] : vector<16xf32>, vector<16xi32> -> vector<16xf32>
              %div3A = arith.constant 2.000000e+00 : f32
              %div3A_413 = vector.broadcast %div3A : f32 to vector<16xf32>
              %div3A_414 = arith.divf %gather3A_407, %div3A_413 : vector<16xf32>
              %div3A_415 = arith.constant 2.000000e+00 : f32
              %div3A_416 = vector.broadcast %div3A_415 : f32 to vector<16xf32>
              %div3A_417 = arith.divf %gather3A_412, %div3A_416 : vector<16xf32>
              %sub3A_418 = arith.subf %gather3A_397, %div3A_414 : vector<16xf32>
              %sub3A_419 = arith.subf %gather3A_402, %div3A_417 : vector<16xf32>
              %add3A_420 = arith.addf %gather3A_397, %div3A_414 : vector<16xf32>
              %add3A_421 = arith.addf %gather3A_402, %div3A_417 : vector<16xf32>
              %mul3A_422 = arith.constant 4.096000e+03 : f32
              %mul3A_423 = vector.broadcast %mul3A_422 : f32 to vector<16xf32>
              %mul3A_424 = arith.mulf %min3A_392, %mul3A_423 : vector<16xf32>
              %add3A_425 = arith.addf %sub3A_418, %mul3A_424 : vector<16xf32>
              %add3A_426 = arith.addf %sub3A_419, %mul3A_424 : vector<16xf32>
              %add3A_427 = arith.addf %add3A_420, %mul3A_424 : vector<16xf32>
              %add3A_428 = arith.addf %add3A_421, %mul3A_424 : vector<16xf32>
              %sub3A_429 = arith.subf %add3A_427, %add3A_425 : vector<16xf32>
              %sub3A_430 = arith.subf %add3A_428, %add3A_426 : vector<16xf32>
              %mul3A_431 = arith.mulf %sub3A_429, %sub3A_430 : vector<16xf32>
              %get3A_432 = arith.constant 0 : i32
              %get3A_433 = arith.index_cast %get3A_432 : i32 to index
              %get3A_434 = memref.load %arg13[%get3A_433] : memref<1xi32, #tpu.memory_space<smem>>
              %add3A_435 = arith.constant 15 : i32
              %add3A_436 = arith.addi %get3A_434, %add3A_435 : i32
              %jit3A_437 = arith.constant 16 : i32
              %div3A_438 = arith.divsi %add3A_436, %jit3A_437 : i32
              %sign3A = arith.constant 0 : i32
              %sign3A_439 = arith.cmpi sgt, %add3A_436, %sign3A : i32
              %sign3A_440 = arith.extui %sign3A_439 : i1 to i32
              %sign3A_441 = arith.constant 0 : i32
              %sign3A_442 = arith.cmpi slt, %add3A_436, %sign3A_441 : i32
              %sign3A_443 = arith.extui %sign3A_442 : i1 to i32
              %sign3A_444 = arith.subi %sign3A_440, %sign3A_443 : i32
              %sign3A_445 = arith.constant 0 : i32
              %sign3A_446 = arith.cmpi sgt, %jit3A_437, %sign3A_445 : i32
              %sign3A_447 = arith.extui %sign3A_446 : i1 to i32
              %sign3A_448 = arith.constant 0 : i32
              %sign3A_449 = arith.cmpi slt, %jit3A_437, %sign3A_448 : i32
              %sign3A_450 = arith.extui %sign3A_449 : i1 to i32
              %sign3A_451 = arith.subi %sign3A_447, %sign3A_450 : i32
              %ne3A_452 = arith.cmpi ne, %sign3A_444, %sign3A_451 : i32
              %rem3A_453 = arith.remsi %add3A_436, %jit3A_437 : i32
              %ne3A_454 = arith.constant 0 : i32
              %ne3A_455 = arith.cmpi ne, %rem3A_453, %ne3A_454 : i32
              %and3A_456 = arith.andi %ne3A_452, %ne3A_455 : i1
              %sub3A_457 = arith.constant 1 : i32
              %sub3A_458 = arith.subi %div3A_438, %sub3A_457 : i32
              %select_n3A_459 = arith.select %and3A_456, %sub3A_458, %div3A_438 : i32
              %broadcast_in_dim3A_460 = arith.constant false
              %broadcast_in_dim3A_461 = vector.broadcast %broadcast_in_dim3A_460 : i1 to vector<16xi1>
              %while3A_462 = arith.constant 0 : i32
              %while3A_463 = arith.subi %select_n3A_459, %while3A_462 : i32
              %while3A_464 = arith.addi %while3A_462, %while3A_463 : i32
              %while3A_465 = arith.constant 1 : i32
              %while3A_466 = arith.divsi %while3A_463, %while3A_465 : i32
              %while3A_467 = arith.muli %while3A_466, %while3A_465 : i32
              %while3A_468 = arith.addi %while3A_462, %while3A_467 : i32
              %while3A_469 = arith.constant 1 : i32
              %while3A_470 = scf.for %while3A_501 = %while3A_462 to %while3A_468 step %while3A_469 iter_args(%while3A_502 = %broadcast_in_dim3A_461) -> (vector<16xi1>)  : i32 {
                %mul3A_503 = arith.constant 16 : i32
                %mul3A_504 = arith.muli %while3A_501, %mul3A_503 : i32
                %multiple_of3A_505 = tpu.assume_multiple %mul3A_504, 16 : i32
                %get3A_506 = arith.index_cast %multiple_of3A_505 : i32 to index
                %get3A_507 = tpu.vector_load %arg7[%get3A_506] {strides = array<i32>} : memref<304xf32, #tpu.memory_space<vmem>>, vector<16xf32>,
                %get3A_508 = arith.index_cast %multiple_of3A_505 : i32 to index
                %get3A_509 = tpu.vector_load %arg8[%get3A_508] {strides = array<i32>} : memref<304xf32, #tpu.memory_space<vmem>>, vector<16xf32>,
                %get3A_510 = arith.index_cast %multiple_of3A_505 : i32 to index
                %get3A_511 = tpu.vector_load %arg9[%get3A_510] {strides = array<i32>} : memref<304xf32, #tpu.memory_space<vmem>>, vector<16xf32>,
                %get3A_512 = arith.index_cast %multiple_of3A_505 : i32 to index
                %get3A_513 = tpu.vector_load %arg10[%get3A_512] {strides = array<i32>} : memref<304xf32, #tpu.memory_space<vmem>>, vector<16xf32>,
                %get3A_514 = arith.index_cast %multiple_of3A_505 : i32 to index
                %get3A_515 = tpu.vector_load %arg11[%get3A_514] {strides = array<i32>} : memref<304xf32, #tpu.memory_space<vmem>>, vector<16xf32>,
                %max3A_516 = arith.maximumf %add3A_425, %get3A_507 : vector<16xf32>
                %max3A_517 = arith.maximumf %add3A_426, %get3A_509 : vector<16xf32>
                %min3A_518 = arith.minimumf %add3A_427, %get3A_511 : vector<16xf32>
                %min3A_519 = arith.minimumf %add3A_428, %get3A_513 : vector<16xf32>
                %sub3A_520 = arith.subf %min3A_518, %max3A_516 : vector<16xf32>
                %max3A_521 = arith.constant 0.000000e+00 : f32
                %max3A_522 = vector.broadcast %max3A_521 : f32 to vector<16xf32>
                %max3A_523 = arith.maximumf %sub3A_520, %max3A_522 : vector<16xf32>
                %sub3A_524 = arith.subf %min3A_519, %max3A_517 : vector<16xf32>
                %max3A_525 = arith.constant 0.000000e+00 : f32
                %max3A_526 = vector.broadcast %max3A_525 : f32 to vector<16xf32>
                %max3A_527 = arith.maximumf %sub3A_524, %max3A_526 : vector<16xf32>
                %mul3A_528 = arith.mulf %max3A_523, %max3A_527 : vector<16xf32>
                %add3A_529 = arith.addf %get3A_515, %mul3A_431 : vector<16xf32>
                %sub3A_530 = arith.subf %add3A_529, %mul3A_528 : vector<16xf32>
                %add3A_531 = arith.constant 9.99999971E-10 : f32
                %add3A_532 = vector.broadcast %add3A_531 : f32 to vector<16xf32>
                %add3A_533 = arith.addf %sub3A_530, %add3A_532 : vector<16xf32>
                %div3A_534 = arith.divf %mul3A_528, %add3A_533 : vector<16xf32>
                %gt3A_535 = arith.constant 4.500000e-01 : f32
                %gt3A_536 = vector.broadcast %gt3A_535 : f32 to vector<16xf32>
                %gt3A_537 = arith.cmpf ogt, %div3A_534, %gt3A_536 : vector<16xf32>
                %or3A = arith.ori %while3A_502, %gt3A_537 : vector<16xi1>
                scf.yield %or3A : vector<16xi1>
              }
              %while3A_471 = arith.constant 1 : i32
              %while3A_472 = scf.for %while3A_501 = %while3A_468 to %while3A_464 step %while3A_471 iter_args(%while3A_502 = %while3A_470) -> (vector<16xi1>)  : i32 {
                %mul3A_503 = arith.constant 16 : i32
                %mul3A_504 = arith.muli %while3A_501, %mul3A_503 : i32
                %multiple_of3A_505 = tpu.assume_multiple %mul3A_504, 16 : i32
                %get3A_506 = arith.index_cast %multiple_of3A_505 : i32 to index
                %get3A_507 = tpu.vector_load %arg7[%get3A_506] {strides = array<i32>} : memref<304xf32, #tpu.memory_space<vmem>>, vector<16xf32>,
                %get3A_508 = arith.index_cast %multiple_of3A_505 : i32 to index
                %get3A_509 = tpu.vector_load %arg8[%get3A_508] {strides = array<i32>} : memref<304xf32, #tpu.memory_space<vmem>>, vector<16xf32>,
                %get3A_510 = arith.index_cast %multiple_of3A_505 : i32 to index
                %get3A_511 = tpu.vector_load %arg9[%get3A_510] {strides = array<i32>} : memref<304xf32, #tpu.memory_space<vmem>>, vector<16xf32>,
                %get3A_512 = arith.index_cast %multiple_of3A_505 : i32 to index
                %get3A_513 = tpu.vector_load %arg10[%get3A_512] {strides = array<i32>} : memref<304xf32, #tpu.memory_space<vmem>>, vector<16xf32>,
                %get3A_514 = arith.index_cast %multiple_of3A_505 : i32 to index
                %get3A_515 = tpu.vector_load %arg11[%get3A_514] {strides = array<i32>} : memref<304xf32, #tpu.memory_space<vmem>>, vector<16xf32>,
                %max3A_516 = arith.maximumf %add3A_425, %get3A_507 : vector<16xf32>
                %max3A_517 = arith.maximumf %add3A_426, %get3A_509 : vector<16xf32>
                %min3A_518 = arith.minimumf %add3A_427, %get3A_511 : vector<16xf32>
                %min3A_519 = arith.minimumf %add3A_428, %get3A_513 : vector<16xf32>
                %sub3A_520 = arith.subf %min3A_518, %max3A_516 : vector<16xf32>
                %max3A_521 = arith.constant 0.000000e+00 : f32
                %max3A_522 = vector.broadcast %max3A_521 : f32 to vector<16xf32>
                %max3A_523 = arith.maximumf %sub3A_520, %max3A_522 : vector<16xf32>
                %sub3A_524 = arith.subf %min3A_519, %max3A_517 : vector<16xf32>
                %max3A_525 = arith.constant 0.000000e+00 : f32
                %max3A_526 = vector.broadcast %max3A_525 : f32 to vector<16xf32>
                %max3A_527 = arith.maximumf %sub3A_524, %max3A_526 : vector<16xf32>
                %mul3A_528 = arith.mulf %max3A_523, %max3A_527 : vector<16xf32>
                %add3A_529 = arith.addf %get3A_515, %mul3A_431 : vector<16xf32>
                %sub3A_530 = arith.subf %add3A_529, %mul3A_528 : vector<16xf32>
                %add3A_531 = arith.constant 9.99999971E-10 : f32
                %add3A_532 = vector.broadcast %add3A_531 : f32 to vector<16xf32>
                %add3A_533 = arith.addf %sub3A_530, %add3A_532 : vector<16xf32>
                %div3A_534 = arith.divf %mul3A_528, %add3A_533 : vector<16xf32>
                %gt3A_535 = arith.constant 4.500000e-01 : f32
                %gt3A_536 = vector.broadcast %gt3A_535 : f32 to vector<16xf32>
                %gt3A_537 = arith.cmpf ogt, %div3A_534, %gt3A_536 : vector<16xf32>
                %or3A = arith.ori %while3A_502, %gt3A_537 : vector<16xi1>
                scf.yield %or3A : vector<16xi1>
              }
              %reduce_or3A_473 = arith.constant 1.000000e+00 : f32
              %reduce_or3A_474 = arith.constant 0.000000e+00 : f32
              %reduce_or3A_475 = vector.broadcast %reduce_or3A_473 : f32 to vector<16xf32>
              %reduce_or3A_476 = vector.broadcast %reduce_or3A_474 : f32 to vector<16xf32>
              %reduce_or3A_477 = arith.select %while3A_472, %reduce_or3A_475, %reduce_or3A_476 : vector<16xi1>, vector<16xf32>
              %reduce_or3A_478 = arith.constant true
              %reduce_or3A_479 = vector.broadcast %reduce_or3A_478 : i1 to vector<16xi1>
              %reduce_or3A_480 = tpu.scan <max>, %reduce_or3A_477 masked %reduce_or3A_479 : vector<16xf32>, vector<16xi1> -> vector<16xf32>
              %reduce_or3A_481 = vector.extract %reduce_or3A_480[15] : f32 from vector<16xf32>
              %reduce_or3A_482 = arith.constant 0.000000e+00 : f32
              %reduce_or3A_483 = arith.cmpf ogt, %reduce_or3A_481, %reduce_or3A_482 : f32
              %not3A = arith.constant true
              %not3A_484 = arith.xori %reduce_or3A_483, %not3A : i1
              %and3A_485 = arith.andi %reduce_or3A_209, %not3A_484 : i1
              %convert_element_type3A_486 = arith.extui %and3A_485 : i1 to i32
              %cond3A_487 = arith.constant 0 : i32
              %cond3A_488 = arith.cmpi ne, %convert_element_type3A_486, %cond3A_487 : i32
              scf.if %cond3A_488 {
                %broadcast_in_dim3A_501 = vector.broadcast %get3A_434 : i32 to vector<16xi32>
                tpu.vector_store_idx %arg7[%broadcast_in_dim3A_501], %add3A_425 masked %eq3A_9 : memref<304xf32, #tpu.memory_space<vmem>>[vector<16xi32>], vector<16xf32>, vector<16xi1>
                tpu.vector_store_idx %arg8[%broadcast_in_dim3A_501], %add3A_426 masked %eq3A_9 : memref<304xf32, #tpu.memory_space<vmem>>[vector<16xi32>], vector<16xf32>, vector<16xi1>
                tpu.vector_store_idx %arg9[%broadcast_in_dim3A_501], %add3A_427 masked %eq3A_9 : memref<304xf32, #tpu.memory_space<vmem>>[vector<16xi32>], vector<16xf32>, vector<16xi1>
                tpu.vector_store_idx %arg10[%broadcast_in_dim3A_501], %add3A_428 masked %eq3A_9 : memref<304xf32, #tpu.memory_space<vmem>>[vector<16xi32>], vector<16xf32>, vector<16xi1>
                tpu.vector_store_idx %arg11[%broadcast_in_dim3A_501], %mul3A_431 masked %eq3A_9 : memref<304xf32, #tpu.memory_space<vmem>>[vector<16xi32>], vector<16xf32>, vector<16xi1>
                %eq3A_502 = arith.constant 0 : i32
                %eq3A_503 = vector.broadcast %eq3A_502 : i32 to vector<16xi32>
                %eq3A_504 = arith.cmpi eq, %iota3A, %eq3A_503 : vector<16xi32>
                %eq3A_505 = arith.constant 1 : i32
                %eq3A_506 = vector.broadcast %eq3A_505 : i32 to vector<16xi32>
                %eq3A_507 = arith.cmpi eq, %iota3A, %eq3A_506 : vector<16xi32>
                %eq3A_508 = arith.constant 2 : i32
                %eq3A_509 = vector.broadcast %eq3A_508 : i32 to vector<16xi32>
                %eq3A_510 = arith.cmpi eq, %iota3A, %eq3A_509 : vector<16xi32>
                %eq3A_511 = arith.constant 3 : i32
                %eq3A_512 = vector.broadcast %eq3A_511 : i32 to vector<16xi32>
                %eq3A_513 = arith.cmpi eq, %iota3A, %eq3A_512 : vector<16xi32>
                %eq3A_514 = arith.constant 4 : i32
                %eq3A_515 = vector.broadcast %eq3A_514 : i32 to vector<16xi32>
                %eq3A_516 = arith.cmpi eq, %iota3A, %eq3A_515 : vector<16xi32>
                %eq3A_517 = arith.constant 5 : i32
                %eq3A_518 = vector.broadcast %eq3A_517 : i32 to vector<16xi32>
                %eq3A_519 = arith.cmpi eq, %iota3A, %eq3A_518 : vector<16xi32>
                %select_n3A_520 = arith.select %eq3A_519, %min3A_392, %broadcast_in_dim3A_3 : vector<16xi1>, vector<16xf32>
                %select_n3A_521 = arith.select %eq3A_516, %gather3A_217, %select_n3A_520 : vector<16xi1>, vector<16xf32>
                %select_n3A_522 = arith.select %eq3A_513, %add3A_421, %select_n3A_521 : vector<16xi1>, vector<16xf32>
                %select_n3A_523 = arith.select %eq3A_510, %add3A_420, %select_n3A_522 : vector<16xi1>, vector<16xf32>
                %select_n3A_524 = arith.select %eq3A_507, %sub3A_419, %select_n3A_523 : vector<16xi1>, vector<16xf32>
                %select_n3A_525 = arith.select %eq3A_504, %sub3A_418, %select_n3A_524 : vector<16xi1>, vector<16xf32>
                %mul3A_526 = arith.constant 16 : i32
                %mul3A_527 = arith.muli %get3A_434, %mul3A_526 : i32
                %multiple_of3A_528 = tpu.assume_multiple %mul3A_527, 16 : i32
                %swap3A_529 = arith.index_cast %multiple_of3A_528 : i32 to index
                %swap3A_530 = tpu.vector_load %arg12[%swap3A_529] {strides = array<i32>} : memref<4864xf32, #tpu.memory_space<vmem>>, vector<16xf32>,
                tpu.vector_store %arg12[%swap3A_529], %select_n3A_525 {strides = array<i32>} : memref<4864xf32, #tpu.memory_space<vmem>>, vector<16xf32>,
              } else {
              }
              %convert_element_type3A_489 = arith.extui %and3A_485 : i1 to i32
              %add3A_490 = arith.addi %get3A_434, %convert_element_type3A_489 : i32
              %swap3A_491 = arith.constant 0 : i32
              %swap3A_492 = arith.index_cast %swap3A_491 : i32 to index
              %swap3A_493 = memref.load %arg13[%swap3A_492] : memref<1xi32, #tpu.memory_space<smem>>
              memref.store %add3A_490, %arg13[%swap3A_492] : memref<1xi32, #tpu.memory_space<smem>>
              %lt3A_494 = arith.constant 300 : i32
              %lt3A_495 = arith.cmpi slt, %add3A_490, %lt3A_494 : i32
              %and3A_496 = arith.andi %reduce_or3A_209, %lt3A_495 : i1
              %convert_element_type3A_497 = arith.extui %and3A_496 : i1 to i32
              %swap3A_498 = arith.constant 0 : i32
              %swap3A_499 = arith.index_cast %swap3A_498 : i32 to index
              %swap3A_500 = memref.load %arg14[%swap3A_499] : memref<1xi32, #tpu.memory_space<smem>>
              memref.store %convert_element_type3A_497, %arg14[%swap3A_499] : memref<1xi32, #tpu.memory_space<smem>>
            } else {
            }
          }
        } else {
        }
      }
      %scan3A_128 = arith.constant 40 : i32
      %get3A = arith.constant 0 : i32
      %get3A_129 = arith.index_cast %get3A : i32 to index
      %get3A_130 = memref.load %arg14[%get3A_129] : memref<1xi32, #tpu.memory_space<smem>>
      %convert_element_type3A_131 = arith.sitofp %get3A_130 : i32 to f32
      %broadcast_in_dim3A_132 = vector.broadcast %convert_element_type3A_131 : f32 to vector<16xf32>
      %multiple_of3A = arith.constant 4800 : i32
      %multiple_of3A_133 = tpu.assume_multiple %multiple_of3A, 16 : i32
      %swap3A_134 = arith.index_cast %multiple_of3A_133 : i32 to index
      %swap3A_135 = tpu.vector_load %arg12[%swap3A_134] {strides = array<i32>} : memref<4864xf32, #tpu.memory_space<vmem>>, vector<16xf32>,
      tpu.vector_store %arg12[%swap3A_134], %broadcast_in_dim3A_132 {strides = array<i32>} : memref<4864xf32, #tpu.memory_space<vmem>>, vector<16xf32>,
      "tpu.region"() ({
        %run_scoped3A = tpu.sem_alloc : memref<!tpu.dma_semaphore, #tpu.memory_space<semaphore_mem>>
        %dma_start3A = arith.constant 0 : i32
        %dma_start3A_136 = tpu.memref_slice %arg4[%add3A, %dma_start3A] : memref<4x4864xf32, #tpu.memory_space<hbm>> -> memref<1x4864xf32, #tpu.memory_space<hbm>>
        %dma_start3A_137 = tpu.memref_squeeze %dma_start3A_136 : memref<1x4864xf32, #tpu.memory_space<hbm>> -> memref<4864xf32, #tpu.memory_space<hbm>>
        %dma_start3A_138 = arith.constant 0 : i32
        %dma_start3A_139 = tpu.memref_slice %arg4[%add3A, %dma_start3A_138] : memref<4x4864xf32, #tpu.memory_space<hbm>> -> memref<1x4864xf32, #tpu.memory_space<hbm>>
        %dma_start3A_140 = tpu.memref_squeeze %dma_start3A_139 : memref<1x4864xf32, #tpu.memory_space<hbm>> -> memref<4864xf32, #tpu.memory_space<hbm>>
        tpu.enqueue_dma source(%arg12 : memref<4864xf32, #tpu.memory_space<vmem>>) target(%dma_start3A_140 : memref<4864xf32, #tpu.memory_space<hbm>>) target_semaphore(%run_scoped3A : memref<!tpu.dma_semaphore, #tpu.memory_space<semaphore_mem>>)
        %dma_wait3A = arith.constant 0 : i32
        %dma_wait3A_141 = tpu.memref_slice %arg4[%add3A, %dma_wait3A] : memref<4x4864xf32, #tpu.memory_space<hbm>> -> memref<1x4864xf32, #tpu.memory_space<hbm>>
        %dma_wait3A_142 = tpu.memref_squeeze %dma_wait3A_141 : memref<1x4864xf32, #tpu.memory_space<hbm>> -> memref<4864xf32, #tpu.memory_space<hbm>>
        %dma_wait3A_143 = arith.constant 0 : i32
        %dma_wait3A_144 = tpu.memref_slice %arg4[%add3A, %dma_wait3A_143] : memref<4x4864xf32, #tpu.memory_space<hbm>> -> memref<1x4864xf32, #tpu.memory_space<hbm>>
        %dma_wait3A_145 = tpu.memref_squeeze %dma_wait3A_144 : memref<1x4864xf32, #tpu.memory_space<hbm>> -> memref<4864xf32, #tpu.memory_space<hbm>>
        tpu.wait_dma2 semaphore(%run_scoped3A : memref<!tpu.dma_semaphore, #tpu.memory_space<semaphore_mem>>) src(%arg12 : memref<4864xf32, #tpu.memory_space<vmem>>) dst(%dma_wait3A_145 : memref<4864xf32, #tpu.memory_space<hbm>>)
        tpu.yield
      }) : () -> ()
    } else {
    }
    return
  }
}

module attributes {stable_mosaic.version = 14 : i64} {
  func.func @_prep_body(%arg0: i32, %arg1: memref<2000x85xf32, #tpu.memory_space<vmem>>, %arg2: memref<2000x96xf32, #tpu.memory_space<vmem>>, %arg3: memref<1x1x2000xf32, #tpu.memory_space<vmem>>) attributes {dimension_semantics = [#tpu.dimension_semantics<arbitrary>], iteration_bounds = array<i64: 40>, scalar_prefetch = 0 : i64, scratch_operands = 0 : i64, tpu.core_type = #tpu.core_type<tc>, window_params = [{transform_indices = @transform_0, window_bounds = array<i64: 2000, 85>}, {transform_indices = @transform_1, window_bounds = array<i64: 2000, 96>}, {transform_indices = @transform_2, window_bounds = array<i64: 1, 1, 2000>}]} {
    %get3A = arith.constant 0 : index
    %get3A_0 = arith.constant 0 : index
    %get3A_1 = vector.load %arg1[%get3A, %get3A_0] : memref<2000x85xf32, #tpu.memory_space<vmem>>, vector<2000x85xf32>
    %slice3A = vector.extract_strided_slice %get3A_1 {offsets = [0, 4], sizes = [2000, 1], strides = [1, 1]} : vector<2000x85xf32> to vector<2000x1xf32>
    %slice3A_2 = vector.extract_strided_slice %get3A_1 {offsets = [0, 5], sizes = [2000, 80], strides = [1, 1]} : vector<2000x85xf32> to vector<2000x80xf32>
    %mul3A = vector.broadcast %slice3A : vector<2000x1xf32> to vector<2000x80xf32>
    %mul3A_3 = arith.mulf %slice3A_2, %mul3A : vector<2000x80xf32>
    %reduce_max3A = arith.constant dense<0xFF800000> : vector<2000xf32>
    %reduce_max3A_4 = vector.multi_reduction <maximumf>, %mul3A_3, %reduce_max3A [1] : vector<2000x80xf32> to vector<2000xf32>
    %broadcast_in_dim3A = vector.shape_cast %reduce_max3A_4 : vector<2000xf32> to vector<2000x1xf32>
    %gt3A = arith.constant 2.500000e-01 : f32
    %gt3A_5 = vector.broadcast %gt3A : f32 to vector<2000x1xf32>
    %gt3A_6 = arith.cmpf ogt, %slice3A, %gt3A_5 : vector<2000x1xf32>
    %gt3A_7 = arith.constant 2.500000e-01 : f32
    %gt3A_8 = vector.broadcast %gt3A_7 : f32 to vector<2000x1xf32>
    %gt3A_9 = arith.cmpf ogt, %broadcast_in_dim3A, %gt3A_8 : vector<2000x1xf32>
    %and3A = arith.andi %gt3A_6, %gt3A_9 : vector<2000x1xi1>
    %jit3A = arith.constant 0xFF800000 : f32
    %broadcast_in_dim3A_10 = vector.broadcast %jit3A : f32 to vector<2000x1xf32>
    %select_n3A = arith.select %and3A, %broadcast_in_dim3A, %broadcast_in_dim3A_10 : vector<2000x1xi1>, vector<2000x1xf32>
    %broadcast_in_dim3A_11 = arith.constant 0.000000e+00 : f32
    %broadcast_in_dim3A_12 = vector.broadcast %broadcast_in_dim3A_11 : f32 to vector<2000x10xf32>
    %concatenate3A = tpu.concatenate %get3A_1, %select_n3A, %broadcast_in_dim3A_12 in 1 : vector<2000x85xf32>, vector<2000x1xf32>, vector<2000x10xf32> -> vector<2000x96xf32>
    %swap3A = arith.constant 0 : index
    %swap3A_13 = arith.constant 0 : index
    %swap3A_14 = vector.load %arg2[%swap3A, %swap3A_13] : memref<2000x96xf32, #tpu.memory_space<vmem>>, vector<2000x96xf32>
    tpu.vector_store %arg2[%swap3A, %swap3A_13], %concatenate3A {strides = array<i32>} : memref<2000x96xf32, #tpu.memory_space<vmem>>, vector<2000x96xf32>,
    %reshape3A = vector.shape_cast %select_n3A : vector<2000x1xf32> to vector<1x1x2000xf32>
    %swap3A_15 = arith.constant 0 : index
    %swap3A_16 = arith.constant 0 : index
    %swap3A_17 = arith.constant 0 : index
    %swap3A_18 = vector.load %arg3[%swap3A_15, %swap3A_16, %swap3A_17] : memref<1x1x2000xf32, #tpu.memory_space<vmem>>, vector<1x1x2000xf32>
    tpu.vector_store %arg3[%swap3A_15, %swap3A_16, %swap3A_17], %reshape3A {strides = array<i32>} : memref<1x1x2000xf32, #tpu.memory_space<vmem>>, vector<1x1x2000xf32>,
    return
  }
  func.func @transform_0(%arg0: i32) -> (i32, i32) {
    %c0_i32 = arith.constant 0 : i32
    %c0_i32_0 = arith.constant 0 : i32
    return %arg0, %c0_i32 : i32, i32
  }
  func.func @transform_1(%arg0: i32) -> (i32, i32) {
    %c0_i32 = arith.constant 0 : i32
    %c0_i32_0 = arith.constant 0 : i32
    return %arg0, %c0_i32 : i32, i32
  }
  func.func @transform_2(%arg0: i32) -> (i32, i32, i32) {
    %c0_i32 = arith.constant 0 : i32
    %c0_i32_0 = arith.constant 0 : i32
    %c0_i32_1 = arith.constant 0 : i32
    return %arg0, %c0_i32, %c0_i32_0 : i32, i32, i32
  }
}

</mosaic_0001>

<sc_bundles>
// kernel: branch_1_fun.3.cloned.1.call-start
scs
__scs_entry_jumppad:
0x0: {  	(pc) =	sbr.rel $0x88, $3  }
0x1: {  	(tag) =	ssettag $0x0;
	lr =	simm.s32 $0x1  }
0x2: {  	[smem:$0x3FA0] =	sst lr;
	_ =	strace $0xD0000000  }
0x3: {  	_ = 	snop  }
0x4: {  	_ = 	snop  }
0x5: {  	_ = 	snop  }
0x6: {  	_ = 	snop  }
0x7: {  	_ = 	snop  }
__scs_overlays_trampoline_lowered:
0x8: {  	[smem:$0x3FAF] =	sst s0  }
0x9: {  	[smem:$0x3FB0] =	sst s1  }
0xa: {  	[smem:$0x3FB1] =	sst s2  }
0xb: {  	[smem:$0x3FB2] =	sst s3  }
0xc: {  	[smem:$0x3FB3] =	sst s4  }
0xd: {  	[smem:$0x3FB4] =	sst s5  }
0xe: {  	[smem:$0x3FB5] =	sst s6  }
0xf: {  	[smem:$0x3FB6] =	sst s7  }
0x10: {  	[smem:$0x3FB7] =	sst s8  }
0x11: {  	[smem:$0x3FB8] =	sst s9;
	s0 =	simm.s32 @!p0 $0x0  }
0x12: {  	s1 =	sld [smem:$0x3F9E];
	s0 =	simm.s32 @p0 $0x1  }
0x13: {  	[smem:$0x3FB9] =	sst s0;
	s0 =	simm.s32 @!p1 $0x0  }
0x14: {  	s2 =	sld [smem:$0x3F9D];
	s0 =	simm.s32 @p1 $0x1  }
0x15: {  	[smem:$0x3FBA] =	sst s0;
	s0 =	simm.s32 @!p2 $0x0  }
0x16: {  	s3 =	sld [smem:$0x3FDB];
	s0 =	simm.s32 @p2 $0x1  }
0x17: {  	s4 =	simm.s32 $0x1BF5;
	[smem:$0x3FBC] =	sst s0  }
0x18: {  	s0 =	sld [smem:$0x3F9F];
	_ =	swait.ge [sflag:s4], $0x0  }
0x19: {  	s7 =	sld [smem:$0x3FA0]  }
0x1a: {  	s8 =	sadd.s32 $0xFFFFE003, lr  }
0x1b: {  	s9 =	sadd.s32 $0xFFFFFEF7, lr;
	s5 =	simm.s32 $0xFFFFFFFF;
	p2 =	slt.u32 s8, $0xFFFFF086  }
0x1c: {  	p1 =	slt.u32 s9, $0xF7A;
	s5 =	simm.s32 @!p2 $0x0  }
0x1d: {  	s5 =	simm.s32 @p1 $0x1;
	p0 =	seq.s32 s7, s2  }
0x1e: {  	s7 =	smul.u32 @!p0 $0xF7A, s2;
	p2 =	seq.s32 @!p0 s5, $0x0  }
0x1f: {  	s9 =	smul.u32 $0xF7A, s1;
	s8 =	simm.s32 @!p0 $0x1BF5;
	p2 =	por !p2, p0  }
0x20: {  	[sflag:s8] =	ssyncset.s32 @!p0 $0xFFFFF086;
	s6 =	sadd.s32 @!p0 s3, s7;
	s7 =	simm.s32 @!p0 $0x108  }
0x21: {  	s3 =	sadd.s32 s3, s9;
	s6 =	sadd.s32 @!p0 $0x88, s6;
	s7 =	simm.s32 @p2 $0x1082  }
0x22: {  	[simem:s7], [sflag:s8] =	dma.local @!p0 [hbm:s6], $0xF7A  }
0x23: {  	s9 =	sor.u32 $0xD0000000, s2;
	s6 =	simm.s32 $0x108;
	_ =	swait.ge @!p0 [sflag:s8], $0x0  }
0x24: {  	s3 =	sadd.s32 $0x88, s3;
	s6 =	simm.s32 @!p1 $0x1082;
	[sflag:s4] =	ssyncset.s32 $0xFFFFF086  }
0x25: {  	[simem:s6], [sflag:s4] =	dma.local [hbm:s3], $0xF7A  }
0x26: {  	[smem:$0x3FA0] =	sst s1;
	(tag) =	ssettag s2;
	_ =	strace s9  }
0x27: {  	s1 =	sld [smem:$0x3FB0]  }
0x28: {  	s2 =	sld [smem:$0x3FB1]  }
0x29: {  	s4 =	sld [smem:$0x3FB3]  }
0x2a: {  	p0 =	seq.s32 s5, $0x0;
	s5 =	sld [smem:$0x3FB4]  }
0x2b: {  	s6 =	sld [smem:$0x3FB5]  }
0x2c: {  	s7 =	sld [smem:$0x3FB6]  }
0x2d: {  	s3 =	simm.s32 $0x108;
	s8 =	sld [smem:$0x3FB7]  }
0x2e: {  	s3 =	simm.s32 @!p0 $0x1082;
	s9 =	sld [smem:$0x3FB8]  }
0x2f: {  	lr =	sadd.s32 s0, s3;
	s0 =	sld [smem:$0x3FAF]  }
0x30: {  	s3 =	sld [smem:$0x3FB2]  }
0x31: {  	[smem:$0x3FBB] =	sst s10  }
0x32: {  	s10 =	sld [smem:$0x3FB9];
	_ =	sdelay $0x3  }
0x33: {  	p0 =	seq.s32 s10, $0x1;
	s10 =	sld [smem:$0x3FBB];
	_ =	sdelay $0x3  }
0x34: {  	[smem:$0x3FBB] =	sst s10  }
0x35: {  	s10 =	sld [smem:$0x3FBA];
	_ =	sdelay $0x3  }
0x36: {  	p1 =	seq.s32 s10, $0x1;
	s10 =	sld [smem:$0x3FBB];
	_ =	sdelay $0x3  }
0x37: {  	[smem:$0x3FBB] =	sst s10  }
0x38: {  	s10 =	sld [smem:$0x3FBC]  }
0x39: {  	_ = 	snop;
	(pc) =	sbr.ind lr, $3  }
0x3a: {  	_ = 	snop  }
0x3b: {  	_ = 	snop  }
0x3c: {  	p2 =	seq.s32 s10, $0x1;
	s10 =	sld [smem:$0x3FBB]  }
0x3d: {  	_ =	shalt  }
0x3e: {  	_ =	shalt  }
0x3f: {  	_ =	shalt  }
0x40: {  	_ =	shalt  }
0x41: {  	_ =	shalt  }
0x42: {  	_ =	shalt  }
0x43: {  	_ =	shalt  }
0x44: {  	_ =	shalt  }
0x45: {  	_ =	shalt  }
0x46: {  	_ =	shalt  }
0x47: {  	_ =	shalt  }
0x48: {  	_ =	shalt  }
0x49: {  	_ =	shalt  }
0x4a: {  	_ =	shalt  }
0x4b: {  	_ =	shalt  }
0x4c: {  	_ =	shalt  }
0x4d: {  	_ =	shalt  }
0x4e: {  	_ =	shalt  }
0x4f: {  	_ =	shalt  }
0x50: {  	_ =	shalt  }
0x51: {  	_ =	shalt  }
0x52: {  	_ =	shalt  }
0x53: {  	_ =	shalt  }
0x54: {  	_ =	shalt  }
0x55: {  	_ =	shalt  }
0x56: {  	_ =	shalt  }
0x57: {  	_ =	shalt  }
0x58: {  	_ =	shalt  }
0x59: {  	_ =	shalt  }
0x5a: {  	_ =	shalt  }
0x5b: {  	_ =	shalt  }
0x5c: {  	_ =	shalt  }
0x5d: {  	_ =	shalt  }
0x5e: {  	_ =	shalt  }
0x5f: {  	_ =	shalt  }
0x60: {  	_ =	shalt  }
0x61: {  	_ =	shalt  }
0x62: {  	_ =	shalt  }
0x63: {  	_ =	shalt  }
0x64: {  	_ =	shalt  }
0x65: {  	_ =	shalt  }
0x66: {  	_ =	shalt  }
0x67: {  	_ =	shalt  }
0x68: {  	_ =	shalt  }
0x69: {  	_ =	shalt  }
0x6a: {  	_ =	shalt  }
0x6b: {  	_ =	shalt  }
0x6c: {  	_ =	shalt  }
0x6d: {  	_ =	shalt  }
0x6e: {  	_ =	shalt  }
0x6f: {  	_ =	shalt  }
0x70: {  	_ =	shalt  }
0x71: {  	_ =	shalt  }
0x72: {  	_ =	shalt  }
0x73: {  	_ =	shalt  }
0x74: {  	_ =	shalt  }
0x75: {  	_ =	shalt  }
0x76: {  	_ =	shalt  }
0x77: {  	_ =	shalt  }
0x78: {  	_ =	shalt  }
0x79: {  	_ =	shalt  }
0x7a: {  	_ =	shalt  }
0x7b: {  	_ =	shalt  }
0x7c: {  	_ =	shalt  }
0x7d: {  	_ =	shalt  }
0x7e: {  	_ =	shalt  }
0x7f: {  	_ =	shalt  }
0x80: {  	_ =	shalt  }
0x81: {  	_ =	shalt  }
0x82: {  	_ =	shalt  }
0x83: {  	_ =	shalt  }
0x84: {  	_ =	shalt  }
0x85: {  	_ =	shalt  }
0x86: {  	_ =	shalt  }
0x87: {  	_ =	shalt  }
.Lfunc_end0:
.L_simem_size_0:
called_computation_lowered:
.L_overlay_start_0:
0x88: {  	s2 =	sld [smem:$0x3FD9]  }
0x89: {  	s3 =	sld [smem:$0x3FFE];
	_ =	sdelay $0x1  }
0x8a: {  	s1 =	srdreg.scid  }
0x8b: {  	s0 =	sand.u32 $0x1, s1  }
0x8c: {  	s16 =	sshll.u32 s0, $0xA;
	s2 =	sadd.s32 s3, s2  }
0x8d: {  	s2 =	sadd.s32 s2, s16  }
0x8e: {  	[smem:$0x3FC7] =	sst s2  }
0x8f: {  	_ = 	snop  }
0x90: {  	(tm) =	ssettm $0x1  }
0x91: {  	s17 =	sld [smem:$0x3FFB];
	_ =	sdelay $0x3  }
0x92: {  	_ =	strace s17  }
0x93: {  	s2 =	sld [smem:$0x3FFC];
	_ =	sdelay $0x3  }
0x94: {  	_ =	strace s2  }
0x95: {  	s2 =	sld [smem:$0x3FFD];
	_ =	sdelay $0x3  }
0x96: {  	_ =	strace s2  }
0x97: {  	_ =	strace $0x8FFFFFFF  }
0x98: {  	s18 =	sld [smem:$0x3FDB];
	_ =	sdelay $0x1  }
0x99: {  	s19 =	simm.s32 $_scs_section_size  }
0x9a: {  	s4 =	simm.s32 $_size__tile_overlayer_lowered;
	s5 =	simm.s32 $_tile_overlayer_lowered  }
0x9b: {  	s22 =	simm.s32 $0x1BFF;
	s21 =	sshll.u32 s5, $0x1;
	s2 =	sadd.s32 s19, s18  }
0x9c: {  	s6 =	simm.s32 $0x0;
	s20 =	sshll.u32 s4, $0x1;
	s4 =	sadd.s32 s21, s2  }
0x9d: {  	[timem:s6], [sflag:s22] =	dma.local [hbm:s4], s20  }
0x9e: {  	_ =	swait.ge [sflag:s22], s20  }
0x9f: {  	s3 =	ssub.s32 $0x0, s20;
	[sflag:s22] =	ssyncset.done $0x0  }
0xa0: {  	[sflag:s22] =	ssyncadd.s32 s3;
	_ =	sdelay $0x1  }
0xa1: {  	s23 =	simm.s32 $0x1B8B  }
0xa2: {  	_ =	swait.ge [sflag:s23], $0x1  }
0xa3: {  	[sflag:s23] =	ssyncset.done $0x0  }
0xa4: {  	s25 =	simm.s32 $0x1B8E;
	s24 =	sld [smem:$0x3FFE];
	[sflag:s23] =	ssyncadd.s32 $0xFFFFFFFF  }
0xa5: {  	s26 =	simm.s32 $execute0_lowered;
	[smem:$0x3FD2] =	sst s25  }
0xa6: {  	s4 =	sshll.u32 s26, $0x1;
	_ =	strace $0x80000046;
	[dreg:$0x1] =	wrdreg $0xFFFFFFFF  }
0xa7: {  	s28 =	simm.s32 $_size_execute0_lowered;
	s2 =	sadd.s32 s2, s4;
	[dreg:$0x0] =	wrdreg $0x0  }
0xa8: {  	s4 =	sshll.u32 s28, $0x1;
	[dreg:$0x2] =	wrdreg s2  }
0xa9: {  	[dreg:$0x3] =	wrdreg s4  }
0xaa: {  	[dreg:$0x4] =	wrdreg $0xC0  }
0xab: {  	_ =	task [dreg:s6], $0x5FFFF  }
0xac: {  	[dreg:$0x1] =	wrdreg $0xFFFFFFFF  }
0xad: {  	[dreg:$0x0] =	wrdreg $0x60  }
0xae: {  	[dreg:$0x2] =	wrdreg s24  }
0xaf: {  	[dreg:$0x3] =	wrdreg $0x9  }
0xb0: {  	_ =	task.clear_ibuf [dreg:s6], $0x4FFFF;
	_ =	strace $0x90000046  }
0xb1: {  	s29 =	simm.s32 $0x9;
	_ =	strace $0x80000048  }
0xb2: {  	_ =	swait.ge [sflag:s29], $0x1  }
0xb3: {  	[sflag:s29] =	ssyncadd.s32 $0xFFFFFFFF  }
0xb4: {  	_ =	strace $0x90000048  }
0xb5: {  	_ =	sfence  }
0xb6: {  	s30 =	sld [smem:$0x0];
	_ =	sdelay $0x2  }
0xb7: {  	s31 =	sshll.u32 s1, $0xD;
	s1 =	sshrl.u32 s1, $0x2  }
0xb8: {  	s3 =	sand.u32 $0x4000, s31;
	s1 =	sadd.s32 s1, s30  }
0xb9: {  	s0 =	sor.u32 s3, s0;
	s1 =	sshll.u32 s1, $0x11  }
0xba: {  	s0 =	sor.u32 s1, s0  }
0xbb: {  	s0 =	sadd.s32 $0x8F2B, s0  }
0xbc: {  	[sflag:s0] =	ssyncadd.remote.s32 $0x1  }
0xbd: {  	_ =	sfence.sel $0xFFFF  }
0xbe: {  	[dreg:$0x0] =	wrdreg $0xFFFFFFFF;
	(pc) =	sbr.abs _section_cstart, $3  }
0xbf: {  	[dreg:$0x1] =	wrdreg $0xFFFFFFFF  }
0xc0: {  	_ =	task.clear_ibuf [dreg:s6], $0x2FFFF;
	_ =	strace $0x9FFFFFFF  }
0xc1: {  	(tm) =	ssettm $0x7FFFFFFF  }
tec
execute0_lowered:
.L_overlay_start_1:
0x0: {  	(tag) =	ssettag $0x1  }
0x1: {  	s1 =	rddreg [dreg:$0x0];
	s2 =	simm.s32 $0x0  }
0x2: {  	[smem:$0x7FF] =	sst s2  }
0x3: {  	s0 =	rddreg [dreg:$0x1];
	v0 =	vimm.f32 $2.000000000e+00;
	_ =	strace $0x80000047  }
0x4: {  	(erf) = vrcp.f32 v0;
	_ =	sdelay $0x2  }
0x5: {  	s3 =	stileid.u32  }
0x6: {  	p0 =	sgt.u32 s3, $0x1  }
.Ltmp0:
0x7: {  	_ = 	snop;
	(pc) =	sbr.rel @p0 .LBB2_29-.Ltmp0, $2  }
0x8: {  	_ =	sdelay $0x2  }
0x9: {  	v0 =	vpop (erf)  }
0xa: {  	v1 =	vimm.f32 $0.0e+00  }
0xb: {  	v2 =	vimm.f32 $+Inf;
	v3 =	vimm.f32 $-Inf;
	v4 =	vimm.s32 $0xFEDCBA98  }
0xc: {  	vm0 =	vcmask $0x1714;
	v5 =	vimm.s32 $0x76543210;
	v9 =	vimm.s32 $0xBA987654  }
0xd: {  	v10 =	vimm.s32 $0x10FEDCBA;
	v11 =	vimm.s32 $0x98765432;
	vm1 =	vmmov $0x1f  }
0xe: {  	v12 =	vimm.f32 $1.000000000e+01;
	vm4 =	vcmask $0x300;
	vm5 =	vcmask $0x704  }
0xf: {  	vm6 =	vcmask $0xB08;
	vm7 =	vcmask $0xF0C;
	vm8 =	vcmask $0x1310  }
0x10: {  	vm9 =	vcmask $0x1B18;
	vm2 =	vcmask $0x1F1C;
	vm3 =	vcmask $0x2320  }
0x11: {  	vm10 =	vcmask $0x2724;
	vm11 =	vcmask $0x2B28;
	vm12 =	vcmask $0x2F2C  }
0x12: {  	vm13 =	vcmask $0x3330;
	vm14 =	vcmask $0x3734;
	vm15 =	vcmask $0x3B38  }
0x13: {  	v13 =	vimm.f32 $5.800000000e+01;
	v14 =	vimm.f32 $7.400000000e+01;
	v15 =	vimm.f32 $9.000000000e+01  }
0x14: {  	v16 =	vimm.s32 $0x0;
	v17 =	vimm.s32 $0x1;
	v18 =	vimm.s32 $0x2  }
0x15: {  	v19 =	vimm.s32 $0x3;
	v6 =	vunpack.c.l.s4.s8 v4;
	v4 =	vimm.s32 $0x4  }
0x16: {  	v7 =	vunpack.c.l.s4.s8 v5;
	v5 =	vimm.s32 $0x3210FEDC;
	v9 =	vunpack.c.l.s4.s8 v9  }
0x17: {  	v10 =	vunpack.c.l.s4.s8 v10;
	v12 =	vsel vm4, $0xC0A00000, v12;
	v13 =	vsel vm4, $0x422C0000, v13  }
0x18: {  	v14 =	vsel vm4, $0x426C0000, v14;
	v15 =	vsel vm4, $0x42960000, v15;
	v8 =	vunpack.c.l.s4.s8 v5  }
0x19: {  	v5 =	vimm.s32 $0x5;
	v12 =	vsel vm5, $0xC0800000, v12;
	v13 =	vsel vm5, $0x42300000, v13  }
0x1a: {  	v14 =	vsel vm5, $0x42700000, v14;
	v15 =	vsel vm5, $0x42980000, v15;
	v6 =	vunpack.c.0.s8.s32 v6  }
0x1b: {  	v7 =	vunpack.c.0.s8.s32 v7;
	v9 =	vunpack.c.0.s8.s32 v9;
	v13 =	vsel vm6, $0x42340000, v13  }
0x1c: {  	v14 =	vsel vm6, $0x42740000, v14;
	v15 =	vsel vm6, $0x429A0000, v15;
	v8 =	vunpack.c.0.s8.s32 v8  }
0x1d: {  	v13 =	vsel vm7, $0x42380000, v13;
	v14 =	vsel vm7, $0x42780000, v14;
	v15 =	vsel vm7, $0x429C0000, v15  }
0x1e: {  	v6 =	vand.u32 $0xF, v6;
	v13 =	vsel vm8, $0x423C0000, v13;
	v14 =	vsel vm8, $0x427C0000, v14  }
0x1f: {  	v15 =	vsel vm8, $0x429E0000, v15;
	v6 =	vcombine.low v6, v7;
	v7 =	vunpack.c.l.s4.s8 v11  }
0x20: {  	v8 =	vcombine.low v9, v8;
	v9 =	vunpack.c.0.s8.s32 v10;
	v10 =	vimm.s32 $0xFEDCBA9  }
0x21: {  	v11 =	vimm.s32 $0x87654321;
	v13 =	vsel vm0, $0x42400000, v13;
	v14 =	vsel vm0, $0x42800000, v14  }
0x22: {  	v15 =	vsel vm0, $0x42A00000, v15;
	v10 =	vunpack.c.l.s4.s8 v10;
	v11 =	vunpack.c.l.s4.s8 v11  }
0x23: {  	v13 =	vsel vm9, $0x42440000, v13;
	v14 =	vsel vm9, $0x42820000, v14;
	v15 =	vsel vm9, $0x42A20000, v15  }
0x24: {  	v7 =	vunpack.c.0.s8.s32 v7;
	v13 =	vsel vm2, $0x42480000, v13;
	v14 =	vsel vm2, $0x42840000, v14  }
0x25: {  	v15 =	vsel vm2, $0x42A40000, v15;
	v10 =	vunpack.c.0.s8.s32 v10;
	v11 =	vunpack.c.0.s8.s32 v11  }
0x26: {  	v13 =	vsel vm3, $0x424C0000, v13;
	v14 =	vsel vm3, $0x42860000, v14;
	v15 =	vsel vm3, $0x42A60000, v15  }
0x27: {  	v9 =	vcombine.low v7, v9;
	v7 =	vsel vm6, $0xC0400000, v12;
	v12 =	vimm.f32 $4.200000000e+01  }
0x28: {  	v13 =	vsel vm10, $0x42500000, v13;
	v14 =	vsel vm10, $0x42880000, v14;
	v15 =	vsel vm10, $0x42A80000, v15  }
0x29: {  	v10 =	vcombine.low v11, v10;
	v11 =	vsel vm7, $0xC0000000, v7;
	v7 =	vand.u32 $0xF, v8  }
0x2a: {  	v12 =	vsel vm4, $0x41D80000, v12;
	v13 =	vsel vm11, $0x42540000, v13;
	v14 =	vsel vm11, $0x428A0000, v14  }
0x2b: {  	v15 =	vsel vm11, $0x42AA0000, v15;
	v8 =	vand.u32 $0xF, v9;
	v11 =	vsel vm8, $0xBF800000, v11  }
0x2c: {  	v12 =	vsel vm5, $0x41E00000, v12;
	v13 =	vsel vm12, $0x42580000, v13;
	v14 =	vsel vm12, $0x428C0000, v14  }
0x2d: {  	v15 =	vsel vm12, $0x42AC0000, v15;
	v9 =	vand.u32 $0xF, v10;
	v10 =	vsel vm0, $0x0, v11  }
0x2e: {  	v11 =	vimm.f32 $2.600000000e+01;
	v12 =	vsel vm6, $0x41E80000, v12;
	v13 =	vsel vm13, $0x425C0000, v13  }
0x2f: {  	v14 =	vsel vm13, $0x428E0000, v14;
	v15 =	vsel vm13, $0x42AE0000, v15;
	v11 =	vsel vm4, $0x41300000, v11  }
0x30: {  	v10 =	vsel vm9, $0x3F800000, v10;
	v12 =	vsel vm7, $0x41F00000, v12;
	v11 =	vsel vm5, $0x41400000, v11  }
0x31: {  	v13 =	vsel vm14, $0x42600000, v13;
	v14 =	vsel vm14, $0x42900000, v14;
	v11 =	vsel vm6, $0x41500000, v11  }
0x32: {  	v15 =	vsel vm14, $0x42B00000, v15;
	v10 =	vsel vm2, $0x40000000, v10;
	v11 =	vsel vm7, $0x41600000, v11  }
0x33: {  	v12 =	vsel vm8, $0x41F80000, v12;
	v13 =	vsel vm15, $0x42640000, v13;
	v11 =	vsel vm8, $0x41700000, v11  }
0x34: {  	v14 =	vsel vm15, $0x42920000, v14;
	v12 =	vsel vm0, $0x42000000, v12;
	v11 =	vsel vm0, $0x41800000, v11  }
0x35: {  	s4 =	srdreg.scid;
	v15 =	vsel vm15, $0x42B20000, v15;
	v12 =	vsel vm9, $0x42040000, v12;
	v11 =	vsel vm9, $0x41880000, v11  }
0x36: {  	s5 =	sshll.u32 s3, $0x1;
	s4 =	sand.u32 $0x1, s4;
	v10 =	vsel vm3, $0x40400000, v10;
	v12 =	vsel vm2, $0x42080000, v12;
	v11 =	vsel vm2, $0x41900000, v11  }
0x37: {  	s5 =	sor.u32 s4, s5;
	v10 =	vsel vm10, $0x40800000, v10;
	v12 =	vsel vm3, $0x420C0000, v12;
	v11 =	vsel vm3, $0x41980000, v11  }
0x38: {  	s8 =	sadd.s32 $0xEBC00, s1;
	s6 =	smul.u32 $0x260, s5;
	v10 =	vsel vm11, $0x40A00000, v10;
	v12 =	vsel vm10, $0x42100000, v12;
	v11 =	vsel vm10, $0x41A00000, v11  }
.Ltmp1:
0x39: {  	s9 =	simm.s32 $0x5000;
	s4 =	ssub.s32 $0x2, s4;
	v10 =	vsel vm12, $0x40C00000, v10;
	v12 =	vsel vm11, $0x42140000, v12;
	v11 =	vsel vm11, $0x41A80000, v11;
	(pc) =	sbr.rel .LBB2_2-.Ltmp1, $4  }
0x3a: {  	s10 =	simm.s32 $0x1;
	s7 =	sshrl.u32 s4, $0x1;
	s5 =	smul.u32 $0xA00, s5;
	v10 =	vsel vm13, $0x40E00000, v10;
	v12 =	vsel vm12, $0x42180000, v12;
	v11 =	vsel vm12, $0x41B00000, v11  }
0x3b: {  	s11 =	simm.s32 $0x115F0;
	s12 =	simm.s32 $0x0;
	s7 =	ssub.s32 s4, s7;
	v10 =	vsel vm14, $0x41000000, v10;
	v12 =	vsel vm13, $0x421C0000, v12;
	v11 =	vsel vm13, $0x41B80000, v11  }
0x3c: {  	s6 =	sadd.s32 s6, s1;
	s5 =	sadd.s32 s8, s5;
	s8 =	simm.s32 $0x200;
	vm2 =	vmxor vm2, vm2;
	v12 =	vsel vm14, $0x42200000, v12;
	v11 =	vsel vm14, $0x41C00000, v11  }
0x3d: {  	s4 =	sadd.s32 $0xEA600, s6;
	s6 =	smax.u32 s7, $0x1;
	s7 =	simm.s32 $0x2;
	v10 =	vsel vm15, $0x41100000, v10;
	v12 =	vsel vm15, $0x42240000, v12;
	v11 =	vsel vm15, $0x41C80000, v11  }
.LBB2_28:
0x3e: {  	s13 =	scvt.s32.f32 s17  }
0x3f: {  	s12 =	sadd.s32 $0x1, s12  }
0x40: {  	p0 =	sne.s32 s12, s6;
	v20 =	vmov s13  }
.Ltmp2:
0x41: {  	[tilespmem:$0x128B0] =	vst v20;
	(pc) =	sbr.rel @!p0 .LBB2_29-.Ltmp2, $4  }
0x42: {  	[hbm4b:s4+s2] =	stream.linear.scatter [tilespmem:s11], [sflag:$0x2], $0x1300, $0x38;
	[tilespmem:$0x128F0] =	vst v63  }
0x43: {  	_ =	swait.ge [sflag:s7], $0x1300  }
0x44: {  	[sflag:s7] =	ssyncset.done $0x0  }
0x45: {  	[sflag:s7] =	ssyncadd.s32 $0xFFFFED00  }
.LBB2_2:
0x46: {  	s13 =	simm.s32 $0x0  }
0x47: {  	[tilespmem:s13], [sflag:$0x2] =	stream.linear.gather [hbm4b:s5+s13], $0x5000, $0x38;
	[tilespmem:$0x128F0] =	vst v63  }
0x48: {  	_ =	swait.ge [sflag:s7], $0x5000  }
0x49: {  	[sflag:s7] =	ssyncset.done $0x0  }
0x4a: {  	s14 =	simm.s32 $0x0;
	s13 =	simm.s32 $0x40;
	[sflag:s7] =	ssyncadd.s32 $0xFFFFB000  }
.LBB2_3:
0x4b: {  	p0 =	sne.s32 s13, $0x4BC0;
	[tilespmem:s14+$0x115F0] =	vst v1;
	s14 =	smov.u32 s13;
	s13 =	sadd.s32 $0x40, s13  }
.Ltmp3:
0x4c: {  	(pc) =	sbr.rel @p0 .LBB2_3-.Ltmp3, $2  }
0x4d: {  	_ =	sdelay $0x2  }
0x4e: {  	s14 =	sshra.s32 s14, $0x2  }
0x4f: {  	[tilespmem:s14+$0x115F0] =	vst v1;
	s13 =	simm.s32 $0x40;
	s14 =	simm.s32 $0x0  }
.LBB2_5:
0x50: {  	p0 =	sne.s32 s13, $0x480;
	[tilespmem:s14+$0x114C0] =	vst v1;
	s15 =	smov.u32 s13;
	s13 =	sadd.s32 $0x40, s13  }
.Ltmp4:
0x51: {  	[tilespmem:s14+$0x11390] =	vst v3;
	(pc) =	sbr.rel @p0 .LBB2_5-.Ltmp4, $4  }
0x52: {  	[tilespmem:s14+$0x11260] =	vst v3  }
0x53: {  	[tilespmem:s14+$0x11000] =	vst v2  }
0x54: {  	[tilespmem:s14+$0x11130] =	vst v2  }
0x55: {  	s14 =	sshra.s32 s15, $0x2  }
.Ltmp5:
0x56: {  	[tilespmem:s14+$0x114C0] =	vst v1;
	(pc) =	sbr.rel .LBB2_7-.Ltmp5, $4  }
0x57: {  	[tilespmem:s14+$0x11390] =	vst v3  }
0x58: {  	[tilespmem:s14+$0x11260] =	vst v3;
	s13 =	simm.s32 $0x0  }
0x59: {  	[tilespmem:s14+$0x11000] =	vst v2;
	s17 =	simm.s32 $0x1;
	[smem:$0x0] =	sst s13  }
0x5a: {  	[tilespmem:s14+$0x11130] =	vst v2;
	s14 =	simm.s32 $0x4E20;
	s18 =	simm.s32 $0x1;
	[smem:$0x8] =	sst s17  }
.LBB2_8:
0x5b: {  	s18 =	simm.s32 $0x0  }
.LBB2_27:
0x5c: {  	s13 =	sadd.s32 $0x1, s13  }
0x5d: {  	p0 =	sne.s32 s13, $0x28  }
.Ltmp6:
0x5e: {  	_ = 	snop;
	(pc) =	sbr.rel @!p0 .LBB2_28-.Ltmp6, $2  }
0x5f: {  	_ =	sdelay $0x2  }
0x60: {  	s14 =	sadd.s32 $0xFFFFFE00, s14  }
.LBB2_7:
0x61: {  	p0 =	sne.s32 s18, $0x1  }
.Ltmp7:
0x62: {  	_ = 	snop;
	(pc) =	sbr.rel @p0 .LBB2_8-.Ltmp7, $1  }
0x63: {  	_ =	sdelay $0x3  }
0x64: {  	s15 =	sshll.u32 s13, $0xB  }
.Ltmp8:
0x65: {  	s15 =	sshra.s32 s15, $0x2;
	(pc) =	sbr.rel .LBB2_10-.Ltmp8, $4  }
0x66: {  	[tilespmem:s9], [sflag:$0x1] =	stream.indirect.gather [hbm4b:s1+s8], $0x60, s15, s8, $0xb8;
	[tilespmem:$0x128F0] =	vst v63  }
0x67: {  	_ =	swait.ge [sflag:s10], $0xC000  }
0x68: {  	[sflag:s10] =	ssyncset.done $0x0  }
0x69: {  	s16 =	simm.s32 $0x0;
	s15 =	smin.u32 s14, $0x200;
	[sflag:s10] =	ssyncadd.s32 $0xFFFF4000  }
.LBB2_13:
0x6a: {  	v38 =	vmovc v34;
	v41 =	vmov v33;
	vm3 =	vmmov vm2;
	v40 =	vmov v32  }
.LBB2_24:
0x6b: {  	v42 =	vmul.f32 @p0 v44, v42;
	v38 =	vmax.f32 v30, v38  }
0x6c: {  	v41 =	vmax.f32 v29, v41;
	v43 =	vmin.f32 v27, v43;
	v31 =	vmin.f32 v24, v31  }
0x6d: {  	v38 =	vsub.f32 v43, v38;
	v31 =	vsub.f32 v31, v41  }
0x6e: {  	v35 =	vsub.f32 @p0 v35, v42  }
0x6f: {  	v40 =	vadd.f32 v40, v28;
	v38 =	vmax.f32 v38, $0.0e+00;
	v31 =	vmax.f32 v31, $0.0e+00  }
0x70: {  	(erf) = vrcp.f32 @p1 v37;
	v35 =	vadd.f32 @p0 $9.999999710e-10, v35;
	v31 =	vmul.f32 v31, v38;
	_ =	sdelay $0x1  }
0x71: {  	v35 =	vpsel p0, v35, v36;
	v61 =	vsub.f32 v40, v31  }
0x72: {  	(erf) = vrcp.f32 @p0 v35  }
0x73: {  	v62 =	vadd.f32 $9.999999710e-10, v61;
	_ =	sdelay $0x1  }
0x74: {  	v35 =	vpop @p2 (erf);
	(erf) = vrcp.f32 v62  }
0x75: {  	v35 =	vmul.f32 @p2 v35, v45;
	_ =	sdelay $0x1  }
0x76: {  	vm4 =	vgt.f32 @p3 v39, $4.499999880e-01;
	v32 =	vpsel p1, v34, v32;
	v37 =	vpop @p1 (erf);
	v34 =	vpsel p2, v35, v0  }
0x77: {  	vm3 =	vmor @p3 vm3, vm4;
	vm4 =	vmmov vm2;
	v36 =	vmovc @p0 v42;
	v32 =	vmul.f32 @p1 v37, v32  }
0x78: {  	vm4 =	vmmov @p3 vm3;
	v33 =	vpsel p0, v36, v33  }
0x79: {  	v33 =	vpsel p0, v33, v0;
	vm3 =	vgt.f32 @p2 v34, $4.499999880e-01;
	v32 =	vpsel p1, v32, v0;
	v34 =	vpop @p0 (erf)  }
0x7a: {  	vm3 =	vmor @p2 vm4, vm3;
	vm4 =	vmmov vm2;
	v33 =	vmul.f32 @p0 v34, v33  }
0x7b: {  	vm4 =	vmmov @p2 vm3;
	vm3 =	vgt.f32 @p1 v32, $4.499999880e-01  }
0x7c: {  	vm3 =	vmor @p1 vm4, vm3;
	vm4 =	vmmov vm2;
	v32 =	vpsel p0, v33, v0;
	v63 =	vpop (erf)  }
0x7d: {  	vm4 =	vmmov @p1 vm3;
	vm3 =	vgt.f32 @p0 v32, $4.499999880e-01;
	v31 =	vmul.f32 v63, v31  }
0x7e: {  	vm3 =	vmor @p0 vm4, vm3;
	vm4 =	vmmov vm2  }
0x7f: {  	vm4 =	vmmov @p0 vm3;
	vm3 =	vgt.f32 v31, $4.499999880e-01  }
0x80: {  	vm3 =	vmor vm4, vm3  }
0x81: {  	v31 =	vsel vm3, $0x3F800000, v1  }
.LBB2_25:
0x82: {  	(xrf0) =	vmax.scan.msk.f32 $0xffff, v31;
	_ =	sdelay $0x5  }
0x83: {  	v31, _, _ =	vpop (xrf0)  }
0x84: {  	(v2sf) =	vpush v31, $0xF;
	_ =	sdelay $0xe  }
0x85: {  	s19 =	spop (v2sf)  }
0x86: {  	p0 =	sgt.f32 s19, $0.0e+00  }
0x87: {  	p1 =	sgt.f32 s18, $0.0e+00  }
0x88: {  	p0 =	por !p0, !p0  }
0x89: {  	p0 =	por !p1, !p0  }
0x8a: {  	p0 =	por !p0, !p0  }
0x8b: {  	v31 =	vmov @p0 s17;
	_ =	sdelay $0x2  }
0x8c: {  	v20 =	vperm.xlane v20, v5;
	s18 =	simm.s32 $0x1;
	vm3 =	vcmask @p0 $0x3F18  }
0x8d: {  	s19 =	simm.s32 @p0 $0x11000;
	s18 =	simm.s32 @!p0 $0x0;
	v26 =	vsel @p0 vm3, $0x0, v26;
	vm3 =	vcmask @p0 $0x3F14  }
0x8e: {  	s18 =	sadd.s32 s18, s17;
	v20 =	vsel @p0 vm3, v26, v20;
	vm3 =	vcmask @p0 $0x3F10;
	[tilespmem:v31+s19+$0x0] =	vst.idx.msk @p0 $0x1, v30;
	s19 =	simm.s32 @p0 $0x11130  }
0x8f: {  	p2 =	slt.s32 s18, $0x12C;
	v20 =	vsel @p0 vm3, v20, v25;
	vm3 =	vcmask @p0 $0x3F0C;
	[tilespmem:v31+s19+$0x0] =	vst.idx.msk @p0 $0x1, v29;
	s19 =	simm.s32 @p0 $0x11260  }
0x90: {  	s20 =	simm.s32 @p0 $0x114C0;
	p1 =	por !p1, !p2;
	v20 =	vsel @p0 vm3, v20, v23;
	vm3 =	vcmask @p0 $0x3F08;
	[tilespmem:v31+s19+$0x0] =	vst.idx.msk @p0 $0x1, v27;
	s19 =	simm.s32 @p0 $0x11390  }
0x91: {  	vm4 =	vmmov @p0 $0x1;
	p1 =	por !p1, !p1;
	v20 =	vsel @p0 vm3, v20, v22;
	[tilespmem:v31+s19+$0x0] =	vst.idx.msk @p0 $0x1, v24;
	s19 =	sshll.u32 @p0 s17, $0x6;
	s17 =	simm.s32 $0x1  }
0x92: {  	[smem:$0x0] =	sst s18;
	v20 =	vsel @p0 vm4, v21, v20;
	[tilespmem:v31+s20+$0x0] =	vst.idx.msk @p0 $0x1, v28;
	s18 =	sshra.s32 @p0 s19, $0x2;
	s17 =	simm.s32 @!p1 $0x0  }
0x93: {  	[tilespmem:s18+$0x115F0] =	vst @p0 v20;
	[smem:$0x8] =	sst s17  }
.LBB2_26:
0x94: {  	s16 =	sadd.s32 $0x1, s16  }
0x95: {  	p0 =	sne.s32 s16, s15  }
.Ltmp9:
0x96: {  	_ = 	snop;
	(pc) =	sbr.rel @!p0 .LBB2_27-.Ltmp9, $2  }
0x97: {  	_ =	sdelay $0x2  }
0x98: {  	s18 =	smov.u32 s17  }
.LBB2_10:
0x99: {  	p0 =	sne.s32 s17, $0x1  }
.Ltmp10:
0x9a: {  	_ = 	snop;
	(pc) =	sbr.rel @p0 .LBB2_26-.Ltmp10, $2  }
0x9b: {  	_ =	sdelay $0x2  }
0x9c: {  	s17 =	simm.s32 $0x0  }
0x9d: {  	s17 =	smul.u32 $0x180, s16;
	_ =	sdelay $0x1  }
0x9e: {  	s17 =	sshra.s32 s17, $0x2  }
0x9f: {  	v21 =	vld [tilespmem:s17+$0x5000];
	_ =	sdelay $0x1  }
0xa0: {  	v22 =	vld [tilespmem:s17+$0x5010]  }
0xa1: {  	v23 =	vld [tilespmem:s17+$0x5020]  }
0xa2: {  	v24 =	vld [tilespmem:s17+$0x5030]  }
0xa3: {  	v25 =	vld [tilespmem:s17+$0x5040];
	v26 =	vperm.xlane v21, v4  }
0xa4: {  	v20 =	vld [tilespmem:s17+$0x5050]  }
0xa5: {  	v27 =	vmul.f32 v26, v21  }
0xa6: {  	v22 =	vmul.f32 v26, v22  }
0xa7: {  	v23 =	vmul.f32 v26, v23;
	v27 =	vsel vm1, $0xFF800000, v27  }
0xa8: {  	v24 =	vmul.f32 v26, v24;
	v28 =	vmax.f32 v27, v22  }
0xa9: {  	v25 =	vmul.f32 v26, v25;
	v26 =	vmul.f32 v26, v20;
	v28 =	vmax.f32 v28, v23  }
0xaa: {  	v28 =	vmax.f32 v28, v24  }
0xab: {  	v26 =	vnsel vm1, $0xFF800000, v26;
	v28 =	vmax.f32 v28, v25  }
0xac: {  	v28 =	vmax.f32 v28, v26  }
0xad: {  	v29 =	vperm.xlane v28, v6;
	_ =	sdelay $0x1  }
0xae: {  	v28 =	vmax.f32 v28, v29  }
0xaf: {  	v29 =	vperm.xlane v28, v7;
	_ =	sdelay $0x1  }
0xb0: {  	v28 =	vmax.f32 v28, v29  }
0xb1: {  	v29 =	vperm.xlane v28, v8;
	_ =	sdelay $0x1  }
0xb2: {  	v28 =	vmax.f32 v28, v29  }
0xb3: {  	v29 =	vperm.xlane v28, v9;
	_ =	sdelay $0x1  }
0xb4: {  	v28 =	vmax.f32 v28, v29  }
0xb5: {  	v31 =	vimm.f32 $0.0e+00;
	vm3 =	vgt.f32 v20, $2.500000000e-01;
	vm4 =	veq.f32 v27, v28  }
0xb6: {  	vm11 =	veq.f32 v22, v28;
	v22 =	vsel vm0, $0x3F800000, v31;
	vm12 =	veq.f32 v23, v28  }
0xb7: {  	vm13 =	veq.f32 v24, v28;
	v27 =	vnsel vm4, $0x45800000, v10;
	v29 =	vnsel vm11, $0x45800000, v11  }
0xb8: {  	vm14 =	veq.f32 v25, v28;
	v23 =	vmin.f32 v27, v29;
	v27 =	vnsel vm12, $0x45800000, v12  }
0xb9: {  	v24 =	vnsel vm13, $0x45800000, v13;
	v22 =	vnsel vm3, $0x0, v22;
	v23 =	vmin.f32 v23, v27  }
0xba: {  	vm15 =	veq.f32 v26, v28;
	(xrf0) =	vmax.scan.msk.f32 $0xffff, v22;
	v23 =	vmin.f32 v23, v24;
	v24 =	vnsel vm14, $0x45800000, v14  }
0xbb: {  	v23 =	vmin.f32 v23, v24;
	v24 =	vnsel vm15, $0x45800000, v15  }
0xbc: {  	v22 =	vmin.f32 v23, v24  }
0xbd: {  	v23 =	vperm.xlane v22, v6;
	_ =	sdelay $0x1  }
0xbe: {  	v22 =	vmin.f32 v22, v23  }
0xbf: {  	v24, _, _ =	vpop (xrf0);
	v23 =	vperm.xlane v22, v7  }
0xc0: {  	s17 =	sld [smem:$0x0];
	(v2sf) =	vpush v24, $0xF  }
0xc1: {  	v22 =	vmin.f32 v22, v23  }
0xc2: {  	v23 =	vperm.xlane v22, v8  }
0xc3: {  	s18 =	sadd.s32 $0xF, s17;
	v25 =	vperm.xlane v21, v19  }
0xc4: {  	s19 =	sand.u32 $0xF, s18;
	v28 =	vperm.xlane v21, v17;
	v24 =	vperm.xlane v21, v18;
	v22 =	vmin.f32 v22, v23  }
0xc5: {  	s20 =	sshra.s32 s18, $0x1F;
	p0 =	slt.s32 s18, $0x1;
	p1 =	sne.s32 s19, $0x0;
	v25 =	vmul.f32 v25, v0;
	v23 =	vperm.xlane v22, v9  }
0xc6: {  	s31 =	sshrl.u32 s20, $0x1C;
	p0 =	por !p0, !p1;
	v27 =	vperm.xlane v21, v16;
	v24 =	vmul.f32 v24, v0  }
0xc7: {  	s19 =	simm.s32 $0x1;
	s18 =	sadd.s32 s31, s18;
	p0 =	por !p0, !p0;
	v26 =	vmin.f32 v22, v23  }
0xc8: {  	s18 =	sshra.s32 s18, $0x4;
	s19 =	simm.s32 @!p0 $0x0;
	v21 =	vsub.f32 v27, v24;
	v22 =	vsub.f32 v28, v25;
	v32 =	vmul.f32 $4.096000000e+03, v26  }
0xc9: {  	s19 =	ssub.s32 s18, s19;
	v23 =	vadd.f32 v24, v27;
	v25 =	vadd.f32 v25, v28  }
0xca: {  	p0 =	slt.s32 s19, $0x1;
	v30 =	vadd.f32 v32, v21;
	v29 =	vadd.f32 v32, v22  }
.Ltmp11:
0xcb: {  	v27 =	vadd.f32 v32, v23;
	v24 =	vadd.f32 v32, v25;
	(pc) =	sbr.rel @p0 .LBB2_25-.Ltmp11, $3  }
0xcc: {  	_ = 	snop  }
0xcd: {  	v28 =	vsub.f32 v27, v30;
	v32 =	vsub.f32 v24, v29;
	_ =	sdelay $0x1  }
0xce: {  	s18 =	spop (v2sf);
	v28 =	vmul.f32 v32, v28  }
0xcf: {  	s20 =	simm.s32 $0x11000  }
0xd0: {  	s21 =	simm.s32 $0x11130;
	v34 =	vld [tilespmem:s20+$0x0]  }
0xd1: {  	s30 =	simm.s32 $0x11260;
	v33 =	vld [tilespmem:s21+$0x0]  }
0xd2: {  	s22 =	simm.s32 $0x114C0;
	p4 =	sne.s32 s19, $0x1;
	v43 =	vld [tilespmem:s30+$0x0]  }
.Ltmp12:
0xd3: {  	s31 =	simm.s32 $0x11390;
	v32 =	vld [tilespmem:s22+$0x0];
	(pc) =	sbr.rel @!p4 .LBB2_13-.Ltmp12, $3  }
0xd4: {  	v31 =	vld [tilespmem:s31+$0x0];
	_ =	sdelay $0x1  }
0xd5: {  	s19 =	sadd.s32 $0xFFFFFFFF, s19;
	p0 =	por $0x0, $0x0;
	p1 =	por $0x0, $0x0  }
0xd6: {  	p2 =	por $0x0, $0x0;
	p3 =	por $0x0, $0x0;
	s20 =	simm.s32 $0x11010  }
0xd7: {  	v38 =	vld [tilespmem:s20+$0x0];
	s28 =	simm.s32 $0x11140  }
0xd8: {  	s29 =	simm.s32 $0x11270;
	p4 =	sne.s32 s19, $0x1;
	v41 =	vld [tilespmem:s28+$0x0]  }
.Ltmp13:
0xd9: {  	v33 =	vmax.f32 v29, v33;
	v35 =	vmin.f32 v27, v43;
	s30 =	simm.s32 $0x113A0;
	v31 =	vmin.f32 v24, v31;
	v43 =	vld [tilespmem:s29+$0x0];
	(pc) =	sbr.rel @!p4 .LBB2_15-.Ltmp13, $4  }
0xda: {  	v34 =	vmax.f32 v30, v34;
	v33 =	vsub.f32 v31, v33;
	v31 =	vld [tilespmem:s30+$0x0]  }
0xdb: {  	v34 =	vsub.f32 v35, v34  }
0xdc: {  	s31 =	simm.s32 $0x114D0  }
0xdd: {  	s19 =	sadd.s32 $0xFFFFFFFF, s19;
	s20 =	simm.s32 $0x11020;
	p0 =	por $0x1, $0x1;
	v40 =	vld [tilespmem:s31+$0x0];
	v35 =	vadd.f32 v32, v28;
	v42 =	vmax.f32 v34, $0.0e+00;
	v44 =	vmax.f32 v33, $0.0e+00  }
0xde: {  	s28 =	simm.s32 $0x11150  }
0xdf: {  	v32 =	vmul.f32 v44, v42;
	v34 =	vmax.f32 v29, v41;
	s29 =	simm.s32 $0x11280;
	p4 =	sne.s32 s19, $0x1;
	v41 =	vld [tilespmem:s28+$0x0]  }
.Ltmp14:
0xe0: {  	v33 =	vmax.f32 v30, v38;
	v37 =	vmin.f32 v27, v43;
	s30 =	simm.s32 $0x113B0;
	v31 =	vmin.f32 v24, v31;
	v43 =	vld [tilespmem:s29+$0x0];
	(pc) =	sbr.rel @!p4 .LBB2_17-.Ltmp14, $4  }
0xe1: {  	v33 =	vsub.f32 v37, v33;
	v34 =	vsub.f32 v31, v34;
	v31 =	vld [tilespmem:s30+$0x0]  }
0xe2: {  	v35 =	vsub.f32 v35, v32  }
0xe3: {  	v36 =	vld [tilespmem:s20+$0x0];
	s31 =	simm.s32 $0x114E0;
	v42 =	vmax.f32 v33, $0.0e+00  }
0xe4: {  	s19 =	sadd.s32 $0xFFFFFFFF, s19;
	s20 =	simm.s32 $0x11030;
	p1 =	por $0x1, $0x1;
	v46 =	vld [tilespmem:s31+$0x0];
	v37 =	vadd.f32 $9.999999710e-10, v35;
	v44 =	vmax.f32 v34, $0.0e+00;
	v35 =	vadd.f32 v40, v28  }
0xe5: {  	v38 =	vld [tilespmem:s20+$0x0];
	s28 =	simm.s32 $0x11160  }
0xe6: {  	v33 =	vmul.f32 v44, v42;
	v62 =	vmax.f32 v29, v41;
	s29 =	simm.s32 $0x11290;
	p4 =	sne.s32 s19, $0x1;
	v41 =	vld [tilespmem:s28+$0x0]  }
.Ltmp15:
0xe7: {  	v39 =	vmin.f32 v27, v43;
	s30 =	simm.s32 $0x113C0;
	v31 =	vmin.f32 v24, v31;
	v43 =	vld [tilespmem:s29+$0x0];
	(pc) =	sbr.rel @!p4 .LBB2_19-.Ltmp15, $4  }
0xe8: {  	v35 =	vsub.f32 v35, v33;
	v63 =	vsub.f32 v31, v62;
	v31 =	vld [tilespmem:s30+$0x0];
	v34 =	vmax.f32 v30, v36  }
0xe9: {  	v34 =	vsub.f32 v39, v34  }
0xea: {  	s31 =	simm.s32 $0x114F0;
	(erf) = vrcp.f32 v37;
	v36 =	vadd.f32 $9.999999710e-10, v35  }
0xeb: {  	s23 =	sadd.s32 $0xFFFFFFFF, s19;
	s19 =	simm.s32 $0x11040;
	p2 =	por $0x1, $0x1;
	v40 =	vld [tilespmem:s31+$0x0];
	v44 =	vmax.f32 v63, $0.0e+00;
	v35 =	vadd.f32 v46, v28;
	v42 =	vmax.f32 v34, $0.0e+00  }
0xec: {  	_ =	sdelay $0x5  }
0xed: {  	v47 =	vld [tilespmem:s19+$0x0];
	s19 =	simm.s32 $0x11170  }
0xee: {  	v34 =	vmul.f32 v44, v42;
	v61 =	vmax.f32 v29, v41;
	s20 =	simm.s32 $0x112A0;
	p4 =	sne.s32 s23, $0x1;
	v41 =	vld [tilespmem:s19+$0x0];
	v63 =	vpop (erf);
	(erf) = vrcp.f32 v36  }
.Ltmp16:
0xef: {  	v39 =	vmin.f32 v27, v43;
	s21 =	simm.s32 $0x113D0;
	v31 =	vmin.f32 v24, v31;
	v43 =	vld [tilespmem:s20+$0x0];
	(pc) =	sbr.rel @!p4 .LBB2_21-.Ltmp16, $4  }
0xf0: {  	v37 =	vmax.f32 v30, v38;
	v35 =	vsub.f32 v35, v34;
	v38 =	vsub.f32 v31, v61;
	v31 =	vld [tilespmem:s21+$0x0]  }
0xf1: {  	v62 =	vsub.f32 v39, v37  }
0xf2: {  	s22 =	simm.s32 $0x11500;
	vm3 =	vmmov vm2;
	v37 =	vadd.f32 $9.999999710e-10, v35;
	v39 =	vmul.f32 v63, v32  }
0xf3: {  	s23 =	sadd.s32 $0xFFFFFFFF, s23;
	s24 =	simm.s32 $0x11050;
	p3 =	por $0x1, $0x1;
	v45 =	vmovc v33;
	v46 =	vld [tilespmem:s22+$0x0];
	v42 =	vmax.f32 v62, $0.0e+00;
	v44 =	vmax.f32 v38, $0.0e+00;
	v35 =	vadd.f32 v40, v28  }
.LBB2_22:
0xf4: {  	v38 =	vld [tilespmem:s24+$0x0];
	s19 =	sadd.s32 $0x10, s19;
	v40 =	vmul.f32 v44, v42;
	(erf) = vrcp.f32 v37;
	vm4 =	vgt.f32 v39, $4.499999880e-01;
	p4 =	sne.s32 s23, $0x1  }
.Ltmp17:
0xf5: {  	v37 =	vmax.f32 v30, v47;
	v47 =	vmax.f32 v29, v41;
	s20 =	sadd.s32 $0x10, s20;
	v41 =	vld [tilespmem:s19+$0x0];
	vm3 =	vmor vm3, vm4;
	(pc) =	sbr.rel @p4 .LBB2_22-.Ltmp17, $4  }
0xf6: {  	s21 =	sadd.s32 $0x10, s21;
	v42 =	vmin.f32 v27, v43;
	v43 =	vld [tilespmem:s20+$0x0];
	v44 =	vmin.f32 v24, v31;
	v35 =	vsub.f32 v35, v40  }
0xf7: {  	s23 =	sadd.s32 $0xFFFFFFFF, s23;
	v42 =	vsub.f32 v42, v37;
	v31 =	vld [tilespmem:s21+$0x0];
	v44 =	vsub.f32 v44, v47;
	v39 =	vpop (erf)  }
0xf8: {  	s22 =	sadd.s32 $0x10, s22;
	v37 =	vadd.f32 $9.999999710e-10, v35;
	v39 =	vmul.f32 v39, v45;
	v45 =	vmovc v34;
	v34 =	vmov v40  }
0xf9: {  	s24 =	sadd.s32 $0x10, s24;
	v42 =	vmax.f32 v42, $0.0e+00;
	v35 =	vadd.f32 v46, v28;
	v44 =	vmax.f32 v44, $0.0e+00;
	v46 =	vld [tilespmem:s22+$0x0];
	v47 =	vmovc v38  }
.Ltmp18:
0xfa: {  	_ = 	snop;
	(pc) =	sbr.rel .LBB2_24-.Ltmp18, $2  }
0xfb: {  	_ =	sdelay $0x2  }
0xfc: {  	v38 =	vmov v47;
	v40 =	vmov v46  }
.LBB2_15:
.Ltmp19:
0xfd: {  	(pc) =	sbr.rel .LBB2_24-.Ltmp19, $2  }
0xfe: {  	_ =	sdelay $0x2  }
0xff: {  	vm3 =	vmmov vm2  }
.LBB2_17:
.Ltmp20:
0x100: {  	_ = 	snop;
	(pc) =	sbr.rel .LBB2_24-.Ltmp20, $2  }
0x101: {  	_ =	sdelay $0x2  }
0x102: {  	v34 =	vmovc v32;
	vm3 =	vmmov vm2;
	v38 =	vmov v36;
	v40 =	vmov v46  }
.LBB2_19:
.Ltmp21:
0x103: {  	(pc) =	sbr.rel .LBB2_24-.Ltmp21, $2  }
0x104: {  	_ =	sdelay $0x2  }
0x105: {  	v37 =	vmovc v36;
	vm3 =	vmmov vm2;
	v45 =	vmov v32;
	v34 =	vmov v33  }
.LBB2_21:
.Ltmp22:
0x106: {  	_ = 	snop;
	(pc) =	sbr.rel .LBB2_24-.Ltmp22, $2  }
0x107: {  	_ =	sdelay $0x2  }
0x108: {  	v38 =	vmovc v47;
	vm3 =	vmmov vm2;
	v45 =	vmov v33;
	v40 =	vmov v46  }
.LBB2_29:
0x109: {  	_ =	sfence.sel $0x180000  }
0x10a: {  	[bflag:$0x0] =	sbarrier.arrive $0xFFFF  }
0x10b: {  	p0 =	sne.s32 s3, $0x0;
	_ =	strace $0x90000047  }
0x10c: {  	s0 =	sadd.s32 @!p0 $0x100000, s0;
	[bflag:$0x2] =	sbarrier.arrive $0xFFFF  }
0x10d: {  	[sflag:s0] =	ssyncadd.tile.s32 @!p0 $0x1;
	_ =	shalt  }
.Lfunc_end2:
_tile_overlayer_lowered:
.L_overlay_start_2:
0x10e: {  	(tag) =	ssettag $0x2  }
0x10f: {  	s0 =	rddreg [dreg:$0x0];
	s2 =	stileid.u32  }
0x110: {  	s1 =	rddreg [dreg:$0x1];
	p0 =	sne.s32 s2, $0x0  }
0x111: {  	s3 =	rddreg [dreg:$0x2];
	[bflag:$0x3] =	sbarrier.arrive $0xFFFF;
	s2 =	simm.s32 @!p0 $0x1C02  }
0x112: {  	[timem:s3], [sflag:s2] =	dma.local @!p0 [hbm:s0], s1  }
0x113: {  	s0 =	simm.s32 @!p0 $0x2  }
0x114: {  	_ =	swait.ge @!p0 [sflag:s0], s1  }
0x115: {  	s1 =	ssub.s32 @!p0 $0x0, s1;
	[sflag:s0] =	ssyncset.done @!p0 $0x0  }
0x116: {  	[sflag:s0] =	ssyncadd.s32 @!p0 s1  }
0x117: {  	[bflag:$0x3] =	sbarrier.arrive $0xFFFF  }
0x118: {  	_ =	shalt  }

// kernel: kernel.4.cloned.1.call-start
scs
__scs_entry_jumppad:
0x0: {  	(pc) =	sbr.rel $0x88, $3  }
0x1: {  	(tag) =	ssettag $0x0;
	lr =	simm.s32 $0x1  }
0x2: {  	[smem:$0x3FA0] =	sst lr;
	_ =	strace $0xD0000000  }
0x3: {  	_ = 	snop  }
0x4: {  	_ = 	snop  }
0x5: {  	_ = 	snop  }
0x6: {  	_ = 	snop  }
0x7: {  	_ = 	snop  }
__scs_overlays_trampoline_lowered:
0x8: {  	[smem:$0x3FAF] =	sst s0  }
0x9: {  	[smem:$0x3FB0] =	sst s1  }
0xa: {  	[smem:$0x3FB1] =	sst s2  }
0xb: {  	[smem:$0x3FB2] =	sst s3  }
0xc: {  	[smem:$0x3FB3] =	sst s4  }
0xd: {  	[smem:$0x3FB4] =	sst s5  }
0xe: {  	[smem:$0x3FB5] =	sst s6  }
0xf: {  	[smem:$0x3FB6] =	sst s7  }
0x10: {  	[smem:$0x3FB7] =	sst s8  }
0x11: {  	[smem:$0x3FB8] =	sst s9;
	s0 =	simm.s32 @!p0 $0x0  }
0x12: {  	s1 =	sld [smem:$0x3F9E];
	s0 =	simm.s32 @p0 $0x1  }
0x13: {  	[smem:$0x3FB9] =	sst s0;
	s0 =	simm.s32 @!p1 $0x0  }
0x14: {  	s2 =	sld [smem:$0x3F9D];
	s0 =	simm.s32 @p1 $0x1  }
0x15: {  	[smem:$0x3FBA] =	sst s0;
	s0 =	simm.s32 @!p2 $0x0  }
0x16: {  	s3 =	sld [smem:$0x3FDB];
	s0 =	simm.s32 @p2 $0x1  }
0x17: {  	s4 =	simm.s32 $0x1BF5;
	[smem:$0x3FBC] =	sst s0  }
0x18: {  	s0 =	sld [smem:$0x3F9F];
	_ =	swait.ge [sflag:s4], $0x0  }
0x19: {  	s7 =	sld [smem:$0x3FA0]  }
0x1a: {  	s8 =	sadd.s32 $0xFFFFE003, lr  }
0x1b: {  	s9 =	sadd.s32 $0xFFFFFEF7, lr;
	s5 =	simm.s32 $0xFFFFFFFF;
	p2 =	slt.u32 s8, $0xFFFFF086  }
0x1c: {  	p1 =	slt.u32 s9, $0xF7A;
	s5 =	simm.s32 @!p2 $0x0  }
0x1d: {  	s5 =	simm.s32 @p1 $0x1;
	p0 =	seq.s32 s7, s2  }
0x1e: {  	s7 =	smul.u32 @!p0 $0xF7A, s2;
	p2 =	seq.s32 @!p0 s5, $0x0  }
0x1f: {  	s9 =	smul.u32 $0xF7A, s1;
	s8 =	simm.s32 @!p0 $0x1BF5;
	p2 =	por !p2, p0  }
0x20: {  	[sflag:s8] =	ssyncset.s32 @!p0 $0xFFFFF086;
	s6 =	sadd.s32 @!p0 s3, s7;
	s7 =	simm.s32 @!p0 $0x108  }
0x21: {  	s3 =	sadd.s32 s3, s9;
	s6 =	sadd.s32 @!p0 $0x88, s6;
	s7 =	simm.s32 @p2 $0x1082  }
0x22: {  	[simem:s7], [sflag:s8] =	dma.local @!p0 [hbm:s6], $0xF7A  }
0x23: {  	s9 =	sor.u32 $0xD0000000, s2;
	s6 =	simm.s32 $0x108;
	_ =	swait.ge @!p0 [sflag:s8], $0x0  }
0x24: {  	s3 =	sadd.s32 $0x88, s3;
	s6 =	simm.s32 @!p1 $0x1082;
	[sflag:s4] =	ssyncset.s32 $0xFFFFF086  }
0x25: {  	[simem:s6], [sflag:s4] =	dma.local [hbm:s3], $0xF7A  }
0x26: {  	[smem:$0x3FA0] =	sst s1;
	(tag) =	ssettag s2;
	_ =	strace s9  }
0x27: {  	s1 =	sld [smem:$0x3FB0]  }
0x28: {  	s2 =	sld [smem:$0x3FB1]  }
0x29: {  	s4 =	sld [smem:$0x3FB3]  }
0x2a: {  	p0 =	seq.s32 s5, $0x0;
	s5 =	sld [smem:$0x3FB4]  }
0x2b: {  	s6 =	sld [smem:$0x3FB5]  }
0x2c: {  	s7 =	sld [smem:$0x3FB6]  }
0x2d: {  	s3 =	simm.s32 $0x108;
	s8 =	sld [smem:$0x3FB7]  }
0x2e: {  	s3 =	simm.s32 @!p0 $0x1082;
	s9 =	sld [smem:$0x3FB8]  }
0x2f: {  	lr =	sadd.s32 s0, s3;
	s0 =	sld [smem:$0x3FAF]  }
0x30: {  	s3 =	sld [smem:$0x3FB2]  }
0x31: {  	[smem:$0x3FBB] =	sst s10  }
0x32: {  	s10 =	sld [smem:$0x3FB9];
	_ =	sdelay $0x3  }
0x33: {  	p0 =	seq.s32 s10, $0x1;
	s10 =	sld [smem:$0x3FBB];
	_ =	sdelay $0x3  }
0x34: {  	[smem:$0x3FBB] =	sst s10  }
0x35: {  	s10 =	sld [smem:$0x3FBA];
	_ =	sdelay $0x3  }
0x36: {  	p1 =	seq.s32 s10, $0x1;
	s10 =	sld [smem:$0x3FBB];
	_ =	sdelay $0x3  }
0x37: {  	[smem:$0x3FBB] =	sst s10  }
0x38: {  	s10 =	sld [smem:$0x3FBC]  }
0x39: {  	_ = 	snop;
	(pc) =	sbr.ind lr, $3  }
0x3a: {  	_ = 	snop  }
0x3b: {  	_ = 	snop  }
0x3c: {  	p2 =	seq.s32 s10, $0x1;
	s10 =	sld [smem:$0x3FBB]  }
0x3d: {  	_ =	shalt  }
0x3e: {  	_ =	shalt  }
0x3f: {  	_ =	shalt  }
0x40: {  	_ =	shalt  }
0x41: {  	_ =	shalt  }
0x42: {  	_ =	shalt  }
0x43: {  	_ =	shalt  }
0x44: {  	_ =	shalt  }
0x45: {  	_ =	shalt  }
0x46: {  	_ =	shalt  }
0x47: {  	_ =	shalt  }
0x48: {  	_ =	shalt  }
0x49: {  	_ =	shalt  }
0x4a: {  	_ =	shalt  }
0x4b: {  	_ =	shalt  }
0x4c: {  	_ =	shalt  }
0x4d: {  	_ =	shalt  }
0x4e: {  	_ =	shalt  }
0x4f: {  	_ =	shalt  }
0x50: {  	_ =	shalt  }
0x51: {  	_ =	shalt  }
0x52: {  	_ =	shalt  }
0x53: {  	_ =	shalt  }
0x54: {  	_ =	shalt  }
0x55: {  	_ =	shalt  }
0x56: {  	_ =	shalt  }
0x57: {  	_ =	shalt  }
0x58: {  	_ =	shalt  }
0x59: {  	_ =	shalt  }
0x5a: {  	_ =	shalt  }
0x5b: {  	_ =	shalt  }
0x5c: {  	_ =	shalt  }
0x5d: {  	_ =	shalt  }
0x5e: {  	_ =	shalt  }
0x5f: {  	_ =	shalt  }
0x60: {  	_ =	shalt  }
0x61: {  	_ =	shalt  }
0x62: {  	_ =	shalt  }
0x63: {  	_ =	shalt  }
0x64: {  	_ =	shalt  }
0x65: {  	_ =	shalt  }
0x66: {  	_ =	shalt  }
0x67: {  	_ =	shalt  }
0x68: {  	_ =	shalt  }
0x69: {  	_ =	shalt  }
0x6a: {  	_ =	shalt  }
0x6b: {  	_ =	shalt  }
0x6c: {  	_ =	shalt  }
0x6d: {  	_ =	shalt  }
0x6e: {  	_ =	shalt  }
0x6f: {  	_ =	shalt  }
0x70: {  	_ =	shalt  }
0x71: {  	_ =	shalt  }
0x72: {  	_ =	shalt  }
0x73: {  	_ =	shalt  }
0x74: {  	_ =	shalt  }
0x75: {  	_ =	shalt  }
0x76: {  	_ =	shalt  }
0x77: {  	_ =	shalt  }
0x78: {  	_ =	shalt  }
0x79: {  	_ =	shalt  }
0x7a: {  	_ =	shalt  }
0x7b: {  	_ =	shalt  }
0x7c: {  	_ =	shalt  }
0x7d: {  	_ =	shalt  }
0x7e: {  	_ =	shalt  }
0x7f: {  	_ =	shalt  }
0x80: {  	_ =	shalt  }
0x81: {  	_ =	shalt  }
0x82: {  	_ =	shalt  }
0x83: {  	_ =	shalt  }
0x84: {  	_ =	shalt  }
0x85: {  	_ =	shalt  }
0x86: {  	_ =	shalt  }
0x87: {  	_ =	shalt  }
.Lfunc_end0:
.L_simem_size_0:
called_computation.1_lowered:
.L_overlay_start_0:
0x88: {  	s2 =	sld [smem:$0x3FD9]  }
0x89: {  	s3 =	sld [smem:$0x3FFE];
	_ =	sdelay $0x1  }
0x8a: {  	s1 =	srdreg.scid  }
0x8b: {  	s0 =	sand.u32 $0x1, s1  }
0x8c: {  	s17 =	sshll.u32 s0, $0xA;
	s2 =	sadd.s32 s3, s2  }
0x8d: {  	s2 =	sadd.s32 s2, s17  }
0x8e: {  	[smem:$0x3FC7] =	sst s2  }
0x8f: {  	_ = 	snop  }
0x90: {  	s2 =	sld [smem:$0x3FD0];
	(tm) =	ssettm $0x1  }
0x91: {  	s18 =	sld [smem:$0x3FFB];
	_ =	sdelay $0x3  }
0x92: {  	_ =	strace s18  }
0x93: {  	s3 =	sld [smem:$0x3FFC];
	_ =	sdelay $0x3  }
0x94: {  	_ =	strace s3  }
0x95: {  	s3 =	sld [smem:$0x3FFD];
	_ =	sdelay $0x3  }
0x96: {  	_ =	strace s3  }
0x97: {  	_ =	strace $0x8FFFFFFF  }
0x98: {  	s19 =	sld [smem:$0x3FDB];
	_ =	sdelay $0x1  }
0x99: {  	s4 =	simm.s32 $_scs_section_size  }
0x9a: {  	s5 =	simm.s32 $_size__tile_overlayer_lowered;
	s6 =	simm.s32 $_tile_overlayer_lowered  }
0x9b: {  	s22 =	simm.s32 $0x1BFF;
	s21 =	sshll.u32 s6, $0x1;
	s3 =	sadd.s32 s4, s19  }
0x9c: {  	s7 =	simm.s32 $0x0;
	s20 =	sshll.u32 s5, $0x1;
	s5 =	sadd.s32 s21, s3  }
0x9d: {  	[timem:s7], [sflag:s22] =	dma.local [hbm:s5], s20  }
0x9e: {  	_ =	swait.ge [sflag:s22], s20  }
0x9f: {  	s4 =	ssub.s32 $0x0, s20;
	[sflag:s22] =	ssyncset.done $0x0  }
0xa0: {  	[sflag:s22] =	ssyncadd.s32 s4;
	_ =	sdelay $0x1  }
0xa1: {  	s23 =	simm.s32 $0x1B8B  }
0xa2: {  	_ =	swait.ge [sflag:s23], $0x1  }
0xa3: {  	[sflag:s23] =	ssyncset.done $0x0  }
0xa4: {  	s25 =	simm.s32 $0x1B8E;
	s24 =	sld [smem:$0x3FFE];
	[sflag:s23] =	ssyncadd.s32 $0xFFFFFFFF  }
0xa5: {  	s26 =	simm.s32 $execute0_lowered;
	[smem:$0x3FD2] =	sst s25  }
0xa6: {  	s5 =	sshll.u32 s26, $0x1;
	_ =	strace $0x80000049;
	[dreg:$0x1] =	wrdreg $0xFFFFFFFF  }
0xa7: {  	s28 =	simm.s32 $_size_execute0_lowered;
	s3 =	sadd.s32 s3, s5;
	[dreg:$0x0] =	wrdreg $0x0  }
0xa8: {  	s5 =	sshll.u32 s28, $0x1;
	[dreg:$0x2] =	wrdreg s3  }
0xa9: {  	[dreg:$0x3] =	wrdreg s5  }
0xaa: {  	[dreg:$0x4] =	wrdreg $0xC0  }
0xab: {  	_ =	task [dreg:s7], $0x5FFFF  }
0xac: {  	[dreg:$0x1] =	wrdreg $0xFFFFFFFF  }
0xad: {  	[dreg:$0x0] =	wrdreg $0x60  }
0xae: {  	[dreg:$0x2] =	wrdreg s24  }
0xaf: {  	[dreg:$0x3] =	wrdreg s2  }
0xb0: {  	[dreg:$0x4] =	wrdreg $0x9  }
0xb1: {  	_ =	task.clear_ibuf [dreg:s7], $0x5FFFF;
	_ =	strace $0x90000049  }
0xb2: {  	s29 =	simm.s32 $0x9;
	_ =	strace $0x8000004B  }
0xb3: {  	_ =	swait.ge [sflag:s29], $0x1  }
0xb4: {  	[sflag:s29] =	ssyncadd.s32 $0xFFFFFFFF  }
0xb5: {  	_ =	strace $0x9000004B  }
0xb6: {  	_ =	sfence  }
0xb7: {  	s30 =	sld [smem:$0x0];
	_ =	sdelay $0x2  }
0xb8: {  	s31 =	sshll.u32 s1, $0xD;
	s1 =	sshrl.u32 s1, $0x2  }
0xb9: {  	s3 =	sand.u32 $0x4000, s31;
	s1 =	sadd.s32 s1, s30  }
0xba: {  	s0 =	sor.u32 s3, s0;
	s1 =	sshll.u32 s1, $0x11  }
0xbb: {  	s0 =	sor.u32 s1, s0  }
0xbc: {  	s0 =	sadd.s32 $0x8F2B, s0  }
0xbd: {  	[sflag:s0] =	ssyncadd.remote.s32 $0x1  }
0xbe: {  	_ =	sfence.sel $0xFFFF  }
0xbf: {  	[dreg:$0x0] =	wrdreg $0xFFFFFFFF;
	(pc) =	sbr.abs _section_cstart, $3  }
0xc0: {  	[dreg:$0x1] =	wrdreg $0xFFFFFFFF  }
0xc1: {  	_ =	task.clear_ibuf [dreg:s7], $0x2FFFF;
	_ =	strace $0x9FFFFFFF  }
0xc2: {  	(tm) =	ssettm $0x7FFFFFFF  }
0xc3: {  	_ =	shalt  }
tec
execute0_lowered:
.L_overlay_start_1:
0x0: {  	(tag) =	ssettag $0x1  }
0x1: {  	s1 =	rddreg [dreg:$0x0]  }
0x2: {  	s5 =	rddreg [dreg:$0x1];
	s2 =	simm.s32 $0x0  }
0x3: {  	[smem:$0x7FF] =	sst s2  }
0x4: {  	s0 =	rddreg [dreg:$0x2];
	v0 =	vimm.f32 $2.000000000e+00;
	_ =	strace $0x8000004A  }
0x5: {  	(erf) = vrcp.f32 v0;
	_ =	sdelay $0x2  }
0x6: {  	s3 =	stileid.u32  }
0x7: {  	p0 =	sgt.u32 s3, $0x1  }
.Ltmp0:
0x8: {  	_ = 	snop;
	(pc) =	sbr.rel @p0 .LBB2_29-.Ltmp0, $2  }
0x9: {  	_ =	sdelay $0x2  }
0xa: {  	v0 =	vpop (erf)  }
0xb: {  	v1 =	vimm.f32 $0.0e+00  }
0xc: {  	v2 =	vimm.f32 $+Inf;
	v3 =	vimm.f32 $-Inf;
	v4 =	vimm.s32 $0xFEDCBA98  }
0xd: {  	vm0 =	vcmask $0x1714;
	v5 =	vimm.s32 $0x76543210;
	v9 =	vimm.s32 $0xBA987654  }
0xe: {  	v10 =	vimm.s32 $0x10FEDCBA;
	v11 =	vimm.s32 $0x98765432;
	vm1 =	vmmov $0x1f  }
0xf: {  	v12 =	vimm.f32 $1.000000000e+01;
	vm4 =	vcmask $0x300;
	vm5 =	vcmask $0x704  }
0x10: {  	vm6 =	vcmask $0xB08;
	vm7 =	vcmask $0xF0C;
	vm8 =	vcmask $0x1310  }
0x11: {  	vm9 =	vcmask $0x1B18;
	vm2 =	vcmask $0x1F1C;
	vm3 =	vcmask $0x2320  }
0x12: {  	vm10 =	vcmask $0x2724;
	vm11 =	vcmask $0x2B28;
	vm12 =	vcmask $0x2F2C  }
0x13: {  	vm13 =	vcmask $0x3330;
	vm14 =	vcmask $0x3734;
	vm15 =	vcmask $0x3B38  }
0x14: {  	v13 =	vimm.f32 $5.800000000e+01;
	v14 =	vimm.f32 $7.400000000e+01;
	v15 =	vimm.f32 $9.000000000e+01  }
0x15: {  	v16 =	vimm.s32 $0x0;
	v17 =	vimm.s32 $0x1;
	v18 =	vimm.s32 $0x2  }
0x16: {  	v19 =	vimm.s32 $0x3;
	v6 =	vunpack.c.l.s4.s8 v4;
	v4 =	vimm.s32 $0x4  }
0x17: {  	v7 =	vunpack.c.l.s4.s8 v5;
	v5 =	vimm.s32 $0x3210FEDC;
	v9 =	vunpack.c.l.s4.s8 v9  }
0x18: {  	v10 =	vunpack.c.l.s4.s8 v10;
	v12 =	vsel vm4, $0xC0A00000, v12;
	v13 =	vsel vm4, $0x422C0000, v13  }
0x19: {  	v14 =	vsel vm4, $0x426C0000, v14;
	v15 =	vsel vm4, $0x42960000, v15;
	v8 =	vunpack.c.l.s4.s8 v5  }
0x1a: {  	v5 =	vimm.s32 $0x5;
	v12 =	vsel vm5, $0xC0800000, v12;
	v13 =	vsel vm5, $0x42300000, v13  }
0x1b: {  	v14 =	vsel vm5, $0x42700000, v14;
	v15 =	vsel vm5, $0x42980000, v15;
	v6 =	vunpack.c.0.s8.s32 v6  }
0x1c: {  	v7 =	vunpack.c.0.s8.s32 v7;
	v9 =	vunpack.c.0.s8.s32 v9;
	v13 =	vsel vm6, $0x42340000, v13  }
0x1d: {  	v14 =	vsel vm6, $0x42740000, v14;
	v15 =	vsel vm6, $0x429A0000, v15;
	v8 =	vunpack.c.0.s8.s32 v8  }
0x1e: {  	v13 =	vsel vm7, $0x42380000, v13;
	v14 =	vsel vm7, $0x42780000, v14;
	v15 =	vsel vm7, $0x429C0000, v15  }
0x1f: {  	v6 =	vand.u32 $0xF, v6;
	v13 =	vsel vm8, $0x423C0000, v13;
	v14 =	vsel vm8, $0x427C0000, v14  }
0x20: {  	v15 =	vsel vm8, $0x429E0000, v15;
	v6 =	vcombine.low v6, v7;
	v7 =	vunpack.c.l.s4.s8 v11  }
0x21: {  	v8 =	vcombine.low v9, v8;
	v9 =	vunpack.c.0.s8.s32 v10;
	v10 =	vimm.s32 $0xFEDCBA9  }
0x22: {  	v11 =	vimm.s32 $0x87654321;
	v13 =	vsel vm0, $0x42400000, v13;
	v14 =	vsel vm0, $0x42800000, v14  }
0x23: {  	v15 =	vsel vm0, $0x42A00000, v15;
	v10 =	vunpack.c.l.s4.s8 v10;
	v11 =	vunpack.c.l.s4.s8 v11  }
0x24: {  	v13 =	vsel vm9, $0x42440000, v13;
	v14 =	vsel vm9, $0x42820000, v14;
	v15 =	vsel vm9, $0x42A20000, v15  }
0x25: {  	v7 =	vunpack.c.0.s8.s32 v7;
	v13 =	vsel vm2, $0x42480000, v13;
	v14 =	vsel vm2, $0x42840000, v14  }
0x26: {  	v15 =	vsel vm2, $0x42A40000, v15;
	v10 =	vunpack.c.0.s8.s32 v10;
	v11 =	vunpack.c.0.s8.s32 v11  }
0x27: {  	v13 =	vsel vm3, $0x424C0000, v13;
	v14 =	vsel vm3, $0x42860000, v14;
	v15 =	vsel vm3, $0x42A60000, v15  }
0x28: {  	v9 =	vcombine.low v7, v9;
	v7 =	vsel vm6, $0xC0400000, v12;
	v12 =	vimm.f32 $4.200000000e+01  }
0x29: {  	v13 =	vsel vm10, $0x42500000, v13;
	v14 =	vsel vm10, $0x42880000, v14;
	v15 =	vsel vm10, $0x42A80000, v15  }
0x2a: {  	v10 =	vcombine.low v11, v10;
	v11 =	vsel vm7, $0xC0000000, v7;
	v7 =	vand.u32 $0xF, v8  }
0x2b: {  	v12 =	vsel vm4, $0x41D80000, v12;
	v13 =	vsel vm11, $0x42540000, v13;
	v14 =	vsel vm11, $0x428A0000, v14  }
0x2c: {  	v15 =	vsel vm11, $0x42AA0000, v15;
	v8 =	vand.u32 $0xF, v9;
	v11 =	vsel vm8, $0xBF800000, v11  }
0x2d: {  	v12 =	vsel vm5, $0x41E00000, v12;
	v13 =	vsel vm12, $0x42580000, v13;
	v14 =	vsel vm12, $0x428C0000, v14  }
0x2e: {  	v15 =	vsel vm12, $0x42AC0000, v15;
	v9 =	vand.u32 $0xF, v10;
	v10 =	vsel vm0, $0x0, v11  }
0x2f: {  	v11 =	vimm.f32 $2.600000000e+01;
	v12 =	vsel vm6, $0x41E80000, v12;
	v13 =	vsel vm13, $0x425C0000, v13  }
0x30: {  	v14 =	vsel vm13, $0x428E0000, v14;
	v15 =	vsel vm13, $0x42AE0000, v15;
	v11 =	vsel vm4, $0x41300000, v11  }
0x31: {  	v10 =	vsel vm9, $0x3F800000, v10;
	v12 =	vsel vm7, $0x41F00000, v12;
	v11 =	vsel vm5, $0x41400000, v11  }
0x32: {  	v13 =	vsel vm14, $0x42600000, v13;
	v14 =	vsel vm14, $0x42900000, v14;
	v11 =	vsel vm6, $0x41500000, v11  }
0x33: {  	v15 =	vsel vm14, $0x42B00000, v15;
	v10 =	vsel vm2, $0x40000000, v10;
	v11 =	vsel vm7, $0x41600000, v11  }
0x34: {  	v12 =	vsel vm8, $0x41F80000, v12;
	v13 =	vsel vm15, $0x42640000, v13;
	v11 =	vsel vm8, $0x41700000, v11  }
0x35: {  	v14 =	vsel vm15, $0x42920000, v14;
	v12 =	vsel vm0, $0x42000000, v12;
	v11 =	vsel vm0, $0x41800000, v11  }
0x36: {  	v15 =	vsel vm15, $0x42B20000, v15;
	v12 =	vsel vm9, $0x42040000, v12;
	v11 =	vsel vm9, $0x41880000, v11  }
0x37: {  	v10 =	vsel vm3, $0x40400000, v10;
	v12 =	vsel vm2, $0x42080000, v12;
	v11 =	vsel vm2, $0x41900000, v11  }
0x38: {  	s4 =	srdreg.scid;
	s6 =	sshll.u32 s3, $0x1;
	v10 =	vsel vm10, $0x40800000, v10;
	v12 =	vsel vm3, $0x420C0000, v12;
	v11 =	vsel vm3, $0x41980000, v11  }
0x39: {  	s9 =	simm.s32 $0x400;
	s10 =	simm.s32 $0x1;
	s4 =	sand.u32 $0x1, s4;
	v10 =	vsel vm11, $0x40A00000, v10;
	v12 =	vsel vm10, $0x42100000, v12;
	v11 =	vsel vm10, $0x41A00000, v11  }
.Ltmp1:
0x3a: {  	s6 =	sor.u32 s4, s6;
	s4 =	ssub.s32 $0x2, s4;
	v10 =	vsel vm12, $0x40C00000, v10;
	v12 =	vsel vm11, $0x42140000, v12;
	v11 =	vsel vm11, $0x41A80000, v11;
	(pc) =	sbr.rel .LBB2_2-.Ltmp1, $4  }
0x3b: {  	s11 =	simm.s32 $0xC9F0;
	s7 =	smul.u32 $0x260, s6;
	s8 =	sshrl.u32 s4, $0x1;
	v10 =	vsel vm13, $0x40E00000, v10;
	v12 =	vsel vm12, $0x42180000, v12;
	v11 =	vsel vm12, $0x41B00000, v11  }
0x3c: {  	s12 =	simm.s32 $0x0;
	s6 =	sshll.u32 s6, $0x7;
	s8 =	ssub.s32 s4, s8;
	v10 =	vsel vm14, $0x41000000, v10;
	v12 =	vsel vm13, $0x421C0000, v12;
	v11 =	vsel vm13, $0x41B80000, v11  }
0x3d: {  	s5 =	sadd.s32 s5, s6;
	s7 =	sadd.s32 s7, s1;
	s6 =	smax.u32 s8, $0x1;
	vm2 =	vmxor vm2, vm2;
	v12 =	vsel vm14, $0x42200000, v12;
	v11 =	vsel vm14, $0x41C00000, v11  }
0x3e: {  	s8 =	simm.s32 $0x200;
	s4 =	sadd.s32 $0xEA600, s7;
	s7 =	simm.s32 $0x2;
	v10 =	vsel vm15, $0x41100000, v10;
	v12 =	vsel vm15, $0x42240000, v12;
	v11 =	vsel vm15, $0x41C80000, v11  }
.LBB2_28:
0x3f: {  	s13 =	scvt.s32.f32 s14  }
0x40: {  	s12 =	sadd.s32 $0x1, s12  }
0x41: {  	p0 =	sne.s32 s12, s6;
	v20 =	vmov s13  }
.Ltmp2:
0x42: {  	[tilespmem:$0xDCB0] =	vst v20;
	(pc) =	sbr.rel @!p0 .LBB2_29-.Ltmp2, $4  }
0x43: {  	[hbm4b:s4+s2] =	stream.linear.scatter [tilespmem:s11], [sflag:$0x2], $0x1300, $0x38;
	[tilespmem:$0xDCF0] =	vst v63  }
0x44: {  	_ =	swait.ge [sflag:s7], $0x1300  }
0x45: {  	[sflag:s7] =	ssyncset.done $0x0  }
0x46: {  	[sflag:s7] =	ssyncadd.s32 $0xFFFFED00  }
.LBB2_2:
0x47: {  	s13 =	simm.s32 $0x0  }
0x48: {  	[tilespmem:s13], [sflag:$0x2] =	stream.linear.gather [hbm4b:s5+s13], $0x400, $0x38;
	[tilespmem:$0xDCF0] =	vst v63  }
0x49: {  	_ =	swait.ge [sflag:s7], $0x400  }
0x4a: {  	[sflag:s7] =	ssyncset.done $0x0  }
0x4b: {  	s14 =	simm.s32 $0x0;
	s13 =	simm.s32 $0x40;
	[sflag:s7] =	ssyncadd.s32 $0xFFFFFC00  }
.LBB2_3:
0x4c: {  	p0 =	sne.s32 s13, $0x4BC0;
	[tilespmem:s14+$0xC9F0] =	vst v1;
	s14 =	smov.u32 s13;
	s13 =	sadd.s32 $0x40, s13  }
.Ltmp3:
0x4d: {  	(pc) =	sbr.rel @p0 .LBB2_3-.Ltmp3, $2  }
0x4e: {  	_ =	sdelay $0x2  }
0x4f: {  	s14 =	sshra.s32 s14, $0x2  }
0x50: {  	[tilespmem:s14+$0xC9F0] =	vst v1;
	s14 =	simm.s32 $0x40;
	s13 =	simm.s32 $0x0  }
.LBB2_5:
0x51: {  	p0 =	sne.s32 s14, $0x480;
	[tilespmem:s13+$0xC8C0] =	vst v1;
	s15 =	smov.u32 s14;
	s14 =	sadd.s32 $0x40, s14  }
.Ltmp4:
0x52: {  	[tilespmem:s13+$0xC790] =	vst v3;
	(pc) =	sbr.rel @p0 .LBB2_5-.Ltmp4, $4  }
0x53: {  	[tilespmem:s13+$0xC660] =	vst v3  }
0x54: {  	[tilespmem:s13+$0xC400] =	vst v2  }
0x55: {  	[tilespmem:s13+$0xC530] =	vst v2  }
0x56: {  	s13 =	sshra.s32 s15, $0x2  }
.Ltmp5:
0x57: {  	[tilespmem:s13+$0xC8C0] =	vst v1;
	(pc) =	sbr.rel .LBB2_7-.Ltmp5, $4  }
0x58: {  	[tilespmem:s13+$0xC790] =	vst v3  }
0x59: {  	[tilespmem:s13+$0xC660] =	vst v3;
	s15 =	simm.s32 $0x0  }
0x5a: {  	[tilespmem:s13+$0xC400] =	vst v2;
	s14 =	simm.s32 $0x1;
	[smem:$0x0] =	sst s15  }
0x5b: {  	[tilespmem:s13+$0xC530] =	vst v2;
	p1 =	por $0x1, $0x1;
	s16 =	simm.s32 $0x1;
	[smem:$0x8] =	sst s14  }
.LBB2_8:
0x5c: {  	s16 =	simm.s32 $0x0  }
.LBB2_27:
.Ltmp6:
0x5d: {  	(pc) =	sbr.rel @!p0 .LBB2_28-.Ltmp6, $2  }
0x5e: {  	_ =	sdelay $0x2  }
0x5f: {  	s15 =	simm.s32 $0x800;
	p1 =	por $0x0, $0x0  }
.LBB2_7:
0x60: {  	p2 =	sne.s32 s16, $0x1  }
.Ltmp7:
0x61: {  	_ = 	snop;
	(pc) =	sbr.rel @p2 .LBB2_8-.Ltmp7, $2  }
0x62: {  	_ =	sdelay $0x2  }
0x63: {  	p0 =	por p1, p1  }
.Ltmp8:
0x64: {  	s13 =	sshra.s32 s15, $0x2;
	(pc) =	sbr.rel .LBB2_10-.Ltmp8, $4  }
0x65: {  	[tilespmem:s9], [sflag:$0x1] =	stream.indirect.gather [hbm4b:s1+s8], $0x60, s13, s8, $0xb8;
	[tilespmem:$0xDCF0] =	vst v63  }
0x66: {  	_ =	swait.ge [sflag:s10], $0xC000  }
0x67: {  	[sflag:s10] =	ssyncset.done $0x0  }
0x68: {  	s13 =	simm.s32 $0x0;
	[sflag:s10] =	ssyncadd.s32 $0xFFFF4000  }
.LBB2_13:
0x69: {  	v38 =	vmovc v34;
	v41 =	vmov v33;
	vm3 =	vmmov vm2;
	v40 =	vmov v32  }
.LBB2_24:
0x6a: {  	v42 =	vmul.f32 @p1 v44, v42;
	v38 =	vmax.f32 v30, v38  }
0x6b: {  	v41 =	vmax.f32 v29, v41;
	v43 =	vmin.f32 v27, v43;
	v31 =	vmin.f32 v24, v31  }
0x6c: {  	v38 =	vsub.f32 v43, v38;
	v31 =	vsub.f32 v31, v41  }
0x6d: {  	v35 =	vsub.f32 @p1 v35, v42  }
0x6e: {  	v40 =	vadd.f32 v40, v28;
	v38 =	vmax.f32 v38, $0.0e+00;
	v31 =	vmax.f32 v31, $0.0e+00  }
0x6f: {  	(erf) = vrcp.f32 @p2 v37;
	v35 =	vadd.f32 @p1 $9.999999710e-10, v35;
	v31 =	vmul.f32 v31, v38;
	_ =	sdelay $0x1  }
0x70: {  	v35 =	vpsel p1, v35, v36;
	v61 =	vsub.f32 v40, v31  }
0x71: {  	(erf) = vrcp.f32 @p1 v35  }
0x72: {  	v62 =	vadd.f32 $9.999999710e-10, v61;
	_ =	sdelay $0x1  }
0x73: {  	v35 =	vpop @p3 (erf);
	(erf) = vrcp.f32 v62  }
0x74: {  	v35 =	vmul.f32 @p3 v35, v45;
	_ =	sdelay $0x1  }
0x75: {  	vm4 =	vgt.f32 @p4 v39, $4.499999880e-01;
	v32 =	vpsel p2, v34, v32;
	v37 =	vpop @p2 (erf);
	v34 =	vpsel p3, v35, v0  }
0x76: {  	vm3 =	vmor @p4 vm3, vm4;
	vm4 =	vmmov vm2;
	v36 =	vmovc @p1 v42;
	v32 =	vmul.f32 @p2 v37, v32  }
0x77: {  	vm4 =	vmmov @p4 vm3;
	v33 =	vpsel p1, v36, v33  }
0x78: {  	v33 =	vpsel p1, v33, v0;
	vm3 =	vgt.f32 @p3 v34, $4.499999880e-01;
	v32 =	vpsel p2, v32, v0;
	v34 =	vpop @p1 (erf)  }
0x79: {  	vm3 =	vmor @p3 vm4, vm3;
	vm4 =	vmmov vm2;
	v33 =	vmul.f32 @p1 v34, v33  }
0x7a: {  	vm4 =	vmmov @p3 vm3;
	vm3 =	vgt.f32 @p2 v32, $4.499999880e-01  }
0x7b: {  	vm3 =	vmor @p2 vm4, vm3;
	vm4 =	vmmov vm2;
	v32 =	vpsel p1, v33, v0;
	v63 =	vpop (erf)  }
0x7c: {  	vm4 =	vmmov @p2 vm3;
	vm3 =	vgt.f32 @p1 v32, $4.499999880e-01;
	v31 =	vmul.f32 v63, v31  }
0x7d: {  	vm3 =	vmor @p1 vm4, vm3;
	vm4 =	vmmov vm2  }
0x7e: {  	vm4 =	vmmov @p1 vm3;
	vm3 =	vgt.f32 v31, $4.499999880e-01  }
0x7f: {  	vm3 =	vmor vm4, vm3  }
0x80: {  	v31 =	vsel vm3, $0x3F800000, v1  }
.LBB2_25:
0x81: {  	(xrf0) =	vmax.scan.msk.f32 $0xffff, v31;
	_ =	sdelay $0x5  }
0x82: {  	v31, _, _ =	vpop (xrf0)  }
0x83: {  	(v2sf) =	vpush v31, $0xF;
	_ =	sdelay $0xe  }
0x84: {  	s16 =	spop (v2sf)  }
0x85: {  	p1 =	sgt.f32 s16, $0.0e+00  }
0x86: {  	p2 =	sgt.f32 s15, $0.0e+00  }
0x87: {  	p1 =	por !p1, !p1  }
0x88: {  	p1 =	por !p2, !p1  }
0x89: {  	p1 =	por !p1, !p1  }
0x8a: {  	v31 =	vmov @p1 s14;
	_ =	sdelay $0x2  }
0x8b: {  	v20 =	vperm.xlane v20, v5;
	s15 =	simm.s32 $0x1;
	vm3 =	vcmask @p1 $0x3F18  }
0x8c: {  	s16 =	simm.s32 @p1 $0xC400;
	s15 =	simm.s32 @!p1 $0x0;
	v26 =	vsel @p1 vm3, $0x0, v26;
	vm3 =	vcmask @p1 $0x3F14  }
0x8d: {  	s15 =	sadd.s32 s15, s14;
	v20 =	vsel @p1 vm3, v26, v20;
	vm3 =	vcmask @p1 $0x3F10;
	[tilespmem:v31+s16+$0x0] =	vst.idx.msk @p1 $0x1, v30;
	s16 =	simm.s32 @p1 $0xC530  }
0x8e: {  	p3 =	slt.s32 s15, $0x12C;
	v20 =	vsel @p1 vm3, v20, v25;
	vm3 =	vcmask @p1 $0x3F0C;
	[tilespmem:v31+s16+$0x0] =	vst.idx.msk @p1 $0x1, v29;
	s16 =	simm.s32 @p1 $0xC660  }
0x8f: {  	s17 =	simm.s32 @p1 $0xC8C0;
	p2 =	por !p2, !p3;
	v20 =	vsel @p1 vm3, v20, v23;
	vm3 =	vcmask @p1 $0x3F08;
	[tilespmem:v31+s16+$0x0] =	vst.idx.msk @p1 $0x1, v27;
	s16 =	simm.s32 @p1 $0xC790  }
0x90: {  	vm4 =	vmmov @p1 $0x1;
	p2 =	por !p2, !p2;
	v20 =	vsel @p1 vm3, v20, v22;
	[tilespmem:v31+s16+$0x0] =	vst.idx.msk @p1 $0x1, v24;
	s16 =	sshll.u32 @p1 s14, $0x6;
	s14 =	simm.s32 $0x1  }
0x91: {  	[smem:$0x0] =	sst s15;
	v20 =	vsel @p1 vm4, v21, v20;
	[tilespmem:v31+s17+$0x0] =	vst.idx.msk @p1 $0x1, v28;
	s15 =	sshra.s32 @p1 s16, $0x2;
	s14 =	simm.s32 @!p2 $0x0  }
0x92: {  	[tilespmem:s15+$0xC9F0] =	vst @p1 v20;
	[smem:$0x8] =	sst s14  }
.LBB2_26:
0x93: {  	s13 =	sadd.s32 $0x1, s13  }
0x94: {  	p1 =	sne.s32 s13, $0x200  }
.Ltmp9:
0x95: {  	_ = 	snop;
	(pc) =	sbr.rel @!p1 .LBB2_27-.Ltmp9, $2  }
0x96: {  	_ =	sdelay $0x2  }
0x97: {  	s16 =	smov.u32 s14  }
.LBB2_10:
0x98: {  	p1 =	sne.s32 s14, $0x1  }
.Ltmp10:
0x99: {  	_ = 	snop;
	(pc) =	sbr.rel @p1 .LBB2_26-.Ltmp10, $2  }
0x9a: {  	_ =	sdelay $0x2  }
0x9b: {  	s14 =	simm.s32 $0x0  }
0x9c: {  	s14 =	smul.u32 $0x180, s13;
	_ =	sdelay $0x1  }
0x9d: {  	s14 =	sshra.s32 s14, $0x2  }
0x9e: {  	v21 =	vld [tilespmem:s14+$0x400];
	_ =	sdelay $0x1  }
0x9f: {  	v22 =	vld [tilespmem:s14+$0x410]  }
0xa0: {  	v23 =	vld [tilespmem:s14+$0x420]  }
0xa1: {  	v24 =	vld [tilespmem:s14+$0x430]  }
0xa2: {  	v25 =	vld [tilespmem:s14+$0x440];
	v26 =	vperm.xlane v21, v4  }
0xa3: {  	v20 =	vld [tilespmem:s14+$0x450]  }
0xa4: {  	v27 =	vmul.f32 v26, v21  }
0xa5: {  	v22 =	vmul.f32 v26, v22  }
0xa6: {  	v23 =	vmul.f32 v26, v23;
	v27 =	vsel vm1, $0xFF800000, v27  }
0xa7: {  	v24 =	vmul.f32 v26, v24;
	v28 =	vmax.f32 v27, v22  }
0xa8: {  	v25 =	vmul.f32 v26, v25;
	v26 =	vmul.f32 v26, v20;
	v28 =	vmax.f32 v28, v23  }
0xa9: {  	v28 =	vmax.f32 v28, v24  }
0xaa: {  	v26 =	vnsel vm1, $0xFF800000, v26;
	v28 =	vmax.f32 v28, v25  }
0xab: {  	v28 =	vmax.f32 v28, v26  }
0xac: {  	v29 =	vperm.xlane v28, v6;
	_ =	sdelay $0x1  }
0xad: {  	v28 =	vmax.f32 v28, v29  }
0xae: {  	v29 =	vperm.xlane v28, v7;
	_ =	sdelay $0x1  }
0xaf: {  	v28 =	vmax.f32 v28, v29  }
0xb0: {  	v29 =	vperm.xlane v28, v8;
	_ =	sdelay $0x1  }
0xb1: {  	v28 =	vmax.f32 v28, v29  }
0xb2: {  	v29 =	vperm.xlane v28, v9;
	_ =	sdelay $0x1  }
0xb3: {  	v28 =	vmax.f32 v28, v29  }
0xb4: {  	v31 =	vimm.f32 $0.0e+00;
	vm3 =	vgt.f32 v20, $2.500000000e-01;
	vm4 =	veq.f32 v27, v28  }
0xb5: {  	vm11 =	veq.f32 v22, v28;
	v22 =	vsel vm0, $0x3F800000, v31;
	vm12 =	veq.f32 v23, v28  }
0xb6: {  	vm13 =	veq.f32 v24, v28;
	v27 =	vnsel vm4, $0x45800000, v10;
	v29 =	vnsel vm11, $0x45800000, v11  }
0xb7: {  	vm14 =	veq.f32 v25, v28;
	v23 =	vmin.f32 v27, v29;
	v27 =	vnsel vm12, $0x45800000, v12  }
0xb8: {  	v24 =	vnsel vm13, $0x45800000, v13;
	v22 =	vnsel vm3, $0x0, v22;
	v23 =	vmin.f32 v23, v27  }
0xb9: {  	vm15 =	veq.f32 v26, v28;
	(xrf0) =	vmax.scan.msk.f32 $0xffff, v22;
	v23 =	vmin.f32 v23, v24;
	v24 =	vnsel vm14, $0x45800000, v14  }
0xba: {  	v23 =	vmin.f32 v23, v24;
	v24 =	vnsel vm15, $0x45800000, v15  }
0xbb: {  	v22 =	vmin.f32 v23, v24  }
0xbc: {  	v23 =	vperm.xlane v22, v6;
	_ =	sdelay $0x1  }
0xbd: {  	v22 =	vmin.f32 v22, v23  }
0xbe: {  	v24, _, _ =	vpop (xrf0);
	v23 =	vperm.xlane v22, v7  }
0xbf: {  	s14 =	sld [smem:$0x0];
	(v2sf) =	vpush v24, $0xF  }
0xc0: {  	v22 =	vmin.f32 v22, v23  }
0xc1: {  	v23 =	vperm.xlane v22, v8  }
0xc2: {  	s15 =	sadd.s32 $0xF, s14;
	v25 =	vperm.xlane v21, v19  }
0xc3: {  	s16 =	sand.u32 $0xF, s15;
	v28 =	vperm.xlane v21, v17;
	v24 =	vperm.xlane v21, v18;
	v22 =	vmin.f32 v22, v23  }
0xc4: {  	s17 =	sshra.s32 s15, $0x1F;
	p1 =	slt.s32 s15, $0x1;
	p2 =	sne.s32 s16, $0x0;
	v25 =	vmul.f32 v25, v0;
	v23 =	vperm.xlane v22, v9  }
0xc5: {  	s31 =	sshrl.u32 s17, $0x1C;
	p1 =	por !p1, !p2;
	v27 =	vperm.xlane v21, v16;
	v24 =	vmul.f32 v24, v0  }
0xc6: {  	s16 =	simm.s32 $0x1;
	s15 =	sadd.s32 s31, s15;
	p1 =	por !p1, !p1;
	v26 =	vmin.f32 v22, v23  }
0xc7: {  	s15 =	sshra.s32 s15, $0x4;
	s16 =	simm.s32 @!p1 $0x0;
	v21 =	vsub.f32 v27, v24;
	v22 =	vsub.f32 v28, v25;
	v32 =	vmul.f32 $4.096000000e+03, v26  }
0xc8: {  	s16 =	ssub.s32 s15, s16;
	v23 =	vadd.f32 v24, v27;
	v25 =	vadd.f32 v25, v28  }
0xc9: {  	p1 =	slt.s32 s16, $0x1;
	v30 =	vadd.f32 v32, v21;
	v29 =	vadd.f32 v32, v22  }
.Ltmp11:
0xca: {  	v27 =	vadd.f32 v32, v23;
	v24 =	vadd.f32 v32, v25;
	(pc) =	sbr.rel @p1 .LBB2_25-.Ltmp11, $3  }
0xcb: {  	_ = 	snop  }
0xcc: {  	v28 =	vsub.f32 v27, v30;
	v32 =	vsub.f32 v24, v29;
	_ =	sdelay $0x1  }
0xcd: {  	s15 =	spop (v2sf);
	v28 =	vmul.f32 v32, v28  }
0xce: {  	s17 =	simm.s32 $0xC400  }
0xcf: {  	s18 =	simm.s32 $0xC530;
	v34 =	vld [tilespmem:s17+$0x0]  }
0xd0: {  	s30 =	simm.s32 $0xC660;
	v33 =	vld [tilespmem:s18+$0x0]  }
0xd1: {  	s19 =	simm.s32 $0xC8C0;
	p5 =	sne.s32 s16, $0x1;
	v43 =	vld [tilespmem:s30+$0x0]  }
.Ltmp12:
0xd2: {  	s31 =	simm.s32 $0xC790;
	v32 =	vld [tilespmem:s19+$0x0];
	(pc) =	sbr.rel @!p5 .LBB2_13-.Ltmp12, $3  }
0xd3: {  	v31 =	vld [tilespmem:s31+$0x0];
	_ =	sdelay $0x1  }
0xd4: {  	s16 =	sadd.s32 $0xFFFFFFFF, s16;
	p1 =	por $0x0, $0x0;
	p2 =	por $0x0, $0x0  }
0xd5: {  	p3 =	por $0x0, $0x0;
	p4 =	por $0x0, $0x0;
	s17 =	simm.s32 $0xC410  }
0xd6: {  	v38 =	vld [tilespmem:s17+$0x0];
	s28 =	simm.s32 $0xC540  }
0xd7: {  	s29 =	simm.s32 $0xC670;
	p5 =	sne.s32 s16, $0x1;
	v41 =	vld [tilespmem:s28+$0x0]  }
.Ltmp13:
0xd8: {  	v33 =	vmax.f32 v29, v33;
	v35 =	vmin.f32 v27, v43;
	s30 =	simm.s32 $0xC7A0;
	v31 =	vmin.f32 v24, v31;
	v43 =	vld [tilespmem:s29+$0x0];
	(pc) =	sbr.rel @!p5 .LBB2_15-.Ltmp13, $4  }
0xd9: {  	v34 =	vmax.f32 v30, v34;
	v33 =	vsub.f32 v31, v33;
	v31 =	vld [tilespmem:s30+$0x0]  }
0xda: {  	v34 =	vsub.f32 v35, v34  }
0xdb: {  	s31 =	simm.s32 $0xC8D0  }
0xdc: {  	s16 =	sadd.s32 $0xFFFFFFFF, s16;
	s17 =	simm.s32 $0xC420;
	p1 =	por $0x1, $0x1;
	v40 =	vld [tilespmem:s31+$0x0];
	v35 =	vadd.f32 v32, v28;
	v42 =	vmax.f32 v34, $0.0e+00;
	v44 =	vmax.f32 v33, $0.0e+00  }
0xdd: {  	s28 =	simm.s32 $0xC550  }
0xde: {  	v32 =	vmul.f32 v44, v42;
	v34 =	vmax.f32 v29, v41;
	s29 =	simm.s32 $0xC680;
	p5 =	sne.s32 s16, $0x1;
	v41 =	vld [tilespmem:s28+$0x0]  }
.Ltmp14:
0xdf: {  	v33 =	vmax.f32 v30, v38;
	v37 =	vmin.f32 v27, v43;
	s30 =	simm.s32 $0xC7B0;
	v31 =	vmin.f32 v24, v31;
	v43 =	vld [tilespmem:s29+$0x0];
	(pc) =	sbr.rel @!p5 .LBB2_17-.Ltmp14, $4  }
0xe0: {  	v33 =	vsub.f32 v37, v33;
	v34 =	vsub.f32 v31, v34;
	v31 =	vld [tilespmem:s30+$0x0]  }
0xe1: {  	v35 =	vsub.f32 v35, v32  }
0xe2: {  	v36 =	vld [tilespmem:s17+$0x0];
	s31 =	simm.s32 $0xC8E0;
	v42 =	vmax.f32 v33, $0.0e+00  }
0xe3: {  	s16 =	sadd.s32 $0xFFFFFFFF, s16;
	s17 =	simm.s32 $0xC430;
	p2 =	por $0x1, $0x1;
	v46 =	vld [tilespmem:s31+$0x0];
	v37 =	vadd.f32 $9.999999710e-10, v35;
	v44 =	vmax.f32 v34, $0.0e+00;
	v35 =	vadd.f32 v40, v28  }
0xe4: {  	v38 =	vld [tilespmem:s17+$0x0];
	s28 =	simm.s32 $0xC560  }
0xe5: {  	v33 =	vmul.f32 v44, v42;
	v62 =	vmax.f32 v29, v41;
	s29 =	simm.s32 $0xC690;
	p5 =	sne.s32 s16, $0x1;
	v41 =	vld [tilespmem:s28+$0x0]  }
.Ltmp15:
0xe6: {  	v39 =	vmin.f32 v27, v43;
	s30 =	simm.s32 $0xC7C0;
	v31 =	vmin.f32 v24, v31;
	v43 =	vld [tilespmem:s29+$0x0];
	(pc) =	sbr.rel @!p5 .LBB2_19-.Ltmp15, $4  }
0xe7: {  	v35 =	vsub.f32 v35, v33;
	v63 =	vsub.f32 v31, v62;
	v31 =	vld [tilespmem:s30+$0x0];
	v34 =	vmax.f32 v30, v36  }
0xe8: {  	v34 =	vsub.f32 v39, v34  }
0xe9: {  	s31 =	simm.s32 $0xC8F0;
	(erf) = vrcp.f32 v37;
	v36 =	vadd.f32 $9.999999710e-10, v35  }
0xea: {  	s20 =	sadd.s32 $0xFFFFFFFF, s16;
	s16 =	simm.s32 $0xC440;
	p3 =	por $0x1, $0x1;
	v40 =	vld [tilespmem:s31+$0x0];
	v44 =	vmax.f32 v63, $0.0e+00;
	v35 =	vadd.f32 v46, v28;
	v42 =	vmax.f32 v34, $0.0e+00  }
0xeb: {  	_ =	sdelay $0x5  }
0xec: {  	v47 =	vld [tilespmem:s16+$0x0];
	s16 =	simm.s32 $0xC570  }
0xed: {  	v34 =	vmul.f32 v44, v42;
	v61 =	vmax.f32 v29, v41;
	s17 =	simm.s32 $0xC6A0;
	p5 =	sne.s32 s20, $0x1;
	v41 =	vld [tilespmem:s16+$0x0];
	v63 =	vpop (erf);
	(erf) = vrcp.f32 v36  }
.Ltmp16:
0xee: {  	v39 =	vmin.f32 v27, v43;
	s18 =	simm.s32 $0xC7D0;
	v31 =	vmin.f32 v24, v31;
	v43 =	vld [tilespmem:s17+$0x0];
	(pc) =	sbr.rel @!p5 .LBB2_21-.Ltmp16, $4  }
0xef: {  	v37 =	vmax.f32 v30, v38;
	v35 =	vsub.f32 v35, v34;
	v38 =	vsub.f32 v31, v61;
	v31 =	vld [tilespmem:s18+$0x0]  }
0xf0: {  	v62 =	vsub.f32 v39, v37  }
0xf1: {  	s19 =	simm.s32 $0xC900;
	vm3 =	vmmov vm2;
	v37 =	vadd.f32 $9.999999710e-10, v35;
	v39 =	vmul.f32 v63, v32  }
0xf2: {  	s20 =	sadd.s32 $0xFFFFFFFF, s20;
	s21 =	simm.s32 $0xC450;
	p4 =	por $0x1, $0x1;
	v45 =	vmovc v33;
	v46 =	vld [tilespmem:s19+$0x0];
	v42 =	vmax.f32 v62, $0.0e+00;
	v44 =	vmax.f32 v38, $0.0e+00;
	v35 =	vadd.f32 v40, v28  }
.LBB2_22:
0xf3: {  	v38 =	vld [tilespmem:s21+$0x0];
	s16 =	sadd.s32 $0x10, s16;
	v40 =	vmul.f32 v44, v42;
	(erf) = vrcp.f32 v37;
	vm4 =	vgt.f32 v39, $4.499999880e-01;
	p5 =	sne.s32 s20, $0x1  }
.Ltmp17:
0xf4: {  	v37 =	vmax.f32 v30, v47;
	v47 =	vmax.f32 v29, v41;
	s17 =	sadd.s32 $0x10, s17;
	v41 =	vld [tilespmem:s16+$0x0];
	vm3 =	vmor vm3, vm4;
	(pc) =	sbr.rel @p5 .LBB2_22-.Ltmp17, $4  }
0xf5: {  	s18 =	sadd.s32 $0x10, s18;
	v42 =	vmin.f32 v27, v43;
	v43 =	vld [tilespmem:s17+$0x0];
	v44 =	vmin.f32 v24, v31;
	v35 =	vsub.f32 v35, v40  }
0xf6: {  	s20 =	sadd.s32 $0xFFFFFFFF, s20;
	v42 =	vsub.f32 v42, v37;
	v31 =	vld [tilespmem:s18+$0x0];
	v44 =	vsub.f32 v44, v47;
	v39 =	vpop (erf)  }
0xf7: {  	s19 =	sadd.s32 $0x10, s19;
	v37 =	vadd.f32 $9.999999710e-10, v35;
	v39 =	vmul.f32 v39, v45;
	v45 =	vmovc v34;
	v34 =	vmov v40  }
0xf8: {  	s21 =	sadd.s32 $0x10, s21;
	v42 =	vmax.f32 v42, $0.0e+00;
	v35 =	vadd.f32 v46, v28;
	v44 =	vmax.f32 v44, $0.0e+00;
	v46 =	vld [tilespmem:s19+$0x0];
	v47 =	vmovc v38  }
.Ltmp18:
0xf9: {  	_ = 	snop;
	(pc) =	sbr.rel .LBB2_24-.Ltmp18, $2  }
0xfa: {  	_ =	sdelay $0x2  }
0xfb: {  	v38 =	vmov v47;
	v40 =	vmov v46  }
.LBB2_15:
.Ltmp19:
0xfc: {  	(pc) =	sbr.rel .LBB2_24-.Ltmp19, $2  }
0xfd: {  	_ =	sdelay $0x2  }
0xfe: {  	vm3 =	vmmov vm2  }
.LBB2_17:
.Ltmp20:
0xff: {  	_ = 	snop;
	(pc) =	sbr.rel .LBB2_24-.Ltmp20, $2  }
0x100: {  	_ =	sdelay $0x2  }
0x101: {  	v34 =	vmovc v32;
	vm3 =	vmmov vm2;
	v38 =	vmov v36;
	v40 =	vmov v46  }
.LBB2_19:
.Ltmp21:
0x102: {  	(pc) =	sbr.rel .LBB2_24-.Ltmp21, $2  }
0x103: {  	_ =	sdelay $0x2  }
0x104: {  	v37 =	vmovc v36;
	vm3 =	vmmov vm2;
	v45 =	vmov v32;
	v34 =	vmov v33  }
.LBB2_21:
.Ltmp22:
0x105: {  	_ = 	snop;
	(pc) =	sbr.rel .LBB2_24-.Ltmp22, $2  }
0x106: {  	_ =	sdelay $0x2  }
0x107: {  	v38 =	vmovc v47;
	vm3 =	vmmov vm2;
	v45 =	vmov v33;
	v40 =	vmov v46  }
.LBB2_29:
0x108: {  	_ =	sfence.sel $0x180000  }
0x109: {  	[bflag:$0x0] =	sbarrier.arrive $0xFFFF  }
0x10a: {  	p0 =	sne.s32 s3, $0x0;
	_ =	strace $0x9000004A  }
0x10b: {  	s0 =	sadd.s32 @!p0 $0x100000, s0;
	[bflag:$0x2] =	sbarrier.arrive $0xFFFF  }
0x10c: {  	[sflag:s0] =	ssyncadd.tile.s32 @!p0 $0x1;
	_ =	shalt  }
.Lfunc_end2:
_tile_overlayer_lowered:
.L_overlay_start_2:
0x10d: {  	(tag) =	ssettag $0x2  }
0x10e: {  	s0 =	rddreg [dreg:$0x0];
	s2 =	stileid.u32  }
0x10f: {  	s1 =	rddreg [dreg:$0x1];
	p0 =	sne.s32 s2, $0x0  }
0x110: {  	s3 =	rddreg [dreg:$0x2];
	[bflag:$0x3] =	sbarrier.arrive $0xFFFF;
	s2 =	simm.s32 @!p0 $0x1C02  }
0x111: {  	[timem:s3], [sflag:s2] =	dma.local @!p0 [hbm:s0], s1  }
0x112: {  	s0 =	simm.s32 @!p0 $0x2  }
0x113: {  	_ =	swait.ge @!p0 [sflag:s0], s1  }
0x114: {  	s1 =	ssub.s32 @!p0 $0x0, s1;
	[sflag:s0] =	ssyncset.done @!p0 $0x0  }
0x115: {  	[sflag:s0] =	ssyncadd.s32 @!p0 s1  }
0x116: {  	[bflag:$0x3] =	sbarrier.arrive $0xFFFF  }
0x117: {  	_ =	shalt  }

</sc_bundles>
